<compile_context>
chip_gen: v7x
topology: tpu7x:2x2x1
jax: 0.10.2.dev20260603
libtpu: 0.0.44.dev20260713+nightly
codegen_flags: <defaults>
</compile_context>

<pallas_src>
import functools

import jax
import jax.numpy as jnp
from jax import lax
from jax.experimental import pallas as pl
from jax.experimental.pallas import tpu as pltpu
from jax.experimental.pallas import tpu_sc as plsc

_D = 32
_BATCH = 16384
_HIST = 50
_HP = 56
_NC, _NS = 2, 16
_NW = _NC * _NS
_RPW = _BATCH // _NW
_R = 16
_NG = _RPW // _R

_mesh = plsc.VectorSubcoreMesh(core_axis_name="c", subcore_axis_name="s")


@functools.partial(
    pl.kernel,
    mesh=_mesh,
    compiler_params=pltpu.CompilerParams(use_tc_tiling_on_sc=False),
    out_type=jax.ShapeDtypeStruct((_BATCH, _HIST, _D), jnp.float32),
    scratch_types=[
        pltpu.VMEM((_RPW, _HP), jnp.int32),
        pltpu.VMEM((_R, _HP, _D), jnp.float32),
        pltpu.VMEM((_R, _HP, _D), jnp.float32),
        pltpu.SemaphoreType.DMA,
        pltpu.SemaphoreType.DMA,
    ],
)
def _embed_gather(idx_hbm, table_hbm, out_hbm, idx_v, rows0, rows1, sem0, sem1):
    wid = lax.axis_index("s") * _NC + lax.axis_index("c")
    row0 = wid * _RPW

    pltpu.sync_copy(idx_hbm.at[pl.ds(row0, _RPW)], idx_v)

    rows_bufs = (rows0, rows1)
    sems = (sem0, sem1)

    def fire(g, b):
        for j in range(_R):
            pltpu.async_copy(
                table_hbm.at[idx_v.at[g * _R + j]],
                rows_bufs[b].at[j],
                sems[b],
            )

    def drain(g, b):
        for j in range(_R):
            pltpu.make_async_copy(
                table_hbm.at[idx_v.at[g * _R + j]],
                rows_bufs[b].at[j],
                sems[b],
            ).wait()

    fire(0, 0)

    def pair_body(t, carry):
        for bb in range(2):
            g = 2 * t + bb

            @pl.when(g + 1 < _NG)
            def _():
                fire(g + 1, 1 - bb)

            drain(g, bb)
            pltpu.sync_copy(
                rows_bufs[bb].at[:, pl.ds(0, _HIST), :],
                out_hbm.at[pl.ds(row0 + g * _R, _R)],
            )
        return carry

    lax.fori_loop(0, _NG // 2, pair_body, 0)


def kernel(item_inputs, table):
    ii = item_inputs.astype(jnp.int32)
    idx = jnp.concatenate([ii, ii[:, : _HP - _HIST]], axis=1)
    return _embed_gather(idx, table)

# --- scband reference (transcript-rebuilt; emitter-appended) ---
"""Pipeline reference for scband-item-embedding-layer-90872918048958 (READ-ONLY COPY).

The authoritative reference and input builder live on the scoring server;
editing this copy changes nothing except your own understanding.
"""

import jax, jax.numpy as jnp
import numpy as np

NUM_ITEMS = 1000000
EMBED_DIM = 32
BATCH = 16384
HIST = 50

def setup_inputs(seed: int = 0) -> dict:
    key = jax.random.key(seed)
    k_idx, k_tab = jax.random.split(key)
    item_inputs = jax.random.randint(k_idx, (BATCH, HIST), 0, NUM_ITEMS, dtype=jnp.int64 if jax.config.jax_enable_x64 else jnp.int32)
    table = jax.random.normal(k_tab, (NUM_ITEMS, EMBED_DIM), dtype=jnp.float32) * 0.02
    return {"item_inputs": item_inputs, "table": table}

def reference(item_inputs, table):
    # nn.Embedding lookup: gather rows of the table by index
    item_embeds = jnp.take(table, item_inputs, axis=0)
    return item_embeds

if __name__ == "__main__":
    import jax
    _d = setup_inputs()
    print(jax.jit(kernel)(*tuple(_d.values())))

</pallas_src>

<mosaic_0001>
#map = affine_map<(d0, d1) -> (0, 0)>
#map1 = affine_map<(d0, d1) -> (0, 0, 0)>
module attributes {stable_mosaic.version = 14 : i64} {
  func.func @_embed_gather(%arg0: i32, %arg1: i32, %arg2: memref<16384x56xi32, #tpu.memory_space<hbm>>, %arg3: memref<1000000x32xf32, #tpu.memory_space<hbm>>, %arg4: memref<16384x50x32xf32, #tpu.memory_space<hbm>>, %arg5: memref<512x56xi32, #tpu.memory_space<vmem>>, %arg6: memref<16x56x32xf32, #tpu.memory_space<vmem>>, %arg7: memref<16x56x32xf32, #tpu.memory_space<vmem>>, %arg8: memref<!tpu.dma_semaphore, #tpu.memory_space<semaphore_mem>>, %arg9: memref<!tpu.dma_semaphore, #tpu.memory_space<semaphore_mem>>) attributes {dimension_semantics = [#tpu.dimension_semantics<core_parallel>, #tpu.dimension_semantics<subcore_parallel>], iteration_bounds = array<i64: 2, 16>, scalar_prefetch = 0 : i64, scratch_operands = 5 : i64, tpu.core_type = #tpu.core_type<sc_vector_subcore>, window_params = [{transform_indices = #map}, {transform_indices = #map}, {transform_indices = #map1}]} {
    %mul3A = arith.constant 2 : i32
    %mul3A_0 = arith.muli %arg1, %mul3A : i32
    %add3A = arith.addi %mul3A_0, %arg0 : i32
    %mul3A_1 = arith.constant 512 : i32
    %mul3A_2 = arith.muli %add3A, %mul3A_1 : i32
    "tpu.region"() ({
      %run_scoped3A = tpu.sem_alloc : memref<!tpu.dma_semaphore, #tpu.memory_space<semaphore_mem>>
      %dma_start3A_199 = arith.constant 0 : i32
      %dma_start3A_200 = tpu.memref_slice %arg2[%mul3A_2, %dma_start3A_199] : memref<16384x56xi32, #tpu.memory_space<hbm>> -> memref<512x56xi32, #tpu.memory_space<hbm>>
      %dma_start3A_201 = arith.constant 0 : i32
      %dma_start3A_202 = tpu.memref_slice %arg2[%mul3A_2, %dma_start3A_201] : memref<16384x56xi32, #tpu.memory_space<hbm>> -> memref<512x56xi32, #tpu.memory_space<hbm>>
      tpu.enqueue_dma source(%dma_start3A_202 : memref<512x56xi32, #tpu.memory_space<hbm>>) target(%arg5 : memref<512x56xi32, #tpu.memory_space<vmem>>) target_semaphore(%run_scoped3A : memref<!tpu.dma_semaphore, #tpu.memory_space<semaphore_mem>>)
      %dma_wait3A = arith.constant 0 : i32
      %dma_wait3A_203 = tpu.memref_slice %arg2[%mul3A_2, %dma_wait3A] : memref<16384x56xi32, #tpu.memory_space<hbm>> -> memref<512x56xi32, #tpu.memory_space<hbm>>
      %dma_wait3A_204 = arith.constant 0 : i32
      %dma_wait3A_205 = tpu.memref_slice %arg2[%mul3A_2, %dma_wait3A_204] : memref<16384x56xi32, #tpu.memory_space<hbm>> -> memref<512x56xi32, #tpu.memory_space<hbm>>
      tpu.wait_dma2 semaphore(%run_scoped3A : memref<!tpu.dma_semaphore, #tpu.memory_space<semaphore_mem>>) src(%dma_wait3A_205 : memref<512x56xi32, #tpu.memory_space<hbm>>) dst(%arg5 : memref<512x56xi32, #tpu.memory_space<vmem>>)
      tpu.yield
    }) : () -> ()
    %dma_start3A = arith.constant 0 : i32
    %dma_start3A_3 = arith.constant 0 : i32
    %dma_start3A_4 = arith.constant 0 : i32
    %dma_start3A_5 = arith.constant 0 : i32
    %dma_start3A_6 = tpu.memref_slice %arg6[%dma_start3A_3, %dma_start3A_4, %dma_start3A_5] : memref<16x56x32xf32, #tpu.memory_space<vmem>> -> memref<1x56x32xf32, #tpu.memory_space<vmem>>
    %dma_start3A_7 = tpu.memref_squeeze %dma_start3A_6 : memref<1x56x32xf32, #tpu.memory_space<vmem>> -> memref<56x32xf32, #tpu.memory_space<vmem>>
    %dma_start3A_8 = arith.constant 0 : i32
    %dma_start3A_9 = tpu.memref_slice %arg5[%dma_start3A, %dma_start3A_8] : memref<512x56xi32, #tpu.memory_space<vmem>> -> memref<1x56xi32, #tpu.memory_space<vmem>>
    %dma_start3A_10 = tpu.memref_squeeze %dma_start3A_9 : memref<1x56xi32, #tpu.memory_space<vmem>> -> memref<56xi32, #tpu.memory_space<vmem>>
    %dma_start3A_11 = arith.constant 0 : i32
    %dma_start3A_12 = arith.constant 0 : i32
    %dma_start3A_13 = tpu.memref_slice %arg3[%dma_start3A_11, %dma_start3A_12] : memref<1000000x32xf32, #tpu.memory_space<hbm>> -> memref<1000000x32xf32, #tpu.memory_space<hbm>>
    tpu.enqueue_indirect_dma source(%dma_start3A_13 : memref<1000000x32xf32, #tpu.memory_space<hbm>>) target(%dma_start3A_7 : memref<56x32xf32, #tpu.memory_space<vmem>>) offsets(%dma_start3A_10 : memref<56xi32, #tpu.memory_space<vmem>>) semaphore(%arg8 : memref<!tpu.dma_semaphore, #tpu.memory_space<semaphore_mem>>)
    %dma_start3A_14 = arith.constant 1 : i32
    %dma_start3A_15 = arith.constant 1 : i32
    %dma_start3A_16 = arith.constant 0 : i32
    %dma_start3A_17 = arith.constant 0 : i32
    %dma_start3A_18 = tpu.memref_slice %arg6[%dma_start3A_15, %dma_start3A_16, %dma_start3A_17] : memref<16x56x32xf32, #tpu.memory_space<vmem>> -> memref<1x56x32xf32, #tpu.memory_space<vmem>>
    %dma_start3A_19 = tpu.memref_squeeze %dma_start3A_18 : memref<1x56x32xf32, #tpu.memory_space<vmem>> -> memref<56x32xf32, #tpu.memory_space<vmem>>
    %dma_start3A_20 = arith.constant 0 : i32
    %dma_start3A_21 = tpu.memref_slice %arg5[%dma_start3A_14, %dma_start3A_20] : memref<512x56xi32, #tpu.memory_space<vmem>> -> memref<1x56xi32, #tpu.memory_space<vmem>>
    %dma_start3A_22 = tpu.memref_squeeze %dma_start3A_21 : memref<1x56xi32, #tpu.memory_space<vmem>> -> memref<56xi32, #tpu.memory_space<vmem>>
    %dma_start3A_23 = arith.constant 0 : i32
    %dma_start3A_24 = arith.constant 0 : i32
    %dma_start3A_25 = tpu.memref_slice %arg3[%dma_start3A_23, %dma_start3A_24] : memref<1000000x32xf32, #tpu.memory_space<hbm>> -> memref<1000000x32xf32, #tpu.memory_space<hbm>>
    tpu.enqueue_indirect_dma source(%dma_start3A_25 : memref<1000000x32xf32, #tpu.memory_space<hbm>>) target(%dma_start3A_19 : memref<56x32xf32, #tpu.memory_space<vmem>>) offsets(%dma_start3A_22 : memref<56xi32, #tpu.memory_space<vmem>>) semaphore(%arg8 : memref<!tpu.dma_semaphore, #tpu.memory_space<semaphore_mem>>)
    %dma_start3A_26 = arith.constant 2 : i32
    %dma_start3A_27 = arith.constant 2 : i32
    %dma_start3A_28 = arith.constant 0 : i32
    %dma_start3A_29 = arith.constant 0 : i32
    %dma_start3A_30 = tpu.memref_slice %arg6[%dma_start3A_27, %dma_start3A_28, %dma_start3A_29] : memref<16x56x32xf32, #tpu.memory_space<vmem>> -> memref<1x56x32xf32, #tpu.memory_space<vmem>>
    %dma_start3A_31 = tpu.memref_squeeze %dma_start3A_30 : memref<1x56x32xf32, #tpu.memory_space<vmem>> -> memref<56x32xf32, #tpu.memory_space<vmem>>
    %dma_start3A_32 = arith.constant 0 : i32
    %dma_start3A_33 = tpu.memref_slice %arg5[%dma_start3A_26, %dma_start3A_32] : memref<512x56xi32, #tpu.memory_space<vmem>> -> memref<1x56xi32, #tpu.memory_space<vmem>>
    %dma_start3A_34 = tpu.memref_squeeze %dma_start3A_33 : memref<1x56xi32, #tpu.memory_space<vmem>> -> memref<56xi32, #tpu.memory_space<vmem>>
    %dma_start3A_35 = arith.constant 0 : i32
    %dma_start3A_36 = arith.constant 0 : i32
    %dma_start3A_37 = tpu.memref_slice %arg3[%dma_start3A_35, %dma_start3A_36] : memref<1000000x32xf32, #tpu.memory_space<hbm>> -> memref<1000000x32xf32, #tpu.memory_space<hbm>>
    tpu.enqueue_indirect_dma source(%dma_start3A_37 : memref<1000000x32xf32, #tpu.memory_space<hbm>>) target(%dma_start3A_31 : memref<56x32xf32, #tpu.memory_space<vmem>>) offsets(%dma_start3A_34 : memref<56xi32, #tpu.memory_space<vmem>>) semaphore(%arg8 : memref<!tpu.dma_semaphore, #tpu.memory_space<semaphore_mem>>)
    %dma_start3A_38 = arith.constant 3 : i32
    %dma_start3A_39 = arith.constant 3 : i32
    %dma_start3A_40 = arith.constant 0 : i32
    %dma_start3A_41 = arith.constant 0 : i32
    %dma_start3A_42 = tpu.memref_slice %arg6[%dma_start3A_39, %dma_start3A_40, %dma_start3A_41] : memref<16x56x32xf32, #tpu.memory_space<vmem>> -> memref<1x56x32xf32, #tpu.memory_space<vmem>>
    %dma_start3A_43 = tpu.memref_squeeze %dma_start3A_42 : memref<1x56x32xf32, #tpu.memory_space<vmem>> -> memref<56x32xf32, #tpu.memory_space<vmem>>
    %dma_start3A_44 = arith.constant 0 : i32
    %dma_start3A_45 = tpu.memref_slice %arg5[%dma_start3A_38, %dma_start3A_44] : memref<512x56xi32, #tpu.memory_space<vmem>> -> memref<1x56xi32, #tpu.memory_space<vmem>>
    %dma_start3A_46 = tpu.memref_squeeze %dma_start3A_45 : memref<1x56xi32, #tpu.memory_space<vmem>> -> memref<56xi32, #tpu.memory_space<vmem>>
    %dma_start3A_47 = arith.constant 0 : i32
    %dma_start3A_48 = arith.constant 0 : i32
    %dma_start3A_49 = tpu.memref_slice %arg3[%dma_start3A_47, %dma_start3A_48] : memref<1000000x32xf32, #tpu.memory_space<hbm>> -> memref<1000000x32xf32, #tpu.memory_space<hbm>>
    tpu.enqueue_indirect_dma source(%dma_start3A_49 : memref<1000000x32xf32, #tpu.memory_space<hbm>>) target(%dma_start3A_43 : memref<56x32xf32, #tpu.memory_space<vmem>>) offsets(%dma_start3A_46 : memref<56xi32, #tpu.memory_space<vmem>>) semaphore(%arg8 : memref<!tpu.dma_semaphore, #tpu.memory_space<semaphore_mem>>)
    %dma_start3A_50 = arith.constant 4 : i32
    %dma_start3A_51 = arith.constant 4 : i32
    %dma_start3A_52 = arith.constant 0 : i32
    %dma_start3A_53 = arith.constant 0 : i32
    %dma_start3A_54 = tpu.memref_slice %arg6[%dma_start3A_51, %dma_start3A_52, %dma_start3A_53] : memref<16x56x32xf32, #tpu.memory_space<vmem>> -> memref<1x56x32xf32, #tpu.memory_space<vmem>>
    %dma_start3A_55 = tpu.memref_squeeze %dma_start3A_54 : memref<1x56x32xf32, #tpu.memory_space<vmem>> -> memref<56x32xf32, #tpu.memory_space<vmem>>
    %dma_start3A_56 = arith.constant 0 : i32
    %dma_start3A_57 = tpu.memref_slice %arg5[%dma_start3A_50, %dma_start3A_56] : memref<512x56xi32, #tpu.memory_space<vmem>> -> memref<1x56xi32, #tpu.memory_space<vmem>>
    %dma_start3A_58 = tpu.memref_squeeze %dma_start3A_57 : memref<1x56xi32, #tpu.memory_space<vmem>> -> memref<56xi32, #tpu.memory_space<vmem>>
    %dma_start3A_59 = arith.constant 0 : i32
    %dma_start3A_60 = arith.constant 0 : i32
    %dma_start3A_61 = tpu.memref_slice %arg3[%dma_start3A_59, %dma_start3A_60] : memref<1000000x32xf32, #tpu.memory_space<hbm>> -> memref<1000000x32xf32, #tpu.memory_space<hbm>>
    tpu.enqueue_indirect_dma source(%dma_start3A_61 : memref<1000000x32xf32, #tpu.memory_space<hbm>>) target(%dma_start3A_55 : memref<56x32xf32, #tpu.memory_space<vmem>>) offsets(%dma_start3A_58 : memref<56xi32, #tpu.memory_space<vmem>>) semaphore(%arg8 : memref<!tpu.dma_semaphore, #tpu.memory_space<semaphore_mem>>)
    %dma_start3A_62 = arith.constant 5 : i32
    %dma_start3A_63 = arith.constant 5 : i32
    %dma_start3A_64 = arith.constant 0 : i32
    %dma_start3A_65 = arith.constant 0 : i32
    %dma_start3A_66 = tpu.memref_slice %arg6[%dma_start3A_63, %dma_start3A_64, %dma_start3A_65] : memref<16x56x32xf32, #tpu.memory_space<vmem>> -> memref<1x56x32xf32, #tpu.memory_space<vmem>>
    %dma_start3A_67 = tpu.memref_squeeze %dma_start3A_66 : memref<1x56x32xf32, #tpu.memory_space<vmem>> -> memref<56x32xf32, #tpu.memory_space<vmem>>
    %dma_start3A_68 = arith.constant 0 : i32
    %dma_start3A_69 = tpu.memref_slice %arg5[%dma_start3A_62, %dma_start3A_68] : memref<512x56xi32, #tpu.memory_space<vmem>> -> memref<1x56xi32, #tpu.memory_space<vmem>>
    %dma_start3A_70 = tpu.memref_squeeze %dma_start3A_69 : memref<1x56xi32, #tpu.memory_space<vmem>> -> memref<56xi32, #tpu.memory_space<vmem>>
    %dma_start3A_71 = arith.constant 0 : i32
    %dma_start3A_72 = arith.constant 0 : i32
    %dma_start3A_73 = tpu.memref_slice %arg3[%dma_start3A_71, %dma_start3A_72] : memref<1000000x32xf32, #tpu.memory_space<hbm>> -> memref<1000000x32xf32, #tpu.memory_space<hbm>>
    tpu.enqueue_indirect_dma source(%dma_start3A_73 : memref<1000000x32xf32, #tpu.memory_space<hbm>>) target(%dma_start3A_67 : memref<56x32xf32, #tpu.memory_space<vmem>>) offsets(%dma_start3A_70 : memref<56xi32, #tpu.memory_space<vmem>>) semaphore(%arg8 : memref<!tpu.dma_semaphore, #tpu.memory_space<semaphore_mem>>)
    %dma_start3A_74 = arith.constant 6 : i32
    %dma_start3A_75 = arith.constant 6 : i32
    %dma_start3A_76 = arith.constant 0 : i32
    %dma_start3A_77 = arith.constant 0 : i32
    %dma_start3A_78 = tpu.memref_slice %arg6[%dma_start3A_75, %dma_start3A_76, %dma_start3A_77] : memref<16x56x32xf32, #tpu.memory_space<vmem>> -> memref<1x56x32xf32, #tpu.memory_space<vmem>>
    %dma_start3A_79 = tpu.memref_squeeze %dma_start3A_78 : memref<1x56x32xf32, #tpu.memory_space<vmem>> -> memref<56x32xf32, #tpu.memory_space<vmem>>
    %dma_start3A_80 = arith.constant 0 : i32
    %dma_start3A_81 = tpu.memref_slice %arg5[%dma_start3A_74, %dma_start3A_80] : memref<512x56xi32, #tpu.memory_space<vmem>> -> memref<1x56xi32, #tpu.memory_space<vmem>>
    %dma_start3A_82 = tpu.memref_squeeze %dma_start3A_81 : memref<1x56xi32, #tpu.memory_space<vmem>> -> memref<56xi32, #tpu.memory_space<vmem>>
    %dma_start3A_83 = arith.constant 0 : i32
    %dma_start3A_84 = arith.constant 0 : i32
    %dma_start3A_85 = tpu.memref_slice %arg3[%dma_start3A_83, %dma_start3A_84] : memref<1000000x32xf32, #tpu.memory_space<hbm>> -> memref<1000000x32xf32, #tpu.memory_space<hbm>>
    tpu.enqueue_indirect_dma source(%dma_start3A_85 : memref<1000000x32xf32, #tpu.memory_space<hbm>>) target(%dma_start3A_79 : memref<56x32xf32, #tpu.memory_space<vmem>>) offsets(%dma_start3A_82 : memref<56xi32, #tpu.memory_space<vmem>>) semaphore(%arg8 : memref<!tpu.dma_semaphore, #tpu.memory_space<semaphore_mem>>)
    %dma_start3A_86 = arith.constant 7 : i32
    %dma_start3A_87 = arith.constant 7 : i32
    %dma_start3A_88 = arith.constant 0 : i32
    %dma_start3A_89 = arith.constant 0 : i32
    %dma_start3A_90 = tpu.memref_slice %arg6[%dma_start3A_87, %dma_start3A_88, %dma_start3A_89] : memref<16x56x32xf32, #tpu.memory_space<vmem>> -> memref<1x56x32xf32, #tpu.memory_space<vmem>>
    %dma_start3A_91 = tpu.memref_squeeze %dma_start3A_90 : memref<1x56x32xf32, #tpu.memory_space<vmem>> -> memref<56x32xf32, #tpu.memory_space<vmem>>
    %dma_start3A_92 = arith.constant 0 : i32
    %dma_start3A_93 = tpu.memref_slice %arg5[%dma_start3A_86, %dma_start3A_92] : memref<512x56xi32, #tpu.memory_space<vmem>> -> memref<1x56xi32, #tpu.memory_space<vmem>>
    %dma_start3A_94 = tpu.memref_squeeze %dma_start3A_93 : memref<1x56xi32, #tpu.memory_space<vmem>> -> memref<56xi32, #tpu.memory_space<vmem>>
    %dma_start3A_95 = arith.constant 0 : i32
    %dma_start3A_96 = arith.constant 0 : i32
    %dma_start3A_97 = tpu.memref_slice %arg3[%dma_start3A_95, %dma_start3A_96] : memref<1000000x32xf32, #tpu.memory_space<hbm>> -> memref<1000000x32xf32, #tpu.memory_space<hbm>>
    tpu.enqueue_indirect_dma source(%dma_start3A_97 : memref<1000000x32xf32, #tpu.memory_space<hbm>>) target(%dma_start3A_91 : memref<56x32xf32, #tpu.memory_space<vmem>>) offsets(%dma_start3A_94 : memref<56xi32, #tpu.memory_space<vmem>>) semaphore(%arg8 : memref<!tpu.dma_semaphore, #tpu.memory_space<semaphore_mem>>)
    %dma_start3A_98 = arith.constant 8 : i32
    %dma_start3A_99 = arith.constant 8 : i32
    %dma_start3A_100 = arith.constant 0 : i32
    %dma_start3A_101 = arith.constant 0 : i32
    %dma_start3A_102 = tpu.memref_slice %arg6[%dma_start3A_99, %dma_start3A_100, %dma_start3A_101] : memref<16x56x32xf32, #tpu.memory_space<vmem>> -> memref<1x56x32xf32, #tpu.memory_space<vmem>>
    %dma_start3A_103 = tpu.memref_squeeze %dma_start3A_102 : memref<1x56x32xf32, #tpu.memory_space<vmem>> -> memref<56x32xf32, #tpu.memory_space<vmem>>
    %dma_start3A_104 = arith.constant 0 : i32
    %dma_start3A_105 = tpu.memref_slice %arg5[%dma_start3A_98, %dma_start3A_104] : memref<512x56xi32, #tpu.memory_space<vmem>> -> memref<1x56xi32, #tpu.memory_space<vmem>>
    %dma_start3A_106 = tpu.memref_squeeze %dma_start3A_105 : memref<1x56xi32, #tpu.memory_space<vmem>> -> memref<56xi32, #tpu.memory_space<vmem>>
    %dma_start3A_107 = arith.constant 0 : i32
    %dma_start3A_108 = arith.constant 0 : i32
    %dma_start3A_109 = tpu.memref_slice %arg3[%dma_start3A_107, %dma_start3A_108] : memref<1000000x32xf32, #tpu.memory_space<hbm>> -> memref<1000000x32xf32, #tpu.memory_space<hbm>>
    tpu.enqueue_indirect_dma source(%dma_start3A_109 : memref<1000000x32xf32, #tpu.memory_space<hbm>>) target(%dma_start3A_103 : memref<56x32xf32, #tpu.memory_space<vmem>>) offsets(%dma_start3A_106 : memref<56xi32, #tpu.memory_space<vmem>>) semaphore(%arg8 : memref<!tpu.dma_semaphore, #tpu.memory_space<semaphore_mem>>)
    %dma_start3A_110 = arith.constant 9 : i32
    %dma_start3A_111 = arith.constant 9 : i32
    %dma_start3A_112 = arith.constant 0 : i32
    %dma_start3A_113 = arith.constant 0 : i32
    %dma_start3A_114 = tpu.memref_slice %arg6[%dma_start3A_111, %dma_start3A_112, %dma_start3A_113] : memref<16x56x32xf32, #tpu.memory_space<vmem>> -> memref<1x56x32xf32, #tpu.memory_space<vmem>>
    %dma_start3A_115 = tpu.memref_squeeze %dma_start3A_114 : memref<1x56x32xf32, #tpu.memory_space<vmem>> -> memref<56x32xf32, #tpu.memory_space<vmem>>
    %dma_start3A_116 = arith.constant 0 : i32
    %dma_start3A_117 = tpu.memref_slice %arg5[%dma_start3A_110, %dma_start3A_116] : memref<512x56xi32, #tpu.memory_space<vmem>> -> memref<1x56xi32, #tpu.memory_space<vmem>>
    %dma_start3A_118 = tpu.memref_squeeze %dma_start3A_117 : memref<1x56xi32, #tpu.memory_space<vmem>> -> memref<56xi32, #tpu.memory_space<vmem>>
    %dma_start3A_119 = arith.constant 0 : i32
    %dma_start3A_120 = arith.constant 0 : i32
    %dma_start3A_121 = tpu.memref_slice %arg3[%dma_start3A_119, %dma_start3A_120] : memref<1000000x32xf32, #tpu.memory_space<hbm>> -> memref<1000000x32xf32, #tpu.memory_space<hbm>>
    tpu.enqueue_indirect_dma source(%dma_start3A_121 : memref<1000000x32xf32, #tpu.memory_space<hbm>>) target(%dma_start3A_115 : memref<56x32xf32, #tpu.memory_space<vmem>>) offsets(%dma_start3A_118 : memref<56xi32, #tpu.memory_space<vmem>>) semaphore(%arg8 : memref<!tpu.dma_semaphore, #tpu.memory_space<semaphore_mem>>)
    %dma_start3A_122 = arith.constant 10 : i32
    %dma_start3A_123 = arith.constant 10 : i32
    %dma_start3A_124 = arith.constant 0 : i32
    %dma_start3A_125 = arith.constant 0 : i32
    %dma_start3A_126 = tpu.memref_slice %arg6[%dma_start3A_123, %dma_start3A_124, %dma_start3A_125] : memref<16x56x32xf32, #tpu.memory_space<vmem>> -> memref<1x56x32xf32, #tpu.memory_space<vmem>>
    %dma_start3A_127 = tpu.memref_squeeze %dma_start3A_126 : memref<1x56x32xf32, #tpu.memory_space<vmem>> -> memref<56x32xf32, #tpu.memory_space<vmem>>
    %dma_start3A_128 = arith.constant 0 : i32
    %dma_start3A_129 = tpu.memref_slice %arg5[%dma_start3A_122, %dma_start3A_128] : memref<512x56xi32, #tpu.memory_space<vmem>> -> memref<1x56xi32, #tpu.memory_space<vmem>>
    %dma_start3A_130 = tpu.memref_squeeze %dma_start3A_129 : memref<1x56xi32, #tpu.memory_space<vmem>> -> memref<56xi32, #tpu.memory_space<vmem>>
    %dma_start3A_131 = arith.constant 0 : i32
    %dma_start3A_132 = arith.constant 0 : i32
    %dma_start3A_133 = tpu.memref_slice %arg3[%dma_start3A_131, %dma_start3A_132] : memref<1000000x32xf32, #tpu.memory_space<hbm>> -> memref<1000000x32xf32, #tpu.memory_space<hbm>>
    tpu.enqueue_indirect_dma source(%dma_start3A_133 : memref<1000000x32xf32, #tpu.memory_space<hbm>>) target(%dma_start3A_127 : memref<56x32xf32, #tpu.memory_space<vmem>>) offsets(%dma_start3A_130 : memref<56xi32, #tpu.memory_space<vmem>>) semaphore(%arg8 : memref<!tpu.dma_semaphore, #tpu.memory_space<semaphore_mem>>)
    %dma_start3A_134 = arith.constant 11 : i32
    %dma_start3A_135 = arith.constant 11 : i32
    %dma_start3A_136 = arith.constant 0 : i32
    %dma_start3A_137 = arith.constant 0 : i32
    %dma_start3A_138 = tpu.memref_slice %arg6[%dma_start3A_135, %dma_start3A_136, %dma_start3A_137] : memref<16x56x32xf32, #tpu.memory_space<vmem>> -> memref<1x56x32xf32, #tpu.memory_space<vmem>>
    %dma_start3A_139 = tpu.memref_squeeze %dma_start3A_138 : memref<1x56x32xf32, #tpu.memory_space<vmem>> -> memref<56x32xf32, #tpu.memory_space<vmem>>
    %dma_start3A_140 = arith.constant 0 : i32
    %dma_start3A_141 = tpu.memref_slice %arg5[%dma_start3A_134, %dma_start3A_140] : memref<512x56xi32, #tpu.memory_space<vmem>> -> memref<1x56xi32, #tpu.memory_space<vmem>>
    %dma_start3A_142 = tpu.memref_squeeze %dma_start3A_141 : memref<1x56xi32, #tpu.memory_space<vmem>> -> memref<56xi32, #tpu.memory_space<vmem>>
    %dma_start3A_143 = arith.constant 0 : i32
    %dma_start3A_144 = arith.constant 0 : i32
    %dma_start3A_145 = tpu.memref_slice %arg3[%dma_start3A_143, %dma_start3A_144] : memref<1000000x32xf32, #tpu.memory_space<hbm>> -> memref<1000000x32xf32, #tpu.memory_space<hbm>>
    tpu.enqueue_indirect_dma source(%dma_start3A_145 : memref<1000000x32xf32, #tpu.memory_space<hbm>>) target(%dma_start3A_139 : memref<56x32xf32, #tpu.memory_space<vmem>>) offsets(%dma_start3A_142 : memref<56xi32, #tpu.memory_space<vmem>>) semaphore(%arg8 : memref<!tpu.dma_semaphore, #tpu.memory_space<semaphore_mem>>)
    %dma_start3A_146 = arith.constant 12 : i32
    %dma_start3A_147 = arith.constant 12 : i32
    %dma_start3A_148 = arith.constant 0 : i32
    %dma_start3A_149 = arith.constant 0 : i32
    %dma_start3A_150 = tpu.memref_slice %arg6[%dma_start3A_147, %dma_start3A_148, %dma_start3A_149] : memref<16x56x32xf32, #tpu.memory_space<vmem>> -> memref<1x56x32xf32, #tpu.memory_space<vmem>>
    %dma_start3A_151 = tpu.memref_squeeze %dma_start3A_150 : memref<1x56x32xf32, #tpu.memory_space<vmem>> -> memref<56x32xf32, #tpu.memory_space<vmem>>
    %dma_start3A_152 = arith.constant 0 : i32
    %dma_start3A_153 = tpu.memref_slice %arg5[%dma_start3A_146, %dma_start3A_152] : memref<512x56xi32, #tpu.memory_space<vmem>> -> memref<1x56xi32, #tpu.memory_space<vmem>>
    %dma_start3A_154 = tpu.memref_squeeze %dma_start3A_153 : memref<1x56xi32, #tpu.memory_space<vmem>> -> memref<56xi32, #tpu.memory_space<vmem>>
    %dma_start3A_155 = arith.constant 0 : i32
    %dma_start3A_156 = arith.constant 0 : i32
    %dma_start3A_157 = tpu.memref_slice %arg3[%dma_start3A_155, %dma_start3A_156] : memref<1000000x32xf32, #tpu.memory_space<hbm>> -> memref<1000000x32xf32, #tpu.memory_space<hbm>>
    tpu.enqueue_indirect_dma source(%dma_start3A_157 : memref<1000000x32xf32, #tpu.memory_space<hbm>>) target(%dma_start3A_151 : memref<56x32xf32, #tpu.memory_space<vmem>>) offsets(%dma_start3A_154 : memref<56xi32, #tpu.memory_space<vmem>>) semaphore(%arg8 : memref<!tpu.dma_semaphore, #tpu.memory_space<semaphore_mem>>)
    %dma_start3A_158 = arith.constant 13 : i32
    %dma_start3A_159 = arith.constant 13 : i32
    %dma_start3A_160 = arith.constant 0 : i32
    %dma_start3A_161 = arith.constant 0 : i32
    %dma_start3A_162 = tpu.memref_slice %arg6[%dma_start3A_159, %dma_start3A_160, %dma_start3A_161] : memref<16x56x32xf32, #tpu.memory_space<vmem>> -> memref<1x56x32xf32, #tpu.memory_space<vmem>>
    %dma_start3A_163 = tpu.memref_squeeze %dma_start3A_162 : memref<1x56x32xf32, #tpu.memory_space<vmem>> -> memref<56x32xf32, #tpu.memory_space<vmem>>
    %dma_start3A_164 = arith.constant 0 : i32
    %dma_start3A_165 = tpu.memref_slice %arg5[%dma_start3A_158, %dma_start3A_164] : memref<512x56xi32, #tpu.memory_space<vmem>> -> memref<1x56xi32, #tpu.memory_space<vmem>>
    %dma_start3A_166 = tpu.memref_squeeze %dma_start3A_165 : memref<1x56xi32, #tpu.memory_space<vmem>> -> memref<56xi32, #tpu.memory_space<vmem>>
    %dma_start3A_167 = arith.constant 0 : i32
    %dma_start3A_168 = arith.constant 0 : i32
    %dma_start3A_169 = tpu.memref_slice %arg3[%dma_start3A_167, %dma_start3A_168] : memref<1000000x32xf32, #tpu.memory_space<hbm>> -> memref<1000000x32xf32, #tpu.memory_space<hbm>>
    tpu.enqueue_indirect_dma source(%dma_start3A_169 : memref<1000000x32xf32, #tpu.memory_space<hbm>>) target(%dma_start3A_163 : memref<56x32xf32, #tpu.memory_space<vmem>>) offsets(%dma_start3A_166 : memref<56xi32, #tpu.memory_space<vmem>>) semaphore(%arg8 : memref<!tpu.dma_semaphore, #tpu.memory_space<semaphore_mem>>)
    %dma_start3A_170 = arith.constant 14 : i32
    %dma_start3A_171 = arith.constant 14 : i32
    %dma_start3A_172 = arith.constant 0 : i32
    %dma_start3A_173 = arith.constant 0 : i32
    %dma_start3A_174 = tpu.memref_slice %arg6[%dma_start3A_171, %dma_start3A_172, %dma_start3A_173] : memref<16x56x32xf32, #tpu.memory_space<vmem>> -> memref<1x56x32xf32, #tpu.memory_space<vmem>>
    %dma_start3A_175 = tpu.memref_squeeze %dma_start3A_174 : memref<1x56x32xf32, #tpu.memory_space<vmem>> -> memref<56x32xf32, #tpu.memory_space<vmem>>
    %dma_start3A_176 = arith.constant 0 : i32
    %dma_start3A_177 = tpu.memref_slice %arg5[%dma_start3A_170, %dma_start3A_176] : memref<512x56xi32, #tpu.memory_space<vmem>> -> memref<1x56xi32, #tpu.memory_space<vmem>>
    %dma_start3A_178 = tpu.memref_squeeze %dma_start3A_177 : memref<1x56xi32, #tpu.memory_space<vmem>> -> memref<56xi32, #tpu.memory_space<vmem>>
    %dma_start3A_179 = arith.constant 0 : i32
    %dma_start3A_180 = arith.constant 0 : i32
    %dma_start3A_181 = tpu.memref_slice %arg3[%dma_start3A_179, %dma_start3A_180] : memref<1000000x32xf32, #tpu.memory_space<hbm>> -> memref<1000000x32xf32, #tpu.memory_space<hbm>>
    tpu.enqueue_indirect_dma source(%dma_start3A_181 : memref<1000000x32xf32, #tpu.memory_space<hbm>>) target(%dma_start3A_175 : memref<56x32xf32, #tpu.memory_space<vmem>>) offsets(%dma_start3A_178 : memref<56xi32, #tpu.memory_space<vmem>>) semaphore(%arg8 : memref<!tpu.dma_semaphore, #tpu.memory_space<semaphore_mem>>)
    %dma_start3A_182 = arith.constant 15 : i32
    %dma_start3A_183 = arith.constant 15 : i32
    %dma_start3A_184 = arith.constant 0 : i32
    %dma_start3A_185 = arith.constant 0 : i32
    %dma_start3A_186 = tpu.memref_slice %arg6[%dma_start3A_183, %dma_start3A_184, %dma_start3A_185] : memref<16x56x32xf32, #tpu.memory_space<vmem>> -> memref<1x56x32xf32, #tpu.memory_space<vmem>>
    %dma_start3A_187 = tpu.memref_squeeze %dma_start3A_186 : memref<1x56x32xf32, #tpu.memory_space<vmem>> -> memref<56x32xf32, #tpu.memory_space<vmem>>
    %dma_start3A_188 = arith.constant 0 : i32
    %dma_start3A_189 = tpu.memref_slice %arg5[%dma_start3A_182, %dma_start3A_188] : memref<512x56xi32, #tpu.memory_space<vmem>> -> memref<1x56xi32, #tpu.memory_space<vmem>>
    %dma_start3A_190 = tpu.memref_squeeze %dma_start3A_189 : memref<1x56xi32, #tpu.memory_space<vmem>> -> memref<56xi32, #tpu.memory_space<vmem>>
    %dma_start3A_191 = arith.constant 0 : i32
    %dma_start3A_192 = arith.constant 0 : i32
    %dma_start3A_193 = tpu.memref_slice %arg3[%dma_start3A_191, %dma_start3A_192] : memref<1000000x32xf32, #tpu.memory_space<hbm>> -> memref<1000000x32xf32, #tpu.memory_space<hbm>>
    tpu.enqueue_indirect_dma source(%dma_start3A_193 : memref<1000000x32xf32, #tpu.memory_space<hbm>>) target(%dma_start3A_187 : memref<56x32xf32, #tpu.memory_space<vmem>>) offsets(%dma_start3A_190 : memref<56xi32, #tpu.memory_space<vmem>>) semaphore(%arg8 : memref<!tpu.dma_semaphore, #tpu.memory_space<semaphore_mem>>)
    %scan3A = arith.constant 0 : i32
    %scan3A_194 = arith.constant 0 : i32
    %scan3A_195 = arith.constant 16 : i32
    %scan3A_196 = arith.addi %scan3A_194, %scan3A_195 : i32
    %scan3A_197 = arith.constant 1 : i32
    scf.for %scan3A_199 = %scan3A_194 to %scan3A_196 step %scan3A_197  : i32 {
      %mul3A_200 = arith.constant 2 : i32
      %mul3A_201 = arith.muli %mul3A_200, %scan3A_199 : i32
      %add3A_202 = arith.constant 0 : i32
      %add3A_203 = arith.addi %mul3A_201, %add3A_202 : i32
      %add3A_204 = arith.constant 1 : i32
      %add3A_205 = arith.addi %add3A_203, %add3A_204 : i32
      %lt3A = arith.constant 32 : i32
      %lt3A_206 = arith.cmpi slt, %add3A_205, %lt3A : i32
      %convert_element_type3A = arith.extui %lt3A_206 : i1 to i32
      %cond3A = arith.constant 0 : i32
      %cond3A_207 = arith.cmpi ne, %convert_element_type3A, %cond3A : i32
      scf.if %cond3A_207 {
        %add3A_704 = arith.constant 1 : i32
        %add3A_705 = arith.addi %add3A_203, %add3A_704 : i32
        %mul3A_706 = arith.constant 16 : i32
        %mul3A_707 = arith.muli %add3A_705, %mul3A_706 : i32
        %add3A_708 = arith.constant 0 : i32
        %add3A_709 = arith.addi %mul3A_707, %add3A_708 : i32
        %dma_start3A_710 = arith.constant 0 : i32
        %dma_start3A_711 = arith.constant 0 : i32
        %dma_start3A_712 = arith.constant 0 : i32
        %dma_start3A_713 = tpu.memref_slice %arg7[%dma_start3A_710, %dma_start3A_711, %dma_start3A_712] : memref<16x56x32xf32, #tpu.memory_space<vmem>> -> memref<1x56x32xf32, #tpu.memory_space<vmem>>
        %dma_start3A_714 = tpu.memref_squeeze %dma_start3A_713 : memref<1x56x32xf32, #tpu.memory_space<vmem>> -> memref<56x32xf32, #tpu.memory_space<vmem>>
        %dma_start3A_715 = arith.constant 0 : i32
        %dma_start3A_716 = tpu.memref_slice %arg5[%add3A_709, %dma_start3A_715] : memref<512x56xi32, #tpu.memory_space<vmem>> -> memref<1x56xi32, #tpu.memory_space<vmem>>
        %dma_start3A_717 = tpu.memref_squeeze %dma_start3A_716 : memref<1x56xi32, #tpu.memory_space<vmem>> -> memref<56xi32, #tpu.memory_space<vmem>>
        %dma_start3A_718 = arith.constant 0 : i32
        %dma_start3A_719 = arith.constant 0 : i32
        %dma_start3A_720 = tpu.memref_slice %arg3[%dma_start3A_718, %dma_start3A_719] : memref<1000000x32xf32, #tpu.memory_space<hbm>> -> memref<1000000x32xf32, #tpu.memory_space<hbm>>
        tpu.enqueue_indirect_dma source(%dma_start3A_720 : memref<1000000x32xf32, #tpu.memory_space<hbm>>) target(%dma_start3A_714 : memref<56x32xf32, #tpu.memory_space<vmem>>) offsets(%dma_start3A_717 : memref<56xi32, #tpu.memory_space<vmem>>) semaphore(%arg9 : memref<!tpu.dma_semaphore, #tpu.memory_space<semaphore_mem>>)
        %mul3A_721 = arith.constant 16 : i32
        %mul3A_722 = arith.muli %add3A_705, %mul3A_721 : i32
        %add3A_723 = arith.constant 1 : i32
        %add3A_724 = arith.addi %mul3A_722, %add3A_723 : i32
        %dma_start3A_725 = arith.constant 1 : i32
        %dma_start3A_726 = arith.constant 0 : i32
        %dma_start3A_727 = arith.constant 0 : i32
        %dma_start3A_728 = tpu.memref_slice %arg7[%dma_start3A_725, %dma_start3A_726, %dma_start3A_727] : memref<16x56x32xf32, #tpu.memory_space<vmem>> -> memref<1x56x32xf32, #tpu.memory_space<vmem>>
        %dma_start3A_729 = tpu.memref_squeeze %dma_start3A_728 : memref<1x56x32xf32, #tpu.memory_space<vmem>> -> memref<56x32xf32, #tpu.memory_space<vmem>>
        %dma_start3A_730 = arith.constant 0 : i32
        %dma_start3A_731 = tpu.memref_slice %arg5[%add3A_724, %dma_start3A_730] : memref<512x56xi32, #tpu.memory_space<vmem>> -> memref<1x56xi32, #tpu.memory_space<vmem>>
        %dma_start3A_732 = tpu.memref_squeeze %dma_start3A_731 : memref<1x56xi32, #tpu.memory_space<vmem>> -> memref<56xi32, #tpu.memory_space<vmem>>
        %dma_start3A_733 = arith.constant 0 : i32
        %dma_start3A_734 = arith.constant 0 : i32
        %dma_start3A_735 = tpu.memref_slice %arg3[%dma_start3A_733, %dma_start3A_734] : memref<1000000x32xf32, #tpu.memory_space<hbm>> -> memref<1000000x32xf32, #tpu.memory_space<hbm>>
        tpu.enqueue_indirect_dma source(%dma_start3A_735 : memref<1000000x32xf32, #tpu.memory_space<hbm>>) target(%dma_start3A_729 : memref<56x32xf32, #tpu.memory_space<vmem>>) offsets(%dma_start3A_732 : memref<56xi32, #tpu.memory_space<vmem>>) semaphore(%arg9 : memref<!tpu.dma_semaphore, #tpu.memory_space<semaphore_mem>>)
        %mul3A_736 = arith.constant 16 : i32
        %mul3A_737 = arith.muli %add3A_705, %mul3A_736 : i32
        %add3A_738 = arith.constant 2 : i32
        %add3A_739 = arith.addi %mul3A_737, %add3A_738 : i32
        %dma_start3A_740 = arith.constant 2 : i32
        %dma_start3A_741 = arith.constant 0 : i32
        %dma_start3A_742 = arith.constant 0 : i32
        %dma_start3A_743 = tpu.memref_slice %arg7[%dma_start3A_740, %dma_start3A_741, %dma_start3A_742] : memref<16x56x32xf32, #tpu.memory_space<vmem>> -> memref<1x56x32xf32, #tpu.memory_space<vmem>>
        %dma_start3A_744 = tpu.memref_squeeze %dma_start3A_743 : memref<1x56x32xf32, #tpu.memory_space<vmem>> -> memref<56x32xf32, #tpu.memory_space<vmem>>
        %dma_start3A_745 = arith.constant 0 : i32
        %dma_start3A_746 = tpu.memref_slice %arg5[%add3A_739, %dma_start3A_745] : memref<512x56xi32, #tpu.memory_space<vmem>> -> memref<1x56xi32, #tpu.memory_space<vmem>>
        %dma_start3A_747 = tpu.memref_squeeze %dma_start3A_746 : memref<1x56xi32, #tpu.memory_space<vmem>> -> memref<56xi32, #tpu.memory_space<vmem>>
        %dma_start3A_748 = arith.constant 0 : i32
        %dma_start3A_749 = arith.constant 0 : i32
        %dma_start3A_750 = tpu.memref_slice %arg3[%dma_start3A_748, %dma_start3A_749] : memref<1000000x32xf32, #tpu.memory_space<hbm>> -> memref<1000000x32xf32, #tpu.memory_space<hbm>>
        tpu.enqueue_indirect_dma source(%dma_start3A_750 : memref<1000000x32xf32, #tpu.memory_space<hbm>>) target(%dma_start3A_744 : memref<56x32xf32, #tpu.memory_space<vmem>>) offsets(%dma_start3A_747 : memref<56xi32, #tpu.memory_space<vmem>>) semaphore(%arg9 : memref<!tpu.dma_semaphore, #tpu.memory_space<semaphore_mem>>)
        %mul3A_751 = arith.constant 16 : i32
        %mul3A_752 = arith.muli %add3A_705, %mul3A_751 : i32
        %add3A_753 = arith.constant 3 : i32
        %add3A_754 = arith.addi %mul3A_752, %add3A_753 : i32
        %dma_start3A_755 = arith.constant 3 : i32
        %dma_start3A_756 = arith.constant 0 : i32
        %dma_start3A_757 = arith.constant 0 : i32
        %dma_start3A_758 = tpu.memref_slice %arg7[%dma_start3A_755, %dma_start3A_756, %dma_start3A_757] : memref<16x56x32xf32, #tpu.memory_space<vmem>> -> memref<1x56x32xf32, #tpu.memory_space<vmem>>
        %dma_start3A_759 = tpu.memref_squeeze %dma_start3A_758 : memref<1x56x32xf32, #tpu.memory_space<vmem>> -> memref<56x32xf32, #tpu.memory_space<vmem>>
        %dma_start3A_760 = arith.constant 0 : i32
        %dma_start3A_761 = tpu.memref_slice %arg5[%add3A_754, %dma_start3A_760] : memref<512x56xi32, #tpu.memory_space<vmem>> -> memref<1x56xi32, #tpu.memory_space<vmem>>
        %dma_start3A_762 = tpu.memref_squeeze %dma_start3A_761 : memref<1x56xi32, #tpu.memory_space<vmem>> -> memref<56xi32, #tpu.memory_space<vmem>>
        %dma_start3A_763 = arith.constant 0 : i32
        %dma_start3A_764 = arith.constant 0 : i32
        %dma_start3A_765 = tpu.memref_slice %arg3[%dma_start3A_763, %dma_start3A_764] : memref<1000000x32xf32, #tpu.memory_space<hbm>> -> memref<1000000x32xf32, #tpu.memory_space<hbm>>
        tpu.enqueue_indirect_dma source(%dma_start3A_765 : memref<1000000x32xf32, #tpu.memory_space<hbm>>) target(%dma_start3A_759 : memref<56x32xf32, #tpu.memory_space<vmem>>) offsets(%dma_start3A_762 : memref<56xi32, #tpu.memory_space<vmem>>) semaphore(%arg9 : memref<!tpu.dma_semaphore, #tpu.memory_space<semaphore_mem>>)
        %mul3A_766 = arith.constant 16 : i32
        %mul3A_767 = arith.muli %add3A_705, %mul3A_766 : i32
        %add3A_768 = arith.constant 4 : i32
        %add3A_769 = arith.addi %mul3A_767, %add3A_768 : i32
        %dma_start3A_770 = arith.constant 4 : i32
        %dma_start3A_771 = arith.constant 0 : i32
        %dma_start3A_772 = arith.constant 0 : i32
        %dma_start3A_773 = tpu.memref_slice %arg7[%dma_start3A_770, %dma_start3A_771, %dma_start3A_772] : memref<16x56x32xf32, #tpu.memory_space<vmem>> -> memref<1x56x32xf32, #tpu.memory_space<vmem>>
        %dma_start3A_774 = tpu.memref_squeeze %dma_start3A_773 : memref<1x56x32xf32, #tpu.memory_space<vmem>> -> memref<56x32xf32, #tpu.memory_space<vmem>>
        %dma_start3A_775 = arith.constant 0 : i32
        %dma_start3A_776 = tpu.memref_slice %arg5[%add3A_769, %dma_start3A_775] : memref<512x56xi32, #tpu.memory_space<vmem>> -> memref<1x56xi32, #tpu.memory_space<vmem>>
        %dma_start3A_777 = tpu.memref_squeeze %dma_start3A_776 : memref<1x56xi32, #tpu.memory_space<vmem>> -> memref<56xi32, #tpu.memory_space<vmem>>
        %dma_start3A_778 = arith.constant 0 : i32
        %dma_start3A_779 = arith.constant 0 : i32
        %dma_start3A_780 = tpu.memref_slice %arg3[%dma_start3A_778, %dma_start3A_779] : memref<1000000x32xf32, #tpu.memory_space<hbm>> -> memref<1000000x32xf32, #tpu.memory_space<hbm>>
        tpu.enqueue_indirect_dma source(%dma_start3A_780 : memref<1000000x32xf32, #tpu.memory_space<hbm>>) target(%dma_start3A_774 : memref<56x32xf32, #tpu.memory_space<vmem>>) offsets(%dma_start3A_777 : memref<56xi32, #tpu.memory_space<vmem>>) semaphore(%arg9 : memref<!tpu.dma_semaphore, #tpu.memory_space<semaphore_mem>>)
        %mul3A_781 = arith.constant 16 : i32
        %mul3A_782 = arith.muli %add3A_705, %mul3A_781 : i32
        %add3A_783 = arith.constant 5 : i32
        %add3A_784 = arith.addi %mul3A_782, %add3A_783 : i32
        %dma_start3A_785 = arith.constant 5 : i32
        %dma_start3A_786 = arith.constant 0 : i32
        %dma_start3A_787 = arith.constant 0 : i32
        %dma_start3A_788 = tpu.memref_slice %arg7[%dma_start3A_785, %dma_start3A_786, %dma_start3A_787] : memref<16x56x32xf32, #tpu.memory_space<vmem>> -> memref<1x56x32xf32, #tpu.memory_space<vmem>>
        %dma_start3A_789 = tpu.memref_squeeze %dma_start3A_788 : memref<1x56x32xf32, #tpu.memory_space<vmem>> -> memref<56x32xf32, #tpu.memory_space<vmem>>
        %dma_start3A_790 = arith.constant 0 : i32
        %dma_start3A_791 = tpu.memref_slice %arg5[%add3A_784, %dma_start3A_790] : memref<512x56xi32, #tpu.memory_space<vmem>> -> memref<1x56xi32, #tpu.memory_space<vmem>>
        %dma_start3A_792 = tpu.memref_squeeze %dma_start3A_791 : memref<1x56xi32, #tpu.memory_space<vmem>> -> memref<56xi32, #tpu.memory_space<vmem>>
        %dma_start3A_793 = arith.constant 0 : i32
        %dma_start3A_794 = arith.constant 0 : i32
        %dma_start3A_795 = tpu.memref_slice %arg3[%dma_start3A_793, %dma_start3A_794] : memref<1000000x32xf32, #tpu.memory_space<hbm>> -> memref<1000000x32xf32, #tpu.memory_space<hbm>>
        tpu.enqueue_indirect_dma source(%dma_start3A_795 : memref<1000000x32xf32, #tpu.memory_space<hbm>>) target(%dma_start3A_789 : memref<56x32xf32, #tpu.memory_space<vmem>>) offsets(%dma_start3A_792 : memref<56xi32, #tpu.memory_space<vmem>>) semaphore(%arg9 : memref<!tpu.dma_semaphore, #tpu.memory_space<semaphore_mem>>)
        %mul3A_796 = arith.constant 16 : i32
        %mul3A_797 = arith.muli %add3A_705, %mul3A_796 : i32
        %add3A_798 = arith.constant 6 : i32
        %add3A_799 = arith.addi %mul3A_797, %add3A_798 : i32
        %dma_start3A_800 = arith.constant 6 : i32
        %dma_start3A_801 = arith.constant 0 : i32
        %dma_start3A_802 = arith.constant 0 : i32
        %dma_start3A_803 = tpu.memref_slice %arg7[%dma_start3A_800, %dma_start3A_801, %dma_start3A_802] : memref<16x56x32xf32, #tpu.memory_space<vmem>> -> memref<1x56x32xf32, #tpu.memory_space<vmem>>
        %dma_start3A_804 = tpu.memref_squeeze %dma_start3A_803 : memref<1x56x32xf32, #tpu.memory_space<vmem>> -> memref<56x32xf32, #tpu.memory_space<vmem>>
        %dma_start3A_805 = arith.constant 0 : i32
        %dma_start3A_806 = tpu.memref_slice %arg5[%add3A_799, %dma_start3A_805] : memref<512x56xi32, #tpu.memory_space<vmem>> -> memref<1x56xi32, #tpu.memory_space<vmem>>
        %dma_start3A_807 = tpu.memref_squeeze %dma_start3A_806 : memref<1x56xi32, #tpu.memory_space<vmem>> -> memref<56xi32, #tpu.memory_space<vmem>>
        %dma_start3A_808 = arith.constant 0 : i32
        %dma_start3A_809 = arith.constant 0 : i32
        %dma_start3A_810 = tpu.memref_slice %arg3[%dma_start3A_808, %dma_start3A_809] : memref<1000000x32xf32, #tpu.memory_space<hbm>> -> memref<1000000x32xf32, #tpu.memory_space<hbm>>
        tpu.enqueue_indirect_dma source(%dma_start3A_810 : memref<1000000x32xf32, #tpu.memory_space<hbm>>) target(%dma_start3A_804 : memref<56x32xf32, #tpu.memory_space<vmem>>) offsets(%dma_start3A_807 : memref<56xi32, #tpu.memory_space<vmem>>) semaphore(%arg9 : memref<!tpu.dma_semaphore, #tpu.memory_space<semaphore_mem>>)
        %mul3A_811 = arith.constant 16 : i32
        %mul3A_812 = arith.muli %add3A_705, %mul3A_811 : i32
        %add3A_813 = arith.constant 7 : i32
        %add3A_814 = arith.addi %mul3A_812, %add3A_813 : i32
        %dma_start3A_815 = arith.constant 7 : i32
        %dma_start3A_816 = arith.constant 0 : i32
        %dma_start3A_817 = arith.constant 0 : i32
        %dma_start3A_818 = tpu.memref_slice %arg7[%dma_start3A_815, %dma_start3A_816, %dma_start3A_817] : memref<16x56x32xf32, #tpu.memory_space<vmem>> -> memref<1x56x32xf32, #tpu.memory_space<vmem>>
        %dma_start3A_819 = tpu.memref_squeeze %dma_start3A_818 : memref<1x56x32xf32, #tpu.memory_space<vmem>> -> memref<56x32xf32, #tpu.memory_space<vmem>>
        %dma_start3A_820 = arith.constant 0 : i32
        %dma_start3A_821 = tpu.memref_slice %arg5[%add3A_814, %dma_start3A_820] : memref<512x56xi32, #tpu.memory_space<vmem>> -> memref<1x56xi32, #tpu.memory_space<vmem>>
        %dma_start3A_822 = tpu.memref_squeeze %dma_start3A_821 : memref<1x56xi32, #tpu.memory_space<vmem>> -> memref<56xi32, #tpu.memory_space<vmem>>
        %dma_start3A_823 = arith.constant 0 : i32
        %dma_start3A_824 = arith.constant 0 : i32
        %dma_start3A_825 = tpu.memref_slice %arg3[%dma_start3A_823, %dma_start3A_824] : memref<1000000x32xf32, #tpu.memory_space<hbm>> -> memref<1000000x32xf32, #tpu.memory_space<hbm>>
        tpu.enqueue_indirect_dma source(%dma_start3A_825 : memref<1000000x32xf32, #tpu.memory_space<hbm>>) target(%dma_start3A_819 : memref<56x32xf32, #tpu.memory_space<vmem>>) offsets(%dma_start3A_822 : memref<56xi32, #tpu.memory_space<vmem>>) semaphore(%arg9 : memref<!tpu.dma_semaphore, #tpu.memory_space<semaphore_mem>>)
        %mul3A_826 = arith.constant 16 : i32
        %mul3A_827 = arith.muli %add3A_705, %mul3A_826 : i32
        %add3A_828 = arith.constant 8 : i32
        %add3A_829 = arith.addi %mul3A_827, %add3A_828 : i32
        %dma_start3A_830 = arith.constant 8 : i32
        %dma_start3A_831 = arith.constant 0 : i32
        %dma_start3A_832 = arith.constant 0 : i32
        %dma_start3A_833 = tpu.memref_slice %arg7[%dma_start3A_830, %dma_start3A_831, %dma_start3A_832] : memref<16x56x32xf32, #tpu.memory_space<vmem>> -> memref<1x56x32xf32, #tpu.memory_space<vmem>>
        %dma_start3A_834 = tpu.memref_squeeze %dma_start3A_833 : memref<1x56x32xf32, #tpu.memory_space<vmem>> -> memref<56x32xf32, #tpu.memory_space<vmem>>
        %dma_start3A_835 = arith.constant 0 : i32
        %dma_start3A_836 = tpu.memref_slice %arg5[%add3A_829, %dma_start3A_835] : memref<512x56xi32, #tpu.memory_space<vmem>> -> memref<1x56xi32, #tpu.memory_space<vmem>>
        %dma_start3A_837 = tpu.memref_squeeze %dma_start3A_836 : memref<1x56xi32, #tpu.memory_space<vmem>> -> memref<56xi32, #tpu.memory_space<vmem>>
        %dma_start3A_838 = arith.constant 0 : i32
        %dma_start3A_839 = arith.constant 0 : i32
        %dma_start3A_840 = tpu.memref_slice %arg3[%dma_start3A_838, %dma_start3A_839] : memref<1000000x32xf32, #tpu.memory_space<hbm>> -> memref<1000000x32xf32, #tpu.memory_space<hbm>>
        tpu.enqueue_indirect_dma source(%dma_start3A_840 : memref<1000000x32xf32, #tpu.memory_space<hbm>>) target(%dma_start3A_834 : memref<56x32xf32, #tpu.memory_space<vmem>>) offsets(%dma_start3A_837 : memref<56xi32, #tpu.memory_space<vmem>>) semaphore(%arg9 : memref<!tpu.dma_semaphore, #tpu.memory_space<semaphore_mem>>)
        %mul3A_841 = arith.constant 16 : i32
        %mul3A_842 = arith.muli %add3A_705, %mul3A_841 : i32
        %add3A_843 = arith.constant 9 : i32
        %add3A_844 = arith.addi %mul3A_842, %add3A_843 : i32
        %dma_start3A_845 = arith.constant 9 : i32
        %dma_start3A_846 = arith.constant 0 : i32
        %dma_start3A_847 = arith.constant 0 : i32
        %dma_start3A_848 = tpu.memref_slice %arg7[%dma_start3A_845, %dma_start3A_846, %dma_start3A_847] : memref<16x56x32xf32, #tpu.memory_space<vmem>> -> memref<1x56x32xf32, #tpu.memory_space<vmem>>
        %dma_start3A_849 = tpu.memref_squeeze %dma_start3A_848 : memref<1x56x32xf32, #tpu.memory_space<vmem>> -> memref<56x32xf32, #tpu.memory_space<vmem>>
        %dma_start3A_850 = arith.constant 0 : i32
        %dma_start3A_851 = tpu.memref_slice %arg5[%add3A_844, %dma_start3A_850] : memref<512x56xi32, #tpu.memory_space<vmem>> -> memref<1x56xi32, #tpu.memory_space<vmem>>
        %dma_start3A_852 = tpu.memref_squeeze %dma_start3A_851 : memref<1x56xi32, #tpu.memory_space<vmem>> -> memref<56xi32, #tpu.memory_space<vmem>>
        %dma_start3A_853 = arith.constant 0 : i32
        %dma_start3A_854 = arith.constant 0 : i32
        %dma_start3A_855 = tpu.memref_slice %arg3[%dma_start3A_853, %dma_start3A_854] : memref<1000000x32xf32, #tpu.memory_space<hbm>> -> memref<1000000x32xf32, #tpu.memory_space<hbm>>
        tpu.enqueue_indirect_dma source(%dma_start3A_855 : memref<1000000x32xf32, #tpu.memory_space<hbm>>) target(%dma_start3A_849 : memref<56x32xf32, #tpu.memory_space<vmem>>) offsets(%dma_start3A_852 : memref<56xi32, #tpu.memory_space<vmem>>) semaphore(%arg9 : memref<!tpu.dma_semaphore, #tpu.memory_space<semaphore_mem>>)
        %mul3A_856 = arith.constant 16 : i32
        %mul3A_857 = arith.muli %add3A_705, %mul3A_856 : i32
        %add3A_858 = arith.constant 10 : i32
        %add3A_859 = arith.addi %mul3A_857, %add3A_858 : i32
        %dma_start3A_860 = arith.constant 10 : i32
        %dma_start3A_861 = arith.constant 0 : i32
        %dma_start3A_862 = arith.constant 0 : i32
        %dma_start3A_863 = tpu.memref_slice %arg7[%dma_start3A_860, %dma_start3A_861, %dma_start3A_862] : memref<16x56x32xf32, #tpu.memory_space<vmem>> -> memref<1x56x32xf32, #tpu.memory_space<vmem>>
        %dma_start3A_864 = tpu.memref_squeeze %dma_start3A_863 : memref<1x56x32xf32, #tpu.memory_space<vmem>> -> memref<56x32xf32, #tpu.memory_space<vmem>>
        %dma_start3A_865 = arith.constant 0 : i32
        %dma_start3A_866 = tpu.memref_slice %arg5[%add3A_859, %dma_start3A_865] : memref<512x56xi32, #tpu.memory_space<vmem>> -> memref<1x56xi32, #tpu.memory_space<vmem>>
        %dma_start3A_867 = tpu.memref_squeeze %dma_start3A_866 : memref<1x56xi32, #tpu.memory_space<vmem>> -> memref<56xi32, #tpu.memory_space<vmem>>
        %dma_start3A_868 = arith.constant 0 : i32
        %dma_start3A_869 = arith.constant 0 : i32
        %dma_start3A_870 = tpu.memref_slice %arg3[%dma_start3A_868, %dma_start3A_869] : memref<1000000x32xf32, #tpu.memory_space<hbm>> -> memref<1000000x32xf32, #tpu.memory_space<hbm>>
        tpu.enqueue_indirect_dma source(%dma_start3A_870 : memref<1000000x32xf32, #tpu.memory_space<hbm>>) target(%dma_start3A_864 : memref<56x32xf32, #tpu.memory_space<vmem>>) offsets(%dma_start3A_867 : memref<56xi32, #tpu.memory_space<vmem>>) semaphore(%arg9 : memref<!tpu.dma_semaphore, #tpu.memory_space<semaphore_mem>>)
        %mul3A_871 = arith.constant 16 : i32
        %mul3A_872 = arith.muli %add3A_705, %mul3A_871 : i32
        %add3A_873 = arith.constant 11 : i32
        %add3A_874 = arith.addi %mul3A_872, %add3A_873 : i32
        %dma_start3A_875 = arith.constant 11 : i32
        %dma_start3A_876 = arith.constant 0 : i32
        %dma_start3A_877 = arith.constant 0 : i32
        %dma_start3A_878 = tpu.memref_slice %arg7[%dma_start3A_875, %dma_start3A_876, %dma_start3A_877] : memref<16x56x32xf32, #tpu.memory_space<vmem>> -> memref<1x56x32xf32, #tpu.memory_space<vmem>>
        %dma_start3A_879 = tpu.memref_squeeze %dma_start3A_878 : memref<1x56x32xf32, #tpu.memory_space<vmem>> -> memref<56x32xf32, #tpu.memory_space<vmem>>
        %dma_start3A_880 = arith.constant 0 : i32
        %dma_start3A_881 = tpu.memref_slice %arg5[%add3A_874, %dma_start3A_880] : memref<512x56xi32, #tpu.memory_space<vmem>> -> memref<1x56xi32, #tpu.memory_space<vmem>>
        %dma_start3A_882 = tpu.memref_squeeze %dma_start3A_881 : memref<1x56xi32, #tpu.memory_space<vmem>> -> memref<56xi32, #tpu.memory_space<vmem>>
        %dma_start3A_883 = arith.constant 0 : i32
        %dma_start3A_884 = arith.constant 0 : i32
        %dma_start3A_885 = tpu.memref_slice %arg3[%dma_start3A_883, %dma_start3A_884] : memref<1000000x32xf32, #tpu.memory_space<hbm>> -> memref<1000000x32xf32, #tpu.memory_space<hbm>>
        tpu.enqueue_indirect_dma source(%dma_start3A_885 : memref<1000000x32xf32, #tpu.memory_space<hbm>>) target(%dma_start3A_879 : memref<56x32xf32, #tpu.memory_space<vmem>>) offsets(%dma_start3A_882 : memref<56xi32, #tpu.memory_space<vmem>>) semaphore(%arg9 : memref<!tpu.dma_semaphore, #tpu.memory_space<semaphore_mem>>)
        %mul3A_886 = arith.constant 16 : i32
        %mul3A_887 = arith.muli %add3A_705, %mul3A_886 : i32
        %add3A_888 = arith.constant 12 : i32
        %add3A_889 = arith.addi %mul3A_887, %add3A_888 : i32
        %dma_start3A_890 = arith.constant 12 : i32
        %dma_start3A_891 = arith.constant 0 : i32
        %dma_start3A_892 = arith.constant 0 : i32
        %dma_start3A_893 = tpu.memref_slice %arg7[%dma_start3A_890, %dma_start3A_891, %dma_start3A_892] : memref<16x56x32xf32, #tpu.memory_space<vmem>> -> memref<1x56x32xf32, #tpu.memory_space<vmem>>
        %dma_start3A_894 = tpu.memref_squeeze %dma_start3A_893 : memref<1x56x32xf32, #tpu.memory_space<vmem>> -> memref<56x32xf32, #tpu.memory_space<vmem>>
        %dma_start3A_895 = arith.constant 0 : i32
        %dma_start3A_896 = tpu.memref_slice %arg5[%add3A_889, %dma_start3A_895] : memref<512x56xi32, #tpu.memory_space<vmem>> -> memref<1x56xi32, #tpu.memory_space<vmem>>
        %dma_start3A_897 = tpu.memref_squeeze %dma_start3A_896 : memref<1x56xi32, #tpu.memory_space<vmem>> -> memref<56xi32, #tpu.memory_space<vmem>>
        %dma_start3A_898 = arith.constant 0 : i32
        %dma_start3A_899 = arith.constant 0 : i32
        %dma_start3A_900 = tpu.memref_slice %arg3[%dma_start3A_898, %dma_start3A_899] : memref<1000000x32xf32, #tpu.memory_space<hbm>> -> memref<1000000x32xf32, #tpu.memory_space<hbm>>
        tpu.enqueue_indirect_dma source(%dma_start3A_900 : memref<1000000x32xf32, #tpu.memory_space<hbm>>) target(%dma_start3A_894 : memref<56x32xf32, #tpu.memory_space<vmem>>) offsets(%dma_start3A_897 : memref<56xi32, #tpu.memory_space<vmem>>) semaphore(%arg9 : memref<!tpu.dma_semaphore, #tpu.memory_space<semaphore_mem>>)
        %mul3A_901 = arith.constant 16 : i32
        %mul3A_902 = arith.muli %add3A_705, %mul3A_901 : i32
        %add3A_903 = arith.constant 13 : i32
        %add3A_904 = arith.addi %mul3A_902, %add3A_903 : i32
        %dma_start3A_905 = arith.constant 13 : i32
        %dma_start3A_906 = arith.constant 0 : i32
        %dma_start3A_907 = arith.constant 0 : i32
        %dma_start3A_908 = tpu.memref_slice %arg7[%dma_start3A_905, %dma_start3A_906, %dma_start3A_907] : memref<16x56x32xf32, #tpu.memory_space<vmem>> -> memref<1x56x32xf32, #tpu.memory_space<vmem>>
        %dma_start3A_909 = tpu.memref_squeeze %dma_start3A_908 : memref<1x56x32xf32, #tpu.memory_space<vmem>> -> memref<56x32xf32, #tpu.memory_space<vmem>>
        %dma_start3A_910 = arith.constant 0 : i32
        %dma_start3A_911 = tpu.memref_slice %arg5[%add3A_904, %dma_start3A_910] : memref<512x56xi32, #tpu.memory_space<vmem>> -> memref<1x56xi32, #tpu.memory_space<vmem>>
        %dma_start3A_912 = tpu.memref_squeeze %dma_start3A_911 : memref<1x56xi32, #tpu.memory_space<vmem>> -> memref<56xi32, #tpu.memory_space<vmem>>
        %dma_start3A_913 = arith.constant 0 : i32
        %dma_start3A_914 = arith.constant 0 : i32
        %dma_start3A_915 = tpu.memref_slice %arg3[%dma_start3A_913, %dma_start3A_914] : memref<1000000x32xf32, #tpu.memory_space<hbm>> -> memref<1000000x32xf32, #tpu.memory_space<hbm>>
        tpu.enqueue_indirect_dma source(%dma_start3A_915 : memref<1000000x32xf32, #tpu.memory_space<hbm>>) target(%dma_start3A_909 : memref<56x32xf32, #tpu.memory_space<vmem>>) offsets(%dma_start3A_912 : memref<56xi32, #tpu.memory_space<vmem>>) semaphore(%arg9 : memref<!tpu.dma_semaphore, #tpu.memory_space<semaphore_mem>>)
        %mul3A_916 = arith.constant 16 : i32
        %mul3A_917 = arith.muli %add3A_705, %mul3A_916 : i32
        %add3A_918 = arith.constant 14 : i32
        %add3A_919 = arith.addi %mul3A_917, %add3A_918 : i32
        %dma_start3A_920 = arith.constant 14 : i32
        %dma_start3A_921 = arith.constant 0 : i32
        %dma_start3A_922 = arith.constant 0 : i32
        %dma_start3A_923 = tpu.memref_slice %arg7[%dma_start3A_920, %dma_start3A_921, %dma_start3A_922] : memref<16x56x32xf32, #tpu.memory_space<vmem>> -> memref<1x56x32xf32, #tpu.memory_space<vmem>>
        %dma_start3A_924 = tpu.memref_squeeze %dma_start3A_923 : memref<1x56x32xf32, #tpu.memory_space<vmem>> -> memref<56x32xf32, #tpu.memory_space<vmem>>
        %dma_start3A_925 = arith.constant 0 : i32
        %dma_start3A_926 = tpu.memref_slice %arg5[%add3A_919, %dma_start3A_925] : memref<512x56xi32, #tpu.memory_space<vmem>> -> memref<1x56xi32, #tpu.memory_space<vmem>>
        %dma_start3A_927 = tpu.memref_squeeze %dma_start3A_926 : memref<1x56xi32, #tpu.memory_space<vmem>> -> memref<56xi32, #tpu.memory_space<vmem>>
        %dma_start3A_928 = arith.constant 0 : i32
        %dma_start3A_929 = arith.constant 0 : i32
        %dma_start3A_930 = tpu.memref_slice %arg3[%dma_start3A_928, %dma_start3A_929] : memref<1000000x32xf32, #tpu.memory_space<hbm>> -> memref<1000000x32xf32, #tpu.memory_space<hbm>>
        tpu.enqueue_indirect_dma source(%dma_start3A_930 : memref<1000000x32xf32, #tpu.memory_space<hbm>>) target(%dma_start3A_924 : memref<56x32xf32, #tpu.memory_space<vmem>>) offsets(%dma_start3A_927 : memref<56xi32, #tpu.memory_space<vmem>>) semaphore(%arg9 : memref<!tpu.dma_semaphore, #tpu.memory_space<semaphore_mem>>)
        %mul3A_931 = arith.constant 16 : i32
        %mul3A_932 = arith.muli %add3A_705, %mul3A_931 : i32
        %add3A_933 = arith.constant 15 : i32
        %add3A_934 = arith.addi %mul3A_932, %add3A_933 : i32
        %dma_start3A_935 = arith.constant 15 : i32
        %dma_start3A_936 = arith.constant 0 : i32
        %dma_start3A_937 = arith.constant 0 : i32
        %dma_start3A_938 = tpu.memref_slice %arg7[%dma_start3A_935, %dma_start3A_936, %dma_start3A_937] : memref<16x56x32xf32, #tpu.memory_space<vmem>> -> memref<1x56x32xf32, #tpu.memory_space<vmem>>
        %dma_start3A_939 = tpu.memref_squeeze %dma_start3A_938 : memref<1x56x32xf32, #tpu.memory_space<vmem>> -> memref<56x32xf32, #tpu.memory_space<vmem>>
        %dma_start3A_940 = arith.constant 0 : i32
        %dma_start3A_941 = tpu.memref_slice %arg5[%add3A_934, %dma_start3A_940] : memref<512x56xi32, #tpu.memory_space<vmem>> -> memref<1x56xi32, #tpu.memory_space<vmem>>
        %dma_start3A_942 = tpu.memref_squeeze %dma_start3A_941 : memref<1x56xi32, #tpu.memory_space<vmem>> -> memref<56xi32, #tpu.memory_space<vmem>>
        %dma_start3A_943 = arith.constant 0 : i32
        %dma_start3A_944 = arith.constant 0 : i32
        %dma_start3A_945 = tpu.memref_slice %arg3[%dma_start3A_943, %dma_start3A_944] : memref<1000000x32xf32, #tpu.memory_space<hbm>> -> memref<1000000x32xf32, #tpu.memory_space<hbm>>
        tpu.enqueue_indirect_dma source(%dma_start3A_945 : memref<1000000x32xf32, #tpu.memory_space<hbm>>) target(%dma_start3A_939 : memref<56x32xf32, #tpu.memory_space<vmem>>) offsets(%dma_start3A_942 : memref<56xi32, #tpu.memory_space<vmem>>) semaphore(%arg9 : memref<!tpu.dma_semaphore, #tpu.memory_space<semaphore_mem>>)
      } else {
      }
      %mul3A_208 = arith.constant 16 : i32
      %mul3A_209 = arith.muli %add3A_203, %mul3A_208 : i32
      %add3A_210 = arith.constant 0 : i32
      %add3A_211 = arith.addi %mul3A_209, %add3A_210 : i32
      %dma_wait3A = arith.constant 0 : i32
      %dma_wait3A_212 = arith.constant 0 : i32
      %dma_wait3A_213 = arith.constant 0 : i32
      %dma_wait3A_214 = tpu.memref_slice %arg6[%dma_wait3A, %dma_wait3A_212, %dma_wait3A_213] : memref<16x56x32xf32, #tpu.memory_space<vmem>> -> memref<1x56x32xf32, #tpu.memory_space<vmem>>
      %dma_wait3A_215 = tpu.memref_squeeze %dma_wait3A_214 : memref<1x56x32xf32, #tpu.memory_space<vmem>> -> memref<56x32xf32, #tpu.memory_space<vmem>>
      %dma_wait3A_216 = arith.constant 0 : i32
      %dma_wait3A_217 = tpu.memref_slice %arg5[%add3A_211, %dma_wait3A_216] : memref<512x56xi32, #tpu.memory_space<vmem>> -> memref<1x56xi32, #tpu.memory_space<vmem>>
      %dma_wait3A_218 = tpu.memref_squeeze %dma_wait3A_217 : memref<1x56xi32, #tpu.memory_space<vmem>> -> memref<56xi32, #tpu.memory_space<vmem>>
      %dma_wait3A_219 = arith.constant 0 : i32
      %dma_wait3A_220 = arith.constant 0 : i32
      %dma_wait3A_221 = tpu.memref_slice %arg3[%dma_wait3A_219, %dma_wait3A_220] : memref<1000000x32xf32, #tpu.memory_space<hbm>> -> memref<1000000x32xf32, #tpu.memory_space<hbm>>
      tpu.wait_indirect_dma semaphore(%arg8 : memref<!tpu.dma_semaphore, #tpu.memory_space<semaphore_mem>>) src(%dma_wait3A_221 : memref<1000000x32xf32, #tpu.memory_space<hbm>>) dst(%dma_wait3A_215 : memref<56x32xf32, #tpu.memory_space<vmem>>)
      %mul3A_222 = arith.constant 16 : i32
      %mul3A_223 = arith.muli %add3A_203, %mul3A_222 : i32
      %add3A_224 = arith.constant 1 : i32
      %add3A_225 = arith.addi %mul3A_223, %add3A_224 : i32
      %dma_wait3A_226 = arith.constant 1 : i32
      %dma_wait3A_227 = arith.constant 0 : i32
      %dma_wait3A_228 = arith.constant 0 : i32
      %dma_wait3A_229 = tpu.memref_slice %arg6[%dma_wait3A_226, %dma_wait3A_227, %dma_wait3A_228] : memref<16x56x32xf32, #tpu.memory_space<vmem>> -> memref<1x56x32xf32, #tpu.memory_space<vmem>>
      %dma_wait3A_230 = tpu.memref_squeeze %dma_wait3A_229 : memref<1x56x32xf32, #tpu.memory_space<vmem>> -> memref<56x32xf32, #tpu.memory_space<vmem>>
      %dma_wait3A_231 = arith.constant 0 : i32
      %dma_wait3A_232 = tpu.memref_slice %arg5[%add3A_225, %dma_wait3A_231] : memref<512x56xi32, #tpu.memory_space<vmem>> -> memref<1x56xi32, #tpu.memory_space<vmem>>
      %dma_wait3A_233 = tpu.memref_squeeze %dma_wait3A_232 : memref<1x56xi32, #tpu.memory_space<vmem>> -> memref<56xi32, #tpu.memory_space<vmem>>
      %dma_wait3A_234 = arith.constant 0 : i32
      %dma_wait3A_235 = arith.constant 0 : i32
      %dma_wait3A_236 = tpu.memref_slice %arg3[%dma_wait3A_234, %dma_wait3A_235] : memref<1000000x32xf32, #tpu.memory_space<hbm>> -> memref<1000000x32xf32, #tpu.memory_space<hbm>>
      tpu.wait_indirect_dma semaphore(%arg8 : memref<!tpu.dma_semaphore, #tpu.memory_space<semaphore_mem>>) src(%dma_wait3A_236 : memref<1000000x32xf32, #tpu.memory_space<hbm>>) dst(%dma_wait3A_230 : memref<56x32xf32, #tpu.memory_space<vmem>>)
      %mul3A_237 = arith.constant 16 : i32
      %mul3A_238 = arith.muli %add3A_203, %mul3A_237 : i32
      %add3A_239 = arith.constant 2 : i32
      %add3A_240 = arith.addi %mul3A_238, %add3A_239 : i32
      %dma_wait3A_241 = arith.constant 2 : i32
      %dma_wait3A_242 = arith.constant 0 : i32
      %dma_wait3A_243 = arith.constant 0 : i32
      %dma_wait3A_244 = tpu.memref_slice %arg6[%dma_wait3A_241, %dma_wait3A_242, %dma_wait3A_243] : memref<16x56x32xf32, #tpu.memory_space<vmem>> -> memref<1x56x32xf32, #tpu.memory_space<vmem>>
      %dma_wait3A_245 = tpu.memref_squeeze %dma_wait3A_244 : memref<1x56x32xf32, #tpu.memory_space<vmem>> -> memref<56x32xf32, #tpu.memory_space<vmem>>
      %dma_wait3A_246 = arith.constant 0 : i32
      %dma_wait3A_247 = tpu.memref_slice %arg5[%add3A_240, %dma_wait3A_246] : memref<512x56xi32, #tpu.memory_space<vmem>> -> memref<1x56xi32, #tpu.memory_space<vmem>>
      %dma_wait3A_248 = tpu.memref_squeeze %dma_wait3A_247 : memref<1x56xi32, #tpu.memory_space<vmem>> -> memref<56xi32, #tpu.memory_space<vmem>>
      %dma_wait3A_249 = arith.constant 0 : i32
      %dma_wait3A_250 = arith.constant 0 : i32
      %dma_wait3A_251 = tpu.memref_slice %arg3[%dma_wait3A_249, %dma_wait3A_250] : memref<1000000x32xf32, #tpu.memory_space<hbm>> -> memref<1000000x32xf32, #tpu.memory_space<hbm>>
      tpu.wait_indirect_dma semaphore(%arg8 : memref<!tpu.dma_semaphore, #tpu.memory_space<semaphore_mem>>) src(%dma_wait3A_251 : memref<1000000x32xf32, #tpu.memory_space<hbm>>) dst(%dma_wait3A_245 : memref<56x32xf32, #tpu.memory_space<vmem>>)
      %mul3A_252 = arith.constant 16 : i32
      %mul3A_253 = arith.muli %add3A_203, %mul3A_252 : i32
      %add3A_254 = arith.constant 3 : i32
      %add3A_255 = arith.addi %mul3A_253, %add3A_254 : i32
      %dma_wait3A_256 = arith.constant 3 : i32
      %dma_wait3A_257 = arith.constant 0 : i32
      %dma_wait3A_258 = arith.constant 0 : i32
      %dma_wait3A_259 = tpu.memref_slice %arg6[%dma_wait3A_256, %dma_wait3A_257, %dma_wait3A_258] : memref<16x56x32xf32, #tpu.memory_space<vmem>> -> memref<1x56x32xf32, #tpu.memory_space<vmem>>
      %dma_wait3A_260 = tpu.memref_squeeze %dma_wait3A_259 : memref<1x56x32xf32, #tpu.memory_space<vmem>> -> memref<56x32xf32, #tpu.memory_space<vmem>>
      %dma_wait3A_261 = arith.constant 0 : i32
      %dma_wait3A_262 = tpu.memref_slice %arg5[%add3A_255, %dma_wait3A_261] : memref<512x56xi32, #tpu.memory_space<vmem>> -> memref<1x56xi32, #tpu.memory_space<vmem>>
      %dma_wait3A_263 = tpu.memref_squeeze %dma_wait3A_262 : memref<1x56xi32, #tpu.memory_space<vmem>> -> memref<56xi32, #tpu.memory_space<vmem>>
      %dma_wait3A_264 = arith.constant 0 : i32
      %dma_wait3A_265 = arith.constant 0 : i32
      %dma_wait3A_266 = tpu.memref_slice %arg3[%dma_wait3A_264, %dma_wait3A_265] : memref<1000000x32xf32, #tpu.memory_space<hbm>> -> memref<1000000x32xf32, #tpu.memory_space<hbm>>
      tpu.wait_indirect_dma semaphore(%arg8 : memref<!tpu.dma_semaphore, #tpu.memory_space<semaphore_mem>>) src(%dma_wait3A_266 : memref<1000000x32xf32, #tpu.memory_space<hbm>>) dst(%dma_wait3A_260 : memref<56x32xf32, #tpu.memory_space<vmem>>)
      %mul3A_267 = arith.constant 16 : i32
      %mul3A_268 = arith.muli %add3A_203, %mul3A_267 : i32
      %add3A_269 = arith.constant 4 : i32
      %add3A_270 = arith.addi %mul3A_268, %add3A_269 : i32
      %dma_wait3A_271 = arith.constant 4 : i32
      %dma_wait3A_272 = arith.constant 0 : i32
      %dma_wait3A_273 = arith.constant 0 : i32
      %dma_wait3A_274 = tpu.memref_slice %arg6[%dma_wait3A_271, %dma_wait3A_272, %dma_wait3A_273] : memref<16x56x32xf32, #tpu.memory_space<vmem>> -> memref<1x56x32xf32, #tpu.memory_space<vmem>>
      %dma_wait3A_275 = tpu.memref_squeeze %dma_wait3A_274 : memref<1x56x32xf32, #tpu.memory_space<vmem>> -> memref<56x32xf32, #tpu.memory_space<vmem>>
      %dma_wait3A_276 = arith.constant 0 : i32
      %dma_wait3A_277 = tpu.memref_slice %arg5[%add3A_270, %dma_wait3A_276] : memref<512x56xi32, #tpu.memory_space<vmem>> -> memref<1x56xi32, #tpu.memory_space<vmem>>
      %dma_wait3A_278 = tpu.memref_squeeze %dma_wait3A_277 : memref<1x56xi32, #tpu.memory_space<vmem>> -> memref<56xi32, #tpu.memory_space<vmem>>
      %dma_wait3A_279 = arith.constant 0 : i32
      %dma_wait3A_280 = arith.constant 0 : i32
      %dma_wait3A_281 = tpu.memref_slice %arg3[%dma_wait3A_279, %dma_wait3A_280] : memref<1000000x32xf32, #tpu.memory_space<hbm>> -> memref<1000000x32xf32, #tpu.memory_space<hbm>>
      tpu.wait_indirect_dma semaphore(%arg8 : memref<!tpu.dma_semaphore, #tpu.memory_space<semaphore_mem>>) src(%dma_wait3A_281 : memref<1000000x32xf32, #tpu.memory_space<hbm>>) dst(%dma_wait3A_275 : memref<56x32xf32, #tpu.memory_space<vmem>>)
      %mul3A_282 = arith.constant 16 : i32
      %mul3A_283 = arith.muli %add3A_203, %mul3A_282 : i32
      %add3A_284 = arith.constant 5 : i32
      %add3A_285 = arith.addi %mul3A_283, %add3A_284 : i32
      %dma_wait3A_286 = arith.constant 5 : i32
      %dma_wait3A_287 = arith.constant 0 : i32
      %dma_wait3A_288 = arith.constant 0 : i32
      %dma_wait3A_289 = tpu.memref_slice %arg6[%dma_wait3A_286, %dma_wait3A_287, %dma_wait3A_288] : memref<16x56x32xf32, #tpu.memory_space<vmem>> -> memref<1x56x32xf32, #tpu.memory_space<vmem>>
      %dma_wait3A_290 = tpu.memref_squeeze %dma_wait3A_289 : memref<1x56x32xf32, #tpu.memory_space<vmem>> -> memref<56x32xf32, #tpu.memory_space<vmem>>
      %dma_wait3A_291 = arith.constant 0 : i32
      %dma_wait3A_292 = tpu.memref_slice %arg5[%add3A_285, %dma_wait3A_291] : memref<512x56xi32, #tpu.memory_space<vmem>> -> memref<1x56xi32, #tpu.memory_space<vmem>>
      %dma_wait3A_293 = tpu.memref_squeeze %dma_wait3A_292 : memref<1x56xi32, #tpu.memory_space<vmem>> -> memref<56xi32, #tpu.memory_space<vmem>>
      %dma_wait3A_294 = arith.constant 0 : i32
      %dma_wait3A_295 = arith.constant 0 : i32
      %dma_wait3A_296 = tpu.memref_slice %arg3[%dma_wait3A_294, %dma_wait3A_295] : memref<1000000x32xf32, #tpu.memory_space<hbm>> -> memref<1000000x32xf32, #tpu.memory_space<hbm>>
      tpu.wait_indirect_dma semaphore(%arg8 : memref<!tpu.dma_semaphore, #tpu.memory_space<semaphore_mem>>) src(%dma_wait3A_296 : memref<1000000x32xf32, #tpu.memory_space<hbm>>) dst(%dma_wait3A_290 : memref<56x32xf32, #tpu.memory_space<vmem>>)
      %mul3A_297 = arith.constant 16 : i32
      %mul3A_298 = arith.muli %add3A_203, %mul3A_297 : i32
      %add3A_299 = arith.constant 6 : i32
      %add3A_300 = arith.addi %mul3A_298, %add3A_299 : i32
      %dma_wait3A_301 = arith.constant 6 : i32
      %dma_wait3A_302 = arith.constant 0 : i32
      %dma_wait3A_303 = arith.constant 0 : i32
      %dma_wait3A_304 = tpu.memref_slice %arg6[%dma_wait3A_301, %dma_wait3A_302, %dma_wait3A_303] : memref<16x56x32xf32, #tpu.memory_space<vmem>> -> memref<1x56x32xf32, #tpu.memory_space<vmem>>
      %dma_wait3A_305 = tpu.memref_squeeze %dma_wait3A_304 : memref<1x56x32xf32, #tpu.memory_space<vmem>> -> memref<56x32xf32, #tpu.memory_space<vmem>>
      %dma_wait3A_306 = arith.constant 0 : i32
      %dma_wait3A_307 = tpu.memref_slice %arg5[%add3A_300, %dma_wait3A_306] : memref<512x56xi32, #tpu.memory_space<vmem>> -> memref<1x56xi32, #tpu.memory_space<vmem>>
      %dma_wait3A_308 = tpu.memref_squeeze %dma_wait3A_307 : memref<1x56xi32, #tpu.memory_space<vmem>> -> memref<56xi32, #tpu.memory_space<vmem>>
      %dma_wait3A_309 = arith.constant 0 : i32
      %dma_wait3A_310 = arith.constant 0 : i32
      %dma_wait3A_311 = tpu.memref_slice %arg3[%dma_wait3A_309, %dma_wait3A_310] : memref<1000000x32xf32, #tpu.memory_space<hbm>> -> memref<1000000x32xf32, #tpu.memory_space<hbm>>
      tpu.wait_indirect_dma semaphore(%arg8 : memref<!tpu.dma_semaphore, #tpu.memory_space<semaphore_mem>>) src(%dma_wait3A_311 : memref<1000000x32xf32, #tpu.memory_space<hbm>>) dst(%dma_wait3A_305 : memref<56x32xf32, #tpu.memory_space<vmem>>)
      %mul3A_312 = arith.constant 16 : i32
      %mul3A_313 = arith.muli %add3A_203, %mul3A_312 : i32
      %add3A_314 = arith.constant 7 : i32
      %add3A_315 = arith.addi %mul3A_313, %add3A_314 : i32
      %dma_wait3A_316 = arith.constant 7 : i32
      %dma_wait3A_317 = arith.constant 0 : i32
      %dma_wait3A_318 = arith.constant 0 : i32
      %dma_wait3A_319 = tpu.memref_slice %arg6[%dma_wait3A_316, %dma_wait3A_317, %dma_wait3A_318] : memref<16x56x32xf32, #tpu.memory_space<vmem>> -> memref<1x56x32xf32, #tpu.memory_space<vmem>>
      %dma_wait3A_320 = tpu.memref_squeeze %dma_wait3A_319 : memref<1x56x32xf32, #tpu.memory_space<vmem>> -> memref<56x32xf32, #tpu.memory_space<vmem>>
      %dma_wait3A_321 = arith.constant 0 : i32
      %dma_wait3A_322 = tpu.memref_slice %arg5[%add3A_315, %dma_wait3A_321] : memref<512x56xi32, #tpu.memory_space<vmem>> -> memref<1x56xi32, #tpu.memory_space<vmem>>
      %dma_wait3A_323 = tpu.memref_squeeze %dma_wait3A_322 : memref<1x56xi32, #tpu.memory_space<vmem>> -> memref<56xi32, #tpu.memory_space<vmem>>
      %dma_wait3A_324 = arith.constant 0 : i32
      %dma_wait3A_325 = arith.constant 0 : i32
      %dma_wait3A_326 = tpu.memref_slice %arg3[%dma_wait3A_324, %dma_wait3A_325] : memref<1000000x32xf32, #tpu.memory_space<hbm>> -> memref<1000000x32xf32, #tpu.memory_space<hbm>>
      tpu.wait_indirect_dma semaphore(%arg8 : memref<!tpu.dma_semaphore, #tpu.memory_space<semaphore_mem>>) src(%dma_wait3A_326 : memref<1000000x32xf32, #tpu.memory_space<hbm>>) dst(%dma_wait3A_320 : memref<56x32xf32, #tpu.memory_space<vmem>>)
      %mul3A_327 = arith.constant 16 : i32
      %mul3A_328 = arith.muli %add3A_203, %mul3A_327 : i32
      %add3A_329 = arith.constant 8 : i32
      %add3A_330 = arith.addi %mul3A_328, %add3A_329 : i32
      %dma_wait3A_331 = arith.constant 8 : i32
      %dma_wait3A_332 = arith.constant 0 : i32
      %dma_wait3A_333 = arith.constant 0 : i32
      %dma_wait3A_334 = tpu.memref_slice %arg6[%dma_wait3A_331, %dma_wait3A_332, %dma_wait3A_333] : memref<16x56x32xf32, #tpu.memory_space<vmem>> -> memref<1x56x32xf32, #tpu.memory_space<vmem>>
      %dma_wait3A_335 = tpu.memref_squeeze %dma_wait3A_334 : memref<1x56x32xf32, #tpu.memory_space<vmem>> -> memref<56x32xf32, #tpu.memory_space<vmem>>
      %dma_wait3A_336 = arith.constant 0 : i32
      %dma_wait3A_337 = tpu.memref_slice %arg5[%add3A_330, %dma_wait3A_336] : memref<512x56xi32, #tpu.memory_space<vmem>> -> memref<1x56xi32, #tpu.memory_space<vmem>>
      %dma_wait3A_338 = tpu.memref_squeeze %dma_wait3A_337 : memref<1x56xi32, #tpu.memory_space<vmem>> -> memref<56xi32, #tpu.memory_space<vmem>>
      %dma_wait3A_339 = arith.constant 0 : i32
      %dma_wait3A_340 = arith.constant 0 : i32
      %dma_wait3A_341 = tpu.memref_slice %arg3[%dma_wait3A_339, %dma_wait3A_340] : memref<1000000x32xf32, #tpu.memory_space<hbm>> -> memref<1000000x32xf32, #tpu.memory_space<hbm>>
      tpu.wait_indirect_dma semaphore(%arg8 : memref<!tpu.dma_semaphore, #tpu.memory_space<semaphore_mem>>) src(%dma_wait3A_341 : memref<1000000x32xf32, #tpu.memory_space<hbm>>) dst(%dma_wait3A_335 : memref<56x32xf32, #tpu.memory_space<vmem>>)
      %mul3A_342 = arith.constant 16 : i32
      %mul3A_343 = arith.muli %add3A_203, %mul3A_342 : i32
      %add3A_344 = arith.constant 9 : i32
      %add3A_345 = arith.addi %mul3A_343, %add3A_344 : i32
      %dma_wait3A_346 = arith.constant 9 : i32
      %dma_wait3A_347 = arith.constant 0 : i32
      %dma_wait3A_348 = arith.constant 0 : i32
      %dma_wait3A_349 = tpu.memref_slice %arg6[%dma_wait3A_346, %dma_wait3A_347, %dma_wait3A_348] : memref<16x56x32xf32, #tpu.memory_space<vmem>> -> memref<1x56x32xf32, #tpu.memory_space<vmem>>
      %dma_wait3A_350 = tpu.memref_squeeze %dma_wait3A_349 : memref<1x56x32xf32, #tpu.memory_space<vmem>> -> memref<56x32xf32, #tpu.memory_space<vmem>>
      %dma_wait3A_351 = arith.constant 0 : i32
      %dma_wait3A_352 = tpu.memref_slice %arg5[%add3A_345, %dma_wait3A_351] : memref<512x56xi32, #tpu.memory_space<vmem>> -> memref<1x56xi32, #tpu.memory_space<vmem>>
      %dma_wait3A_353 = tpu.memref_squeeze %dma_wait3A_352 : memref<1x56xi32, #tpu.memory_space<vmem>> -> memref<56xi32, #tpu.memory_space<vmem>>
      %dma_wait3A_354 = arith.constant 0 : i32
      %dma_wait3A_355 = arith.constant 0 : i32
      %dma_wait3A_356 = tpu.memref_slice %arg3[%dma_wait3A_354, %dma_wait3A_355] : memref<1000000x32xf32, #tpu.memory_space<hbm>> -> memref<1000000x32xf32, #tpu.memory_space<hbm>>
      tpu.wait_indirect_dma semaphore(%arg8 : memref<!tpu.dma_semaphore, #tpu.memory_space<semaphore_mem>>) src(%dma_wait3A_356 : memref<1000000x32xf32, #tpu.memory_space<hbm>>) dst(%dma_wait3A_350 : memref<56x32xf32, #tpu.memory_space<vmem>>)
      %mul3A_357 = arith.constant 16 : i32
      %mul3A_358 = arith.muli %add3A_203, %mul3A_357 : i32
      %add3A_359 = arith.constant 10 : i32
      %add3A_360 = arith.addi %mul3A_358, %add3A_359 : i32
      %dma_wait3A_361 = arith.constant 10 : i32
      %dma_wait3A_362 = arith.constant 0 : i32
      %dma_wait3A_363 = arith.constant 0 : i32
      %dma_wait3A_364 = tpu.memref_slice %arg6[%dma_wait3A_361, %dma_wait3A_362, %dma_wait3A_363] : memref<16x56x32xf32, #tpu.memory_space<vmem>> -> memref<1x56x32xf32, #tpu.memory_space<vmem>>
      %dma_wait3A_365 = tpu.memref_squeeze %dma_wait3A_364 : memref<1x56x32xf32, #tpu.memory_space<vmem>> -> memref<56x32xf32, #tpu.memory_space<vmem>>
      %dma_wait3A_366 = arith.constant 0 : i32
      %dma_wait3A_367 = tpu.memref_slice %arg5[%add3A_360, %dma_wait3A_366] : memref<512x56xi32, #tpu.memory_space<vmem>> -> memref<1x56xi32, #tpu.memory_space<vmem>>
      %dma_wait3A_368 = tpu.memref_squeeze %dma_wait3A_367 : memref<1x56xi32, #tpu.memory_space<vmem>> -> memref<56xi32, #tpu.memory_space<vmem>>
      %dma_wait3A_369 = arith.constant 0 : i32
      %dma_wait3A_370 = arith.constant 0 : i32
      %dma_wait3A_371 = tpu.memref_slice %arg3[%dma_wait3A_369, %dma_wait3A_370] : memref<1000000x32xf32, #tpu.memory_space<hbm>> -> memref<1000000x32xf32, #tpu.memory_space<hbm>>
      tpu.wait_indirect_dma semaphore(%arg8 : memref<!tpu.dma_semaphore, #tpu.memory_space<semaphore_mem>>) src(%dma_wait3A_371 : memref<1000000x32xf32, #tpu.memory_space<hbm>>) dst(%dma_wait3A_365 : memref<56x32xf32, #tpu.memory_space<vmem>>)
      %mul3A_372 = arith.constant 16 : i32
      %mul3A_373 = arith.muli %add3A_203, %mul3A_372 : i32
      %add3A_374 = arith.constant 11 : i32
      %add3A_375 = arith.addi %mul3A_373, %add3A_374 : i32
      %dma_wait3A_376 = arith.constant 11 : i32
      %dma_wait3A_377 = arith.constant 0 : i32
      %dma_wait3A_378 = arith.constant 0 : i32
      %dma_wait3A_379 = tpu.memref_slice %arg6[%dma_wait3A_376, %dma_wait3A_377, %dma_wait3A_378] : memref<16x56x32xf32, #tpu.memory_space<vmem>> -> memref<1x56x32xf32, #tpu.memory_space<vmem>>
      %dma_wait3A_380 = tpu.memref_squeeze %dma_wait3A_379 : memref<1x56x32xf32, #tpu.memory_space<vmem>> -> memref<56x32xf32, #tpu.memory_space<vmem>>
      %dma_wait3A_381 = arith.constant 0 : i32
      %dma_wait3A_382 = tpu.memref_slice %arg5[%add3A_375, %dma_wait3A_381] : memref<512x56xi32, #tpu.memory_space<vmem>> -> memref<1x56xi32, #tpu.memory_space<vmem>>
      %dma_wait3A_383 = tpu.memref_squeeze %dma_wait3A_382 : memref<1x56xi32, #tpu.memory_space<vmem>> -> memref<56xi32, #tpu.memory_space<vmem>>
      %dma_wait3A_384 = arith.constant 0 : i32
      %dma_wait3A_385 = arith.constant 0 : i32
      %dma_wait3A_386 = tpu.memref_slice %arg3[%dma_wait3A_384, %dma_wait3A_385] : memref<1000000x32xf32, #tpu.memory_space<hbm>> -> memref<1000000x32xf32, #tpu.memory_space<hbm>>
      tpu.wait_indirect_dma semaphore(%arg8 : memref<!tpu.dma_semaphore, #tpu.memory_space<semaphore_mem>>) src(%dma_wait3A_386 : memref<1000000x32xf32, #tpu.memory_space<hbm>>) dst(%dma_wait3A_380 : memref<56x32xf32, #tpu.memory_space<vmem>>)
      %mul3A_387 = arith.constant 16 : i32
      %mul3A_388 = arith.muli %add3A_203, %mul3A_387 : i32
      %add3A_389 = arith.constant 12 : i32
      %add3A_390 = arith.addi %mul3A_388, %add3A_389 : i32
      %dma_wait3A_391 = arith.constant 12 : i32
      %dma_wait3A_392 = arith.constant 0 : i32
      %dma_wait3A_393 = arith.constant 0 : i32
      %dma_wait3A_394 = tpu.memref_slice %arg6[%dma_wait3A_391, %dma_wait3A_392, %dma_wait3A_393] : memref<16x56x32xf32, #tpu.memory_space<vmem>> -> memref<1x56x32xf32, #tpu.memory_space<vmem>>
      %dma_wait3A_395 = tpu.memref_squeeze %dma_wait3A_394 : memref<1x56x32xf32, #tpu.memory_space<vmem>> -> memref<56x32xf32, #tpu.memory_space<vmem>>
      %dma_wait3A_396 = arith.constant 0 : i32
      %dma_wait3A_397 = tpu.memref_slice %arg5[%add3A_390, %dma_wait3A_396] : memref<512x56xi32, #tpu.memory_space<vmem>> -> memref<1x56xi32, #tpu.memory_space<vmem>>
      %dma_wait3A_398 = tpu.memref_squeeze %dma_wait3A_397 : memref<1x56xi32, #tpu.memory_space<vmem>> -> memref<56xi32, #tpu.memory_space<vmem>>
      %dma_wait3A_399 = arith.constant 0 : i32
      %dma_wait3A_400 = arith.constant 0 : i32
      %dma_wait3A_401 = tpu.memref_slice %arg3[%dma_wait3A_399, %dma_wait3A_400] : memref<1000000x32xf32, #tpu.memory_space<hbm>> -> memref<1000000x32xf32, #tpu.memory_space<hbm>>
      tpu.wait_indirect_dma semaphore(%arg8 : memref<!tpu.dma_semaphore, #tpu.memory_space<semaphore_mem>>) src(%dma_wait3A_401 : memref<1000000x32xf32, #tpu.memory_space<hbm>>) dst(%dma_wait3A_395 : memref<56x32xf32, #tpu.memory_space<vmem>>)
      %mul3A_402 = arith.constant 16 : i32
      %mul3A_403 = arith.muli %add3A_203, %mul3A_402 : i32
      %add3A_404 = arith.constant 13 : i32
      %add3A_405 = arith.addi %mul3A_403, %add3A_404 : i32
      %dma_wait3A_406 = arith.constant 13 : i32
      %dma_wait3A_407 = arith.constant 0 : i32
      %dma_wait3A_408 = arith.constant 0 : i32
      %dma_wait3A_409 = tpu.memref_slice %arg6[%dma_wait3A_406, %dma_wait3A_407, %dma_wait3A_408] : memref<16x56x32xf32, #tpu.memory_space<vmem>> -> memref<1x56x32xf32, #tpu.memory_space<vmem>>
      %dma_wait3A_410 = tpu.memref_squeeze %dma_wait3A_409 : memref<1x56x32xf32, #tpu.memory_space<vmem>> -> memref<56x32xf32, #tpu.memory_space<vmem>>
      %dma_wait3A_411 = arith.constant 0 : i32
      %dma_wait3A_412 = tpu.memref_slice %arg5[%add3A_405, %dma_wait3A_411] : memref<512x56xi32, #tpu.memory_space<vmem>> -> memref<1x56xi32, #tpu.memory_space<vmem>>
      %dma_wait3A_413 = tpu.memref_squeeze %dma_wait3A_412 : memref<1x56xi32, #tpu.memory_space<vmem>> -> memref<56xi32, #tpu.memory_space<vmem>>
      %dma_wait3A_414 = arith.constant 0 : i32
      %dma_wait3A_415 = arith.constant 0 : i32
      %dma_wait3A_416 = tpu.memref_slice %arg3[%dma_wait3A_414, %dma_wait3A_415] : memref<1000000x32xf32, #tpu.memory_space<hbm>> -> memref<1000000x32xf32, #tpu.memory_space<hbm>>
      tpu.wait_indirect_dma semaphore(%arg8 : memref<!tpu.dma_semaphore, #tpu.memory_space<semaphore_mem>>) src(%dma_wait3A_416 : memref<1000000x32xf32, #tpu.memory_space<hbm>>) dst(%dma_wait3A_410 : memref<56x32xf32, #tpu.memory_space<vmem>>)
      %mul3A_417 = arith.constant 16 : i32
      %mul3A_418 = arith.muli %add3A_203, %mul3A_417 : i32
      %add3A_419 = arith.constant 14 : i32
      %add3A_420 = arith.addi %mul3A_418, %add3A_419 : i32
      %dma_wait3A_421 = arith.constant 14 : i32
      %dma_wait3A_422 = arith.constant 0 : i32
      %dma_wait3A_423 = arith.constant 0 : i32
      %dma_wait3A_424 = tpu.memref_slice %arg6[%dma_wait3A_421, %dma_wait3A_422, %dma_wait3A_423] : memref<16x56x32xf32, #tpu.memory_space<vmem>> -> memref<1x56x32xf32, #tpu.memory_space<vmem>>
      %dma_wait3A_425 = tpu.memref_squeeze %dma_wait3A_424 : memref<1x56x32xf32, #tpu.memory_space<vmem>> -> memref<56x32xf32, #tpu.memory_space<vmem>>
      %dma_wait3A_426 = arith.constant 0 : i32
      %dma_wait3A_427 = tpu.memref_slice %arg5[%add3A_420, %dma_wait3A_426] : memref<512x56xi32, #tpu.memory_space<vmem>> -> memref<1x56xi32, #tpu.memory_space<vmem>>
      %dma_wait3A_428 = tpu.memref_squeeze %dma_wait3A_427 : memref<1x56xi32, #tpu.memory_space<vmem>> -> memref<56xi32, #tpu.memory_space<vmem>>
      %dma_wait3A_429 = arith.constant 0 : i32
      %dma_wait3A_430 = arith.constant 0 : i32
      %dma_wait3A_431 = tpu.memref_slice %arg3[%dma_wait3A_429, %dma_wait3A_430] : memref<1000000x32xf32, #tpu.memory_space<hbm>> -> memref<1000000x32xf32, #tpu.memory_space<hbm>>
      tpu.wait_indirect_dma semaphore(%arg8 : memref<!tpu.dma_semaphore, #tpu.memory_space<semaphore_mem>>) src(%dma_wait3A_431 : memref<1000000x32xf32, #tpu.memory_space<hbm>>) dst(%dma_wait3A_425 : memref<56x32xf32, #tpu.memory_space<vmem>>)
      %mul3A_432 = arith.constant 16 : i32
      %mul3A_433 = arith.muli %add3A_203, %mul3A_432 : i32
      %add3A_434 = arith.constant 15 : i32
      %add3A_435 = arith.addi %mul3A_433, %add3A_434 : i32
      %dma_wait3A_436 = arith.constant 15 : i32
      %dma_wait3A_437 = arith.constant 0 : i32
      %dma_wait3A_438 = arith.constant 0 : i32
      %dma_wait3A_439 = tpu.memref_slice %arg6[%dma_wait3A_436, %dma_wait3A_437, %dma_wait3A_438] : memref<16x56x32xf32, #tpu.memory_space<vmem>> -> memref<1x56x32xf32, #tpu.memory_space<vmem>>
      %dma_wait3A_440 = tpu.memref_squeeze %dma_wait3A_439 : memref<1x56x32xf32, #tpu.memory_space<vmem>> -> memref<56x32xf32, #tpu.memory_space<vmem>>
      %dma_wait3A_441 = arith.constant 0 : i32
      %dma_wait3A_442 = tpu.memref_slice %arg5[%add3A_435, %dma_wait3A_441] : memref<512x56xi32, #tpu.memory_space<vmem>> -> memref<1x56xi32, #tpu.memory_space<vmem>>
      %dma_wait3A_443 = tpu.memref_squeeze %dma_wait3A_442 : memref<1x56xi32, #tpu.memory_space<vmem>> -> memref<56xi32, #tpu.memory_space<vmem>>
      %dma_wait3A_444 = arith.constant 0 : i32
      %dma_wait3A_445 = arith.constant 0 : i32
      %dma_wait3A_446 = tpu.memref_slice %arg3[%dma_wait3A_444, %dma_wait3A_445] : memref<1000000x32xf32, #tpu.memory_space<hbm>> -> memref<1000000x32xf32, #tpu.memory_space<hbm>>
      tpu.wait_indirect_dma semaphore(%arg8 : memref<!tpu.dma_semaphore, #tpu.memory_space<semaphore_mem>>) src(%dma_wait3A_446 : memref<1000000x32xf32, #tpu.memory_space<hbm>>) dst(%dma_wait3A_440 : memref<56x32xf32, #tpu.memory_space<vmem>>)
      %mul3A_447 = arith.constant 16 : i32
      %mul3A_448 = arith.muli %add3A_203, %mul3A_447 : i32
      %add3A_449 = arith.addi %mul3A_2, %mul3A_448 : i32
      "tpu.region"() ({
        %run_scoped3A = tpu.sem_alloc : memref<!tpu.dma_semaphore, #tpu.memory_space<semaphore_mem>>
        %dma_start3A_704 = arith.constant 0 : i32
        %dma_start3A_705 = arith.constant 0 : i32
        %dma_start3A_706 = arith.constant 0 : i32
        %dma_start3A_707 = tpu.memref_slice %arg6[%dma_start3A_704, %dma_start3A_705, %dma_start3A_706] : memref<16x56x32xf32, #tpu.memory_space<vmem>> -> memref<16x50x32xf32, #tpu.memory_space<vmem>>
        %dma_start3A_708 = arith.constant 0 : i32
        %dma_start3A_709 = arith.constant 0 : i32
        %dma_start3A_710 = tpu.memref_slice %arg4[%add3A_449, %dma_start3A_708, %dma_start3A_709] : memref<16384x50x32xf32, #tpu.memory_space<hbm>> -> memref<16x50x32xf32, #tpu.memory_space<hbm>>
        %dma_start3A_711 = arith.constant 0 : i32
        %dma_start3A_712 = arith.constant 0 : i32
        %dma_start3A_713 = tpu.memref_slice %arg4[%add3A_449, %dma_start3A_711, %dma_start3A_712] : memref<16384x50x32xf32, #tpu.memory_space<hbm>> -> memref<16x50x32xf32, #tpu.memory_space<hbm>>
        %dma_start3A_714 = arith.constant 0 : i32
        %dma_start3A_715 = arith.constant 0 : i32
        %dma_start3A_716 = arith.constant 0 : i32
        %dma_start3A_717 = tpu.memref_slice %arg6[%dma_start3A_714, %dma_start3A_715, %dma_start3A_716] : memref<16x56x32xf32, #tpu.memory_space<vmem>> -> memref<16x50x32xf32, #tpu.memory_space<vmem>>
        tpu.enqueue_dma source(%dma_start3A_717 : memref<16x50x32xf32, #tpu.memory_space<vmem>>) target(%dma_start3A_713 : memref<16x50x32xf32, #tpu.memory_space<hbm>>) target_semaphore(%run_scoped3A : memref<!tpu.dma_semaphore, #tpu.memory_space<semaphore_mem>>)
        %dma_wait3A_718 = arith.constant 0 : i32
        %dma_wait3A_719 = arith.constant 0 : i32
        %dma_wait3A_720 = arith.constant 0 : i32
        %dma_wait3A_721 = tpu.memref_slice %arg6[%dma_wait3A_718, %dma_wait3A_719, %dma_wait3A_720] : memref<16x56x32xf32, #tpu.memory_space<vmem>> -> memref<16x50x32xf32, #tpu.memory_space<vmem>>
        %dma_wait3A_722 = arith.constant 0 : i32
        %dma_wait3A_723 = arith.constant 0 : i32
        %dma_wait3A_724 = tpu.memref_slice %arg4[%add3A_449, %dma_wait3A_722, %dma_wait3A_723] : memref<16384x50x32xf32, #tpu.memory_space<hbm>> -> memref<16x50x32xf32, #tpu.memory_space<hbm>>
        %dma_wait3A_725 = arith.constant 0 : i32
        %dma_wait3A_726 = arith.constant 0 : i32
        %dma_wait3A_727 = tpu.memref_slice %arg4[%add3A_449, %dma_wait3A_725, %dma_wait3A_726] : memref<16384x50x32xf32, #tpu.memory_space<hbm>> -> memref<16x50x32xf32, #tpu.memory_space<hbm>>
        %dma_wait3A_728 = arith.constant 0 : i32
        %dma_wait3A_729 = arith.constant 0 : i32
        %dma_wait3A_730 = arith.constant 0 : i32
        %dma_wait3A_731 = tpu.memref_slice %arg6[%dma_wait3A_728, %dma_wait3A_729, %dma_wait3A_730] : memref<16x56x32xf32, #tpu.memory_space<vmem>> -> memref<16x50x32xf32, #tpu.memory_space<vmem>>
        tpu.wait_dma2 semaphore(%run_scoped3A : memref<!tpu.dma_semaphore, #tpu.memory_space<semaphore_mem>>) src(%dma_wait3A_731 : memref<16x50x32xf32, #tpu.memory_space<vmem>>) dst(%dma_wait3A_727 : memref<16x50x32xf32, #tpu.memory_space<hbm>>)
        tpu.yield
      }) : () -> ()
      %mul3A_450 = arith.constant 2 : i32
      %mul3A_451 = arith.muli %mul3A_450, %scan3A_199 : i32
      %add3A_452 = arith.constant 1 : i32
      %add3A_453 = arith.addi %mul3A_451, %add3A_452 : i32
      %add3A_454 = arith.constant 1 : i32
      %add3A_455 = arith.addi %add3A_453, %add3A_454 : i32
      %lt3A_456 = arith.constant 32 : i32
      %lt3A_457 = arith.cmpi slt, %add3A_455, %lt3A_456 : i32
      %convert_element_type3A_458 = arith.extui %lt3A_457 : i1 to i32
      %cond3A_459 = arith.constant 0 : i32
      %cond3A_460 = arith.cmpi ne, %convert_element_type3A_458, %cond3A_459 : i32
      scf.if %cond3A_460 {
        %add3A_704 = arith.constant 1 : i32
        %add3A_705 = arith.addi %add3A_453, %add3A_704 : i32
        %mul3A_706 = arith.constant 16 : i32
        %mul3A_707 = arith.muli %add3A_705, %mul3A_706 : i32
        %add3A_708 = arith.constant 0 : i32
        %add3A_709 = arith.addi %mul3A_707, %add3A_708 : i32
        %dma_start3A_710 = arith.constant 0 : i32
        %dma_start3A_711 = arith.constant 0 : i32
        %dma_start3A_712 = arith.constant 0 : i32
        %dma_start3A_713 = tpu.memref_slice %arg6[%dma_start3A_710, %dma_start3A_711, %dma_start3A_712] : memref<16x56x32xf32, #tpu.memory_space<vmem>> -> memref<1x56x32xf32, #tpu.memory_space<vmem>>
        %dma_start3A_714 = tpu.memref_squeeze %dma_start3A_713 : memref<1x56x32xf32, #tpu.memory_space<vmem>> -> memref<56x32xf32, #tpu.memory_space<vmem>>
        %dma_start3A_715 = arith.constant 0 : i32
        %dma_start3A_716 = tpu.memref_slice %arg5[%add3A_709, %dma_start3A_715] : memref<512x56xi32, #tpu.memory_space<vmem>> -> memref<1x56xi32, #tpu.memory_space<vmem>>
        %dma_start3A_717 = tpu.memref_squeeze %dma_start3A_716 : memref<1x56xi32, #tpu.memory_space<vmem>> -> memref<56xi32, #tpu.memory_space<vmem>>
        %dma_start3A_718 = arith.constant 0 : i32
        %dma_start3A_719 = arith.constant 0 : i32
        %dma_start3A_720 = tpu.memref_slice %arg3[%dma_start3A_718, %dma_start3A_719] : memref<1000000x32xf32, #tpu.memory_space<hbm>> -> memref<1000000x32xf32, #tpu.memory_space<hbm>>
        tpu.enqueue_indirect_dma source(%dma_start3A_720 : memref<1000000x32xf32, #tpu.memory_space<hbm>>) target(%dma_start3A_714 : memref<56x32xf32, #tpu.memory_space<vmem>>) offsets(%dma_start3A_717 : memref<56xi32, #tpu.memory_space<vmem>>) semaphore(%arg8 : memref<!tpu.dma_semaphore, #tpu.memory_space<semaphore_mem>>)
        %mul3A_721 = arith.constant 16 : i32
        %mul3A_722 = arith.muli %add3A_705, %mul3A_721 : i32
        %add3A_723 = arith.constant 1 : i32
        %add3A_724 = arith.addi %mul3A_722, %add3A_723 : i32
        %dma_start3A_725 = arith.constant 1 : i32
        %dma_start3A_726 = arith.constant 0 : i32
        %dma_start3A_727 = arith.constant 0 : i32
        %dma_start3A_728 = tpu.memref_slice %arg6[%dma_start3A_725, %dma_start3A_726, %dma_start3A_727] : memref<16x56x32xf32, #tpu.memory_space<vmem>> -> memref<1x56x32xf32, #tpu.memory_space<vmem>>
        %dma_start3A_729 = tpu.memref_squeeze %dma_start3A_728 : memref<1x56x32xf32, #tpu.memory_space<vmem>> -> memref<56x32xf32, #tpu.memory_space<vmem>>
        %dma_start3A_730 = arith.constant 0 : i32
        %dma_start3A_731 = tpu.memref_slice %arg5[%add3A_724, %dma_start3A_730] : memref<512x56xi32, #tpu.memory_space<vmem>> -> memref<1x56xi32, #tpu.memory_space<vmem>>
        %dma_start3A_732 = tpu.memref_squeeze %dma_start3A_731 : memref<1x56xi32, #tpu.memory_space<vmem>> -> memref<56xi32, #tpu.memory_space<vmem>>
        %dma_start3A_733 = arith.constant 0 : i32
        %dma_start3A_734 = arith.constant 0 : i32
        %dma_start3A_735 = tpu.memref_slice %arg3[%dma_start3A_733, %dma_start3A_734] : memref<1000000x32xf32, #tpu.memory_space<hbm>> -> memref<1000000x32xf32, #tpu.memory_space<hbm>>
        tpu.enqueue_indirect_dma source(%dma_start3A_735 : memref<1000000x32xf32, #tpu.memory_space<hbm>>) target(%dma_start3A_729 : memref<56x32xf32, #tpu.memory_space<vmem>>) offsets(%dma_start3A_732 : memref<56xi32, #tpu.memory_space<vmem>>) semaphore(%arg8 : memref<!tpu.dma_semaphore, #tpu.memory_space<semaphore_mem>>)
        %mul3A_736 = arith.constant 16 : i32
        %mul3A_737 = arith.muli %add3A_705, %mul3A_736 : i32
        %add3A_738 = arith.constant 2 : i32
        %add3A_739 = arith.addi %mul3A_737, %add3A_738 : i32
        %dma_start3A_740 = arith.constant 2 : i32
        %dma_start3A_741 = arith.constant 0 : i32
        %dma_start3A_742 = arith.constant 0 : i32
        %dma_start3A_743 = tpu.memref_slice %arg6[%dma_start3A_740, %dma_start3A_741, %dma_start3A_742] : memref<16x56x32xf32, #tpu.memory_space<vmem>> -> memref<1x56x32xf32, #tpu.memory_space<vmem>>
        %dma_start3A_744 = tpu.memref_squeeze %dma_start3A_743 : memref<1x56x32xf32, #tpu.memory_space<vmem>> -> memref<56x32xf32, #tpu.memory_space<vmem>>
        %dma_start3A_745 = arith.constant 0 : i32
        %dma_start3A_746 = tpu.memref_slice %arg5[%add3A_739, %dma_start3A_745] : memref<512x56xi32, #tpu.memory_space<vmem>> -> memref<1x56xi32, #tpu.memory_space<vmem>>
        %dma_start3A_747 = tpu.memref_squeeze %dma_start3A_746 : memref<1x56xi32, #tpu.memory_space<vmem>> -> memref<56xi32, #tpu.memory_space<vmem>>
        %dma_start3A_748 = arith.constant 0 : i32
        %dma_start3A_749 = arith.constant 0 : i32
        %dma_start3A_750 = tpu.memref_slice %arg3[%dma_start3A_748, %dma_start3A_749] : memref<1000000x32xf32, #tpu.memory_space<hbm>> -> memref<1000000x32xf32, #tpu.memory_space<hbm>>
        tpu.enqueue_indirect_dma source(%dma_start3A_750 : memref<1000000x32xf32, #tpu.memory_space<hbm>>) target(%dma_start3A_744 : memref<56x32xf32, #tpu.memory_space<vmem>>) offsets(%dma_start3A_747 : memref<56xi32, #tpu.memory_space<vmem>>) semaphore(%arg8 : memref<!tpu.dma_semaphore, #tpu.memory_space<semaphore_mem>>)
        %mul3A_751 = arith.constant 16 : i32
        %mul3A_752 = arith.muli %add3A_705, %mul3A_751 : i32
        %add3A_753 = arith.constant 3 : i32
        %add3A_754 = arith.addi %mul3A_752, %add3A_753 : i32
        %dma_start3A_755 = arith.constant 3 : i32
        %dma_start3A_756 = arith.constant 0 : i32
        %dma_start3A_757 = arith.constant 0 : i32
        %dma_start3A_758 = tpu.memref_slice %arg6[%dma_start3A_755, %dma_start3A_756, %dma_start3A_757] : memref<16x56x32xf32, #tpu.memory_space<vmem>> -> memref<1x56x32xf32, #tpu.memory_space<vmem>>
        %dma_start3A_759 = tpu.memref_squeeze %dma_start3A_758 : memref<1x56x32xf32, #tpu.memory_space<vmem>> -> memref<56x32xf32, #tpu.memory_space<vmem>>
        %dma_start3A_760 = arith.constant 0 : i32
        %dma_start3A_761 = tpu.memref_slice %arg5[%add3A_754, %dma_start3A_760] : memref<512x56xi32, #tpu.memory_space<vmem>> -> memref<1x56xi32, #tpu.memory_space<vmem>>
        %dma_start3A_762 = tpu.memref_squeeze %dma_start3A_761 : memref<1x56xi32, #tpu.memory_space<vmem>> -> memref<56xi32, #tpu.memory_space<vmem>>
        %dma_start3A_763 = arith.constant 0 : i32
        %dma_start3A_764 = arith.constant 0 : i32
        %dma_start3A_765 = tpu.memref_slice %arg3[%dma_start3A_763, %dma_start3A_764] : memref<1000000x32xf32, #tpu.memory_space<hbm>> -> memref<1000000x32xf32, #tpu.memory_space<hbm>>
        tpu.enqueue_indirect_dma source(%dma_start3A_765 : memref<1000000x32xf32, #tpu.memory_space<hbm>>) target(%dma_start3A_759 : memref<56x32xf32, #tpu.memory_space<vmem>>) offsets(%dma_start3A_762 : memref<56xi32, #tpu.memory_space<vmem>>) semaphore(%arg8 : memref<!tpu.dma_semaphore, #tpu.memory_space<semaphore_mem>>)
        %mul3A_766 = arith.constant 16 : i32
        %mul3A_767 = arith.muli %add3A_705, %mul3A_766 : i32
        %add3A_768 = arith.constant 4 : i32
        %add3A_769 = arith.addi %mul3A_767, %add3A_768 : i32
        %dma_start3A_770 = arith.constant 4 : i32
        %dma_start3A_771 = arith.constant 0 : i32
        %dma_start3A_772 = arith.constant 0 : i32
        %dma_start3A_773 = tpu.memref_slice %arg6[%dma_start3A_770, %dma_start3A_771, %dma_start3A_772] : memref<16x56x32xf32, #tpu.memory_space<vmem>> -> memref<1x56x32xf32, #tpu.memory_space<vmem>>
        %dma_start3A_774 = tpu.memref_squeeze %dma_start3A_773 : memref<1x56x32xf32, #tpu.memory_space<vmem>> -> memref<56x32xf32, #tpu.memory_space<vmem>>
        %dma_start3A_775 = arith.constant 0 : i32
        %dma_start3A_776 = tpu.memref_slice %arg5[%add3A_769, %dma_start3A_775] : memref<512x56xi32, #tpu.memory_space<vmem>> -> memref<1x56xi32, #tpu.memory_space<vmem>>
        %dma_start3A_777 = tpu.memref_squeeze %dma_start3A_776 : memref<1x56xi32, #tpu.memory_space<vmem>> -> memref<56xi32, #tpu.memory_space<vmem>>
        %dma_start3A_778 = arith.constant 0 : i32
        %dma_start3A_779 = arith.constant 0 : i32
        %dma_start3A_780 = tpu.memref_slice %arg3[%dma_start3A_778, %dma_start3A_779] : memref<1000000x32xf32, #tpu.memory_space<hbm>> -> memref<1000000x32xf32, #tpu.memory_space<hbm>>
        tpu.enqueue_indirect_dma source(%dma_start3A_780 : memref<1000000x32xf32, #tpu.memory_space<hbm>>) target(%dma_start3A_774 : memref<56x32xf32, #tpu.memory_space<vmem>>) offsets(%dma_start3A_777 : memref<56xi32, #tpu.memory_space<vmem>>) semaphore(%arg8 : memref<!tpu.dma_semaphore, #tpu.memory_space<semaphore_mem>>)
        %mul3A_781 = arith.constant 16 : i32
        %mul3A_782 = arith.muli %add3A_705, %mul3A_781 : i32
        %add3A_783 = arith.constant 5 : i32
        %add3A_784 = arith.addi %mul3A_782, %add3A_783 : i32
        %dma_start3A_785 = arith.constant 5 : i32
        %dma_start3A_786 = arith.constant 0 : i32
        %dma_start3A_787 = arith.constant 0 : i32
        %dma_start3A_788 = tpu.memref_slice %arg6[%dma_start3A_785, %dma_start3A_786, %dma_start3A_787] : memref<16x56x32xf32, #tpu.memory_space<vmem>> -> memref<1x56x32xf32, #tpu.memory_space<vmem>>
        %dma_start3A_789 = tpu.memref_squeeze %dma_start3A_788 : memref<1x56x32xf32, #tpu.memory_space<vmem>> -> memref<56x32xf32, #tpu.memory_space<vmem>>
        %dma_start3A_790 = arith.constant 0 : i32
        %dma_start3A_791 = tpu.memref_slice %arg5[%add3A_784, %dma_start3A_790] : memref<512x56xi32, #tpu.memory_space<vmem>> -> memref<1x56xi32, #tpu.memory_space<vmem>>
        %dma_start3A_792 = tpu.memref_squeeze %dma_start3A_791 : memref<1x56xi32, #tpu.memory_space<vmem>> -> memref<56xi32, #tpu.memory_space<vmem>>
        %dma_start3A_793 = arith.constant 0 : i32
        %dma_start3A_794 = arith.constant 0 : i32
        %dma_start3A_795 = tpu.memref_slice %arg3[%dma_start3A_793, %dma_start3A_794] : memref<1000000x32xf32, #tpu.memory_space<hbm>> -> memref<1000000x32xf32, #tpu.memory_space<hbm>>
        tpu.enqueue_indirect_dma source(%dma_start3A_795 : memref<1000000x32xf32, #tpu.memory_space<hbm>>) target(%dma_start3A_789 : memref<56x32xf32, #tpu.memory_space<vmem>>) offsets(%dma_start3A_792 : memref<56xi32, #tpu.memory_space<vmem>>) semaphore(%arg8 : memref<!tpu.dma_semaphore, #tpu.memory_space<semaphore_mem>>)
        %mul3A_796 = arith.constant 16 : i32
        %mul3A_797 = arith.muli %add3A_705, %mul3A_796 : i32
        %add3A_798 = arith.constant 6 : i32
        %add3A_799 = arith.addi %mul3A_797, %add3A_798 : i32
        %dma_start3A_800 = arith.constant 6 : i32
        %dma_start3A_801 = arith.constant 0 : i32
        %dma_start3A_802 = arith.constant 0 : i32
        %dma_start3A_803 = tpu.memref_slice %arg6[%dma_start3A_800, %dma_start3A_801, %dma_start3A_802] : memref<16x56x32xf32, #tpu.memory_space<vmem>> -> memref<1x56x32xf32, #tpu.memory_space<vmem>>
        %dma_start3A_804 = tpu.memref_squeeze %dma_start3A_803 : memref<1x56x32xf32, #tpu.memory_space<vmem>> -> memref<56x32xf32, #tpu.memory_space<vmem>>
        %dma_start3A_805 = arith.constant 0 : i32
        %dma_start3A_806 = tpu.memref_slice %arg5[%add3A_799, %dma_start3A_805] : memref<512x56xi32, #tpu.memory_space<vmem>> -> memref<1x56xi32, #tpu.memory_space<vmem>>
        %dma_start3A_807 = tpu.memref_squeeze %dma_start3A_806 : memref<1x56xi32, #tpu.memory_space<vmem>> -> memref<56xi32, #tpu.memory_space<vmem>>
        %dma_start3A_808 = arith.constant 0 : i32
        %dma_start3A_809 = arith.constant 0 : i32
        %dma_start3A_810 = tpu.memref_slice %arg3[%dma_start3A_808, %dma_start3A_809] : memref<1000000x32xf32, #tpu.memory_space<hbm>> -> memref<1000000x32xf32, #tpu.memory_space<hbm>>
        tpu.enqueue_indirect_dma source(%dma_start3A_810 : memref<1000000x32xf32, #tpu.memory_space<hbm>>) target(%dma_start3A_804 : memref<56x32xf32, #tpu.memory_space<vmem>>) offsets(%dma_start3A_807 : memref<56xi32, #tpu.memory_space<vmem>>) semaphore(%arg8 : memref<!tpu.dma_semaphore, #tpu.memory_space<semaphore_mem>>)
        %mul3A_811 = arith.constant 16 : i32
        %mul3A_812 = arith.muli %add3A_705, %mul3A_811 : i32
        %add3A_813 = arith.constant 7 : i32
        %add3A_814 = arith.addi %mul3A_812, %add3A_813 : i32
        %dma_start3A_815 = arith.constant 7 : i32
        %dma_start3A_816 = arith.constant 0 : i32
        %dma_start3A_817 = arith.constant 0 : i32
        %dma_start3A_818 = tpu.memref_slice %arg6[%dma_start3A_815, %dma_start3A_816, %dma_start3A_817] : memref<16x56x32xf32, #tpu.memory_space<vmem>> -> memref<1x56x32xf32, #tpu.memory_space<vmem>>
        %dma_start3A_819 = tpu.memref_squeeze %dma_start3A_818 : memref<1x56x32xf32, #tpu.memory_space<vmem>> -> memref<56x32xf32, #tpu.memory_space<vmem>>
        %dma_start3A_820 = arith.constant 0 : i32
        %dma_start3A_821 = tpu.memref_slice %arg5[%add3A_814, %dma_start3A_820] : memref<512x56xi32, #tpu.memory_space<vmem>> -> memref<1x56xi32, #tpu.memory_space<vmem>>
        %dma_start3A_822 = tpu.memref_squeeze %dma_start3A_821 : memref<1x56xi32, #tpu.memory_space<vmem>> -> memref<56xi32, #tpu.memory_space<vmem>>
        %dma_start3A_823 = arith.constant 0 : i32
        %dma_start3A_824 = arith.constant 0 : i32
        %dma_start3A_825 = tpu.memref_slice %arg3[%dma_start3A_823, %dma_start3A_824] : memref<1000000x32xf32, #tpu.memory_space<hbm>> -> memref<1000000x32xf32, #tpu.memory_space<hbm>>
        tpu.enqueue_indirect_dma source(%dma_start3A_825 : memref<1000000x32xf32, #tpu.memory_space<hbm>>) target(%dma_start3A_819 : memref<56x32xf32, #tpu.memory_space<vmem>>) offsets(%dma_start3A_822 : memref<56xi32, #tpu.memory_space<vmem>>) semaphore(%arg8 : memref<!tpu.dma_semaphore, #tpu.memory_space<semaphore_mem>>)
        %mul3A_826 = arith.constant 16 : i32
        %mul3A_827 = arith.muli %add3A_705, %mul3A_826 : i32
        %add3A_828 = arith.constant 8 : i32
        %add3A_829 = arith.addi %mul3A_827, %add3A_828 : i32
        %dma_start3A_830 = arith.constant 8 : i32
        %dma_start3A_831 = arith.constant 0 : i32
        %dma_start3A_832 = arith.constant 0 : i32
        %dma_start3A_833 = tpu.memref_slice %arg6[%dma_start3A_830, %dma_start3A_831, %dma_start3A_832] : memref<16x56x32xf32, #tpu.memory_space<vmem>> -> memref<1x56x32xf32, #tpu.memory_space<vmem>>
        %dma_start3A_834 = tpu.memref_squeeze %dma_start3A_833 : memref<1x56x32xf32, #tpu.memory_space<vmem>> -> memref<56x32xf32, #tpu.memory_space<vmem>>
        %dma_start3A_835 = arith.constant 0 : i32
        %dma_start3A_836 = tpu.memref_slice %arg5[%add3A_829, %dma_start3A_835] : memref<512x56xi32, #tpu.memory_space<vmem>> -> memref<1x56xi32, #tpu.memory_space<vmem>>
        %dma_start3A_837 = tpu.memref_squeeze %dma_start3A_836 : memref<1x56xi32, #tpu.memory_space<vmem>> -> memref<56xi32, #tpu.memory_space<vmem>>
        %dma_start3A_838 = arith.constant 0 : i32
        %dma_start3A_839 = arith.constant 0 : i32
        %dma_start3A_840 = tpu.memref_slice %arg3[%dma_start3A_838, %dma_start3A_839] : memref<1000000x32xf32, #tpu.memory_space<hbm>> -> memref<1000000x32xf32, #tpu.memory_space<hbm>>
        tpu.enqueue_indirect_dma source(%dma_start3A_840 : memref<1000000x32xf32, #tpu.memory_space<hbm>>) target(%dma_start3A_834 : memref<56x32xf32, #tpu.memory_space<vmem>>) offsets(%dma_start3A_837 : memref<56xi32, #tpu.memory_space<vmem>>) semaphore(%arg8 : memref<!tpu.dma_semaphore, #tpu.memory_space<semaphore_mem>>)
        %mul3A_841 = arith.constant 16 : i32
        %mul3A_842 = arith.muli %add3A_705, %mul3A_841 : i32
        %add3A_843 = arith.constant 9 : i32
        %add3A_844 = arith.addi %mul3A_842, %add3A_843 : i32
        %dma_start3A_845 = arith.constant 9 : i32
        %dma_start3A_846 = arith.constant 0 : i32
        %dma_start3A_847 = arith.constant 0 : i32
        %dma_start3A_848 = tpu.memref_slice %arg6[%dma_start3A_845, %dma_start3A_846, %dma_start3A_847] : memref<16x56x32xf32, #tpu.memory_space<vmem>> -> memref<1x56x32xf32, #tpu.memory_space<vmem>>
        %dma_start3A_849 = tpu.memref_squeeze %dma_start3A_848 : memref<1x56x32xf32, #tpu.memory_space<vmem>> -> memref<56x32xf32, #tpu.memory_space<vmem>>
        %dma_start3A_850 = arith.constant 0 : i32
        %dma_start3A_851 = tpu.memref_slice %arg5[%add3A_844, %dma_start3A_850] : memref<512x56xi32, #tpu.memory_space<vmem>> -> memref<1x56xi32, #tpu.memory_space<vmem>>
        %dma_start3A_852 = tpu.memref_squeeze %dma_start3A_851 : memref<1x56xi32, #tpu.memory_space<vmem>> -> memref<56xi32, #tpu.memory_space<vmem>>
        %dma_start3A_853 = arith.constant 0 : i32
        %dma_start3A_854 = arith.constant 0 : i32
        %dma_start3A_855 = tpu.memref_slice %arg3[%dma_start3A_853, %dma_start3A_854] : memref<1000000x32xf32, #tpu.memory_space<hbm>> -> memref<1000000x32xf32, #tpu.memory_space<hbm>>
        tpu.enqueue_indirect_dma source(%dma_start3A_855 : memref<1000000x32xf32, #tpu.memory_space<hbm>>) target(%dma_start3A_849 : memref<56x32xf32, #tpu.memory_space<vmem>>) offsets(%dma_start3A_852 : memref<56xi32, #tpu.memory_space<vmem>>) semaphore(%arg8 : memref<!tpu.dma_semaphore, #tpu.memory_space<semaphore_mem>>)
        %mul3A_856 = arith.constant 16 : i32
        %mul3A_857 = arith.muli %add3A_705, %mul3A_856 : i32
        %add3A_858 = arith.constant 10 : i32
        %add3A_859 = arith.addi %mul3A_857, %add3A_858 : i32
        %dma_start3A_860 = arith.constant 10 : i32
        %dma_start3A_861 = arith.constant 0 : i32
        %dma_start3A_862 = arith.constant 0 : i32
        %dma_start3A_863 = tpu.memref_slice %arg6[%dma_start3A_860, %dma_start3A_861, %dma_start3A_862] : memref<16x56x32xf32, #tpu.memory_space<vmem>> -> memref<1x56x32xf32, #tpu.memory_space<vmem>>
        %dma_start3A_864 = tpu.memref_squeeze %dma_start3A_863 : memref<1x56x32xf32, #tpu.memory_space<vmem>> -> memref<56x32xf32, #tpu.memory_space<vmem>>
        %dma_start3A_865 = arith.constant 0 : i32
        %dma_start3A_866 = tpu.memref_slice %arg5[%add3A_859, %dma_start3A_865] : memref<512x56xi32, #tpu.memory_space<vmem>> -> memref<1x56xi32, #tpu.memory_space<vmem>>
        %dma_start3A_867 = tpu.memref_squeeze %dma_start3A_866 : memref<1x56xi32, #tpu.memory_space<vmem>> -> memref<56xi32, #tpu.memory_space<vmem>>
        %dma_start3A_868 = arith.constant 0 : i32
        %dma_start3A_869 = arith.constant 0 : i32
        %dma_start3A_870 = tpu.memref_slice %arg3[%dma_start3A_868, %dma_start3A_869] : memref<1000000x32xf32, #tpu.memory_space<hbm>> -> memref<1000000x32xf32, #tpu.memory_space<hbm>>
        tpu.enqueue_indirect_dma source(%dma_start3A_870 : memref<1000000x32xf32, #tpu.memory_space<hbm>>) target(%dma_start3A_864 : memref<56x32xf32, #tpu.memory_space<vmem>>) offsets(%dma_start3A_867 : memref<56xi32, #tpu.memory_space<vmem>>) semaphore(%arg8 : memref<!tpu.dma_semaphore, #tpu.memory_space<semaphore_mem>>)
        %mul3A_871 = arith.constant 16 : i32
        %mul3A_872 = arith.muli %add3A_705, %mul3A_871 : i32
        %add3A_873 = arith.constant 11 : i32
        %add3A_874 = arith.addi %mul3A_872, %add3A_873 : i32
        %dma_start3A_875 = arith.constant 11 : i32
        %dma_start3A_876 = arith.constant 0 : i32
        %dma_start3A_877 = arith.constant 0 : i32
        %dma_start3A_878 = tpu.memref_slice %arg6[%dma_start3A_875, %dma_start3A_876, %dma_start3A_877] : memref<16x56x32xf32, #tpu.memory_space<vmem>> -> memref<1x56x32xf32, #tpu.memory_space<vmem>>
        %dma_start3A_879 = tpu.memref_squeeze %dma_start3A_878 : memref<1x56x32xf32, #tpu.memory_space<vmem>> -> memref<56x32xf32, #tpu.memory_space<vmem>>
        %dma_start3A_880 = arith.constant 0 : i32
        %dma_start3A_881 = tpu.memref_slice %arg5[%add3A_874, %dma_start3A_880] : memref<512x56xi32, #tpu.memory_space<vmem>> -> memref<1x56xi32, #tpu.memory_space<vmem>>
        %dma_start3A_882 = tpu.memref_squeeze %dma_start3A_881 : memref<1x56xi32, #tpu.memory_space<vmem>> -> memref<56xi32, #tpu.memory_space<vmem>>
        %dma_start3A_883 = arith.constant 0 : i32
        %dma_start3A_884 = arith.constant 0 : i32
        %dma_start3A_885 = tpu.memref_slice %arg3[%dma_start3A_883, %dma_start3A_884] : memref<1000000x32xf32, #tpu.memory_space<hbm>> -> memref<1000000x32xf32, #tpu.memory_space<hbm>>
        tpu.enqueue_indirect_dma source(%dma_start3A_885 : memref<1000000x32xf32, #tpu.memory_space<hbm>>) target(%dma_start3A_879 : memref<56x32xf32, #tpu.memory_space<vmem>>) offsets(%dma_start3A_882 : memref<56xi32, #tpu.memory_space<vmem>>) semaphore(%arg8 : memref<!tpu.dma_semaphore, #tpu.memory_space<semaphore_mem>>)
        %mul3A_886 = arith.constant 16 : i32
        %mul3A_887 = arith.muli %add3A_705, %mul3A_886 : i32
        %add3A_888 = arith.constant 12 : i32
        %add3A_889 = arith.addi %mul3A_887, %add3A_888 : i32
        %dma_start3A_890 = arith.constant 12 : i32
        %dma_start3A_891 = arith.constant 0 : i32
        %dma_start3A_892 = arith.constant 0 : i32
        %dma_start3A_893 = tpu.memref_slice %arg6[%dma_start3A_890, %dma_start3A_891, %dma_start3A_892] : memref<16x56x32xf32, #tpu.memory_space<vmem>> -> memref<1x56x32xf32, #tpu.memory_space<vmem>>
        %dma_start3A_894 = tpu.memref_squeeze %dma_start3A_893 : memref<1x56x32xf32, #tpu.memory_space<vmem>> -> memref<56x32xf32, #tpu.memory_space<vmem>>
        %dma_start3A_895 = arith.constant 0 : i32
        %dma_start3A_896 = tpu.memref_slice %arg5[%add3A_889, %dma_start3A_895] : memref<512x56xi32, #tpu.memory_space<vmem>> -> memref<1x56xi32, #tpu.memory_space<vmem>>
        %dma_start3A_897 = tpu.memref_squeeze %dma_start3A_896 : memref<1x56xi32, #tpu.memory_space<vmem>> -> memref<56xi32, #tpu.memory_space<vmem>>
        %dma_start3A_898 = arith.constant 0 : i32
        %dma_start3A_899 = arith.constant 0 : i32
        %dma_start3A_900 = tpu.memref_slice %arg3[%dma_start3A_898, %dma_start3A_899] : memref<1000000x32xf32, #tpu.memory_space<hbm>> -> memref<1000000x32xf32, #tpu.memory_space<hbm>>
        tpu.enqueue_indirect_dma source(%dma_start3A_900 : memref<1000000x32xf32, #tpu.memory_space<hbm>>) target(%dma_start3A_894 : memref<56x32xf32, #tpu.memory_space<vmem>>) offsets(%dma_start3A_897 : memref<56xi32, #tpu.memory_space<vmem>>) semaphore(%arg8 : memref<!tpu.dma_semaphore, #tpu.memory_space<semaphore_mem>>)
        %mul3A_901 = arith.constant 16 : i32
        %mul3A_902 = arith.muli %add3A_705, %mul3A_901 : i32
        %add3A_903 = arith.constant 13 : i32
        %add3A_904 = arith.addi %mul3A_902, %add3A_903 : i32
        %dma_start3A_905 = arith.constant 13 : i32
        %dma_start3A_906 = arith.constant 0 : i32
        %dma_start3A_907 = arith.constant 0 : i32
        %dma_start3A_908 = tpu.memref_slice %arg6[%dma_start3A_905, %dma_start3A_906, %dma_start3A_907] : memref<16x56x32xf32, #tpu.memory_space<vmem>> -> memref<1x56x32xf32, #tpu.memory_space<vmem>>
        %dma_start3A_909 = tpu.memref_squeeze %dma_start3A_908 : memref<1x56x32xf32, #tpu.memory_space<vmem>> -> memref<56x32xf32, #tpu.memory_space<vmem>>
        %dma_start3A_910 = arith.constant 0 : i32
        %dma_start3A_911 = tpu.memref_slice %arg5[%add3A_904, %dma_start3A_910] : memref<512x56xi32, #tpu.memory_space<vmem>> -> memref<1x56xi32, #tpu.memory_space<vmem>>
        %dma_start3A_912 = tpu.memref_squeeze %dma_start3A_911 : memref<1x56xi32, #tpu.memory_space<vmem>> -> memref<56xi32, #tpu.memory_space<vmem>>
        %dma_start3A_913 = arith.constant 0 : i32
        %dma_start3A_914 = arith.constant 0 : i32
        %dma_start3A_915 = tpu.memref_slice %arg3[%dma_start3A_913, %dma_start3A_914] : memref<1000000x32xf32, #tpu.memory_space<hbm>> -> memref<1000000x32xf32, #tpu.memory_space<hbm>>
        tpu.enqueue_indirect_dma source(%dma_start3A_915 : memref<1000000x32xf32, #tpu.memory_space<hbm>>) target(%dma_start3A_909 : memref<56x32xf32, #tpu.memory_space<vmem>>) offsets(%dma_start3A_912 : memref<56xi32, #tpu.memory_space<vmem>>) semaphore(%arg8 : memref<!tpu.dma_semaphore, #tpu.memory_space<semaphore_mem>>)
        %mul3A_916 = arith.constant 16 : i32
        %mul3A_917 = arith.muli %add3A_705, %mul3A_916 : i32
        %add3A_918 = arith.constant 14 : i32
        %add3A_919 = arith.addi %mul3A_917, %add3A_918 : i32
        %dma_start3A_920 = arith.constant 14 : i32
        %dma_start3A_921 = arith.constant 0 : i32
        %dma_start3A_922 = arith.constant 0 : i32
        %dma_start3A_923 = tpu.memref_slice %arg6[%dma_start3A_920, %dma_start3A_921, %dma_start3A_922] : memref<16x56x32xf32, #tpu.memory_space<vmem>> -> memref<1x56x32xf32, #tpu.memory_space<vmem>>
        %dma_start3A_924 = tpu.memref_squeeze %dma_start3A_923 : memref<1x56x32xf32, #tpu.memory_space<vmem>> -> memref<56x32xf32, #tpu.memory_space<vmem>>
        %dma_start3A_925 = arith.constant 0 : i32
        %dma_start3A_926 = tpu.memref_slice %arg5[%add3A_919, %dma_start3A_925] : memref<512x56xi32, #tpu.memory_space<vmem>> -> memref<1x56xi32, #tpu.memory_space<vmem>>
        %dma_start3A_927 = tpu.memref_squeeze %dma_start3A_926 : memref<1x56xi32, #tpu.memory_space<vmem>> -> memref<56xi32, #tpu.memory_space<vmem>>
        %dma_start3A_928 = arith.constant 0 : i32
        %dma_start3A_929 = arith.constant 0 : i32
        %dma_start3A_930 = tpu.memref_slice %arg3[%dma_start3A_928, %dma_start3A_929] : memref<1000000x32xf32, #tpu.memory_space<hbm>> -> memref<1000000x32xf32, #tpu.memory_space<hbm>>
        tpu.enqueue_indirect_dma source(%dma_start3A_930 : memref<1000000x32xf32, #tpu.memory_space<hbm>>) target(%dma_start3A_924 : memref<56x32xf32, #tpu.memory_space<vmem>>) offsets(%dma_start3A_927 : memref<56xi32, #tpu.memory_space<vmem>>) semaphore(%arg8 : memref<!tpu.dma_semaphore, #tpu.memory_space<semaphore_mem>>)
        %mul3A_931 = arith.constant 16 : i32
        %mul3A_932 = arith.muli %add3A_705, %mul3A_931 : i32
        %add3A_933 = arith.constant 15 : i32
        %add3A_934 = arith.addi %mul3A_932, %add3A_933 : i32
        %dma_start3A_935 = arith.constant 15 : i32
        %dma_start3A_936 = arith.constant 0 : i32
        %dma_start3A_937 = arith.constant 0 : i32
        %dma_start3A_938 = tpu.memref_slice %arg6[%dma_start3A_935, %dma_start3A_936, %dma_start3A_937] : memref<16x56x32xf32, #tpu.memory_space<vmem>> -> memref<1x56x32xf32, #tpu.memory_space<vmem>>
        %dma_start3A_939 = tpu.memref_squeeze %dma_start3A_938 : memref<1x56x32xf32, #tpu.memory_space<vmem>> -> memref<56x32xf32, #tpu.memory_space<vmem>>
        %dma_start3A_940 = arith.constant 0 : i32
        %dma_start3A_941 = tpu.memref_slice %arg5[%add3A_934, %dma_start3A_940] : memref<512x56xi32, #tpu.memory_space<vmem>> -> memref<1x56xi32, #tpu.memory_space<vmem>>
        %dma_start3A_942 = tpu.memref_squeeze %dma_start3A_941 : memref<1x56xi32, #tpu.memory_space<vmem>> -> memref<56xi32, #tpu.memory_space<vmem>>
        %dma_start3A_943 = arith.constant 0 : i32
        %dma_start3A_944 = arith.constant 0 : i32
        %dma_start3A_945 = tpu.memref_slice %arg3[%dma_start3A_943, %dma_start3A_944] : memref<1000000x32xf32, #tpu.memory_space<hbm>> -> memref<1000000x32xf32, #tpu.memory_space<hbm>>
        tpu.enqueue_indirect_dma source(%dma_start3A_945 : memref<1000000x32xf32, #tpu.memory_space<hbm>>) target(%dma_start3A_939 : memref<56x32xf32, #tpu.memory_space<vmem>>) offsets(%dma_start3A_942 : memref<56xi32, #tpu.memory_space<vmem>>) semaphore(%arg8 : memref<!tpu.dma_semaphore, #tpu.memory_space<semaphore_mem>>)
      } else {
      }
      %mul3A_461 = arith.constant 16 : i32
      %mul3A_462 = arith.muli %add3A_453, %mul3A_461 : i32
      %add3A_463 = arith.constant 0 : i32
      %add3A_464 = arith.addi %mul3A_462, %add3A_463 : i32
      %dma_wait3A_465 = arith.constant 0 : i32
      %dma_wait3A_466 = arith.constant 0 : i32
      %dma_wait3A_467 = arith.constant 0 : i32
      %dma_wait3A_468 = tpu.memref_slice %arg7[%dma_wait3A_465, %dma_wait3A_466, %dma_wait3A_467] : memref<16x56x32xf32, #tpu.memory_space<vmem>> -> memref<1x56x32xf32, #tpu.memory_space<vmem>>
      %dma_wait3A_469 = tpu.memref_squeeze %dma_wait3A_468 : memref<1x56x32xf32, #tpu.memory_space<vmem>> -> memref<56x32xf32, #tpu.memory_space<vmem>>
      %dma_wait3A_470 = arith.constant 0 : i32
      %dma_wait3A_471 = tpu.memref_slice %arg5[%add3A_464, %dma_wait3A_470] : memref<512x56xi32, #tpu.memory_space<vmem>> -> memref<1x56xi32, #tpu.memory_space<vmem>>
      %dma_wait3A_472 = tpu.memref_squeeze %dma_wait3A_471 : memref<1x56xi32, #tpu.memory_space<vmem>> -> memref<56xi32, #tpu.memory_space<vmem>>
      %dma_wait3A_473 = arith.constant 0 : i32
      %dma_wait3A_474 = arith.constant 0 : i32
      %dma_wait3A_475 = tpu.memref_slice %arg3[%dma_wait3A_473, %dma_wait3A_474] : memref<1000000x32xf32, #tpu.memory_space<hbm>> -> memref<1000000x32xf32, #tpu.memory_space<hbm>>
      tpu.wait_indirect_dma semaphore(%arg9 : memref<!tpu.dma_semaphore, #tpu.memory_space<semaphore_mem>>) src(%dma_wait3A_475 : memref<1000000x32xf32, #tpu.memory_space<hbm>>) dst(%dma_wait3A_469 : memref<56x32xf32, #tpu.memory_space<vmem>>)
      %mul3A_476 = arith.constant 16 : i32
      %mul3A_477 = arith.muli %add3A_453, %mul3A_476 : i32
      %add3A_478 = arith.constant 1 : i32
      %add3A_479 = arith.addi %mul3A_477, %add3A_478 : i32
      %dma_wait3A_480 = arith.constant 1 : i32
      %dma_wait3A_481 = arith.constant 0 : i32
      %dma_wait3A_482 = arith.constant 0 : i32
      %dma_wait3A_483 = tpu.memref_slice %arg7[%dma_wait3A_480, %dma_wait3A_481, %dma_wait3A_482] : memref<16x56x32xf32, #tpu.memory_space<vmem>> -> memref<1x56x32xf32, #tpu.memory_space<vmem>>
      %dma_wait3A_484 = tpu.memref_squeeze %dma_wait3A_483 : memref<1x56x32xf32, #tpu.memory_space<vmem>> -> memref<56x32xf32, #tpu.memory_space<vmem>>
      %dma_wait3A_485 = arith.constant 0 : i32
      %dma_wait3A_486 = tpu.memref_slice %arg5[%add3A_479, %dma_wait3A_485] : memref<512x56xi32, #tpu.memory_space<vmem>> -> memref<1x56xi32, #tpu.memory_space<vmem>>
      %dma_wait3A_487 = tpu.memref_squeeze %dma_wait3A_486 : memref<1x56xi32, #tpu.memory_space<vmem>> -> memref<56xi32, #tpu.memory_space<vmem>>
      %dma_wait3A_488 = arith.constant 0 : i32
      %dma_wait3A_489 = arith.constant 0 : i32
      %dma_wait3A_490 = tpu.memref_slice %arg3[%dma_wait3A_488, %dma_wait3A_489] : memref<1000000x32xf32, #tpu.memory_space<hbm>> -> memref<1000000x32xf32, #tpu.memory_space<hbm>>
      tpu.wait_indirect_dma semaphore(%arg9 : memref<!tpu.dma_semaphore, #tpu.memory_space<semaphore_mem>>) src(%dma_wait3A_490 : memref<1000000x32xf32, #tpu.memory_space<hbm>>) dst(%dma_wait3A_484 : memref<56x32xf32, #tpu.memory_space<vmem>>)
      %mul3A_491 = arith.constant 16 : i32
      %mul3A_492 = arith.muli %add3A_453, %mul3A_491 : i32
      %add3A_493 = arith.constant 2 : i32
      %add3A_494 = arith.addi %mul3A_492, %add3A_493 : i32
      %dma_wait3A_495 = arith.constant 2 : i32
      %dma_wait3A_496 = arith.constant 0 : i32
      %dma_wait3A_497 = arith.constant 0 : i32
      %dma_wait3A_498 = tpu.memref_slice %arg7[%dma_wait3A_495, %dma_wait3A_496, %dma_wait3A_497] : memref<16x56x32xf32, #tpu.memory_space<vmem>> -> memref<1x56x32xf32, #tpu.memory_space<vmem>>
      %dma_wait3A_499 = tpu.memref_squeeze %dma_wait3A_498 : memref<1x56x32xf32, #tpu.memory_space<vmem>> -> memref<56x32xf32, #tpu.memory_space<vmem>>
      %dma_wait3A_500 = arith.constant 0 : i32
      %dma_wait3A_501 = tpu.memref_slice %arg5[%add3A_494, %dma_wait3A_500] : memref<512x56xi32, #tpu.memory_space<vmem>> -> memref<1x56xi32, #tpu.memory_space<vmem>>
      %dma_wait3A_502 = tpu.memref_squeeze %dma_wait3A_501 : memref<1x56xi32, #tpu.memory_space<vmem>> -> memref<56xi32, #tpu.memory_space<vmem>>
      %dma_wait3A_503 = arith.constant 0 : i32
      %dma_wait3A_504 = arith.constant 0 : i32
      %dma_wait3A_505 = tpu.memref_slice %arg3[%dma_wait3A_503, %dma_wait3A_504] : memref<1000000x32xf32, #tpu.memory_space<hbm>> -> memref<1000000x32xf32, #tpu.memory_space<hbm>>
      tpu.wait_indirect_dma semaphore(%arg9 : memref<!tpu.dma_semaphore, #tpu.memory_space<semaphore_mem>>) src(%dma_wait3A_505 : memref<1000000x32xf32, #tpu.memory_space<hbm>>) dst(%dma_wait3A_499 : memref<56x32xf32, #tpu.memory_space<vmem>>)
      %mul3A_506 = arith.constant 16 : i32
      %mul3A_507 = arith.muli %add3A_453, %mul3A_506 : i32
      %add3A_508 = arith.constant 3 : i32
      %add3A_509 = arith.addi %mul3A_507, %add3A_508 : i32
      %dma_wait3A_510 = arith.constant 3 : i32
      %dma_wait3A_511 = arith.constant 0 : i32
      %dma_wait3A_512 = arith.constant 0 : i32
      %dma_wait3A_513 = tpu.memref_slice %arg7[%dma_wait3A_510, %dma_wait3A_511, %dma_wait3A_512] : memref<16x56x32xf32, #tpu.memory_space<vmem>> -> memref<1x56x32xf32, #tpu.memory_space<vmem>>
      %dma_wait3A_514 = tpu.memref_squeeze %dma_wait3A_513 : memref<1x56x32xf32, #tpu.memory_space<vmem>> -> memref<56x32xf32, #tpu.memory_space<vmem>>
      %dma_wait3A_515 = arith.constant 0 : i32
      %dma_wait3A_516 = tpu.memref_slice %arg5[%add3A_509, %dma_wait3A_515] : memref<512x56xi32, #tpu.memory_space<vmem>> -> memref<1x56xi32, #tpu.memory_space<vmem>>
      %dma_wait3A_517 = tpu.memref_squeeze %dma_wait3A_516 : memref<1x56xi32, #tpu.memory_space<vmem>> -> memref<56xi32, #tpu.memory_space<vmem>>
      %dma_wait3A_518 = arith.constant 0 : i32
      %dma_wait3A_519 = arith.constant 0 : i32
      %dma_wait3A_520 = tpu.memref_slice %arg3[%dma_wait3A_518, %dma_wait3A_519] : memref<1000000x32xf32, #tpu.memory_space<hbm>> -> memref<1000000x32xf32, #tpu.memory_space<hbm>>
      tpu.wait_indirect_dma semaphore(%arg9 : memref<!tpu.dma_semaphore, #tpu.memory_space<semaphore_mem>>) src(%dma_wait3A_520 : memref<1000000x32xf32, #tpu.memory_space<hbm>>) dst(%dma_wait3A_514 : memref<56x32xf32, #tpu.memory_space<vmem>>)
      %mul3A_521 = arith.constant 16 : i32
      %mul3A_522 = arith.muli %add3A_453, %mul3A_521 : i32
      %add3A_523 = arith.constant 4 : i32
      %add3A_524 = arith.addi %mul3A_522, %add3A_523 : i32
      %dma_wait3A_525 = arith.constant 4 : i32
      %dma_wait3A_526 = arith.constant 0 : i32
      %dma_wait3A_527 = arith.constant 0 : i32
      %dma_wait3A_528 = tpu.memref_slice %arg7[%dma_wait3A_525, %dma_wait3A_526, %dma_wait3A_527] : memref<16x56x32xf32, #tpu.memory_space<vmem>> -> memref<1x56x32xf32, #tpu.memory_space<vmem>>
      %dma_wait3A_529 = tpu.memref_squeeze %dma_wait3A_528 : memref<1x56x32xf32, #tpu.memory_space<vmem>> -> memref<56x32xf32, #tpu.memory_space<vmem>>
      %dma_wait3A_530 = arith.constant 0 : i32
      %dma_wait3A_531 = tpu.memref_slice %arg5[%add3A_524, %dma_wait3A_530] : memref<512x56xi32, #tpu.memory_space<vmem>> -> memref<1x56xi32, #tpu.memory_space<vmem>>
      %dma_wait3A_532 = tpu.memref_squeeze %dma_wait3A_531 : memref<1x56xi32, #tpu.memory_space<vmem>> -> memref<56xi32, #tpu.memory_space<vmem>>
      %dma_wait3A_533 = arith.constant 0 : i32
      %dma_wait3A_534 = arith.constant 0 : i32
      %dma_wait3A_535 = tpu.memref_slice %arg3[%dma_wait3A_533, %dma_wait3A_534] : memref<1000000x32xf32, #tpu.memory_space<hbm>> -> memref<1000000x32xf32, #tpu.memory_space<hbm>>
      tpu.wait_indirect_dma semaphore(%arg9 : memref<!tpu.dma_semaphore, #tpu.memory_space<semaphore_mem>>) src(%dma_wait3A_535 : memref<1000000x32xf32, #tpu.memory_space<hbm>>) dst(%dma_wait3A_529 : memref<56x32xf32, #tpu.memory_space<vmem>>)
      %mul3A_536 = arith.constant 16 : i32
      %mul3A_537 = arith.muli %add3A_453, %mul3A_536 : i32
      %add3A_538 = arith.constant 5 : i32
      %add3A_539 = arith.addi %mul3A_537, %add3A_538 : i32
      %dma_wait3A_540 = arith.constant 5 : i32
      %dma_wait3A_541 = arith.constant 0 : i32
      %dma_wait3A_542 = arith.constant 0 : i32
      %dma_wait3A_543 = tpu.memref_slice %arg7[%dma_wait3A_540, %dma_wait3A_541, %dma_wait3A_542] : memref<16x56x32xf32, #tpu.memory_space<vmem>> -> memref<1x56x32xf32, #tpu.memory_space<vmem>>
      %dma_wait3A_544 = tpu.memref_squeeze %dma_wait3A_543 : memref<1x56x32xf32, #tpu.memory_space<vmem>> -> memref<56x32xf32, #tpu.memory_space<vmem>>
      %dma_wait3A_545 = arith.constant 0 : i32
      %dma_wait3A_546 = tpu.memref_slice %arg5[%add3A_539, %dma_wait3A_545] : memref<512x56xi32, #tpu.memory_space<vmem>> -> memref<1x56xi32, #tpu.memory_space<vmem>>
      %dma_wait3A_547 = tpu.memref_squeeze %dma_wait3A_546 : memref<1x56xi32, #tpu.memory_space<vmem>> -> memref<56xi32, #tpu.memory_space<vmem>>
      %dma_wait3A_548 = arith.constant 0 : i32
      %dma_wait3A_549 = arith.constant 0 : i32
      %dma_wait3A_550 = tpu.memref_slice %arg3[%dma_wait3A_548, %dma_wait3A_549] : memref<1000000x32xf32, #tpu.memory_space<hbm>> -> memref<1000000x32xf32, #tpu.memory_space<hbm>>
      tpu.wait_indirect_dma semaphore(%arg9 : memref<!tpu.dma_semaphore, #tpu.memory_space<semaphore_mem>>) src(%dma_wait3A_550 : memref<1000000x32xf32, #tpu.memory_space<hbm>>) dst(%dma_wait3A_544 : memref<56x32xf32, #tpu.memory_space<vmem>>)
      %mul3A_551 = arith.constant 16 : i32
      %mul3A_552 = arith.muli %add3A_453, %mul3A_551 : i32
      %add3A_553 = arith.constant 6 : i32
      %add3A_554 = arith.addi %mul3A_552, %add3A_553 : i32
      %dma_wait3A_555 = arith.constant 6 : i32
      %dma_wait3A_556 = arith.constant 0 : i32
      %dma_wait3A_557 = arith.constant 0 : i32
      %dma_wait3A_558 = tpu.memref_slice %arg7[%dma_wait3A_555, %dma_wait3A_556, %dma_wait3A_557] : memref<16x56x32xf32, #tpu.memory_space<vmem>> -> memref<1x56x32xf32, #tpu.memory_space<vmem>>
      %dma_wait3A_559 = tpu.memref_squeeze %dma_wait3A_558 : memref<1x56x32xf32, #tpu.memory_space<vmem>> -> memref<56x32xf32, #tpu.memory_space<vmem>>
      %dma_wait3A_560 = arith.constant 0 : i32
      %dma_wait3A_561 = tpu.memref_slice %arg5[%add3A_554, %dma_wait3A_560] : memref<512x56xi32, #tpu.memory_space<vmem>> -> memref<1x56xi32, #tpu.memory_space<vmem>>
      %dma_wait3A_562 = tpu.memref_squeeze %dma_wait3A_561 : memref<1x56xi32, #tpu.memory_space<vmem>> -> memref<56xi32, #tpu.memory_space<vmem>>
      %dma_wait3A_563 = arith.constant 0 : i32
      %dma_wait3A_564 = arith.constant 0 : i32
      %dma_wait3A_565 = tpu.memref_slice %arg3[%dma_wait3A_563, %dma_wait3A_564] : memref<1000000x32xf32, #tpu.memory_space<hbm>> -> memref<1000000x32xf32, #tpu.memory_space<hbm>>
      tpu.wait_indirect_dma semaphore(%arg9 : memref<!tpu.dma_semaphore, #tpu.memory_space<semaphore_mem>>) src(%dma_wait3A_565 : memref<1000000x32xf32, #tpu.memory_space<hbm>>) dst(%dma_wait3A_559 : memref<56x32xf32, #tpu.memory_space<vmem>>)
      %mul3A_566 = arith.constant 16 : i32
      %mul3A_567 = arith.muli %add3A_453, %mul3A_566 : i32
      %add3A_568 = arith.constant 7 : i32
      %add3A_569 = arith.addi %mul3A_567, %add3A_568 : i32
      %dma_wait3A_570 = arith.constant 7 : i32
      %dma_wait3A_571 = arith.constant 0 : i32
      %dma_wait3A_572 = arith.constant 0 : i32
      %dma_wait3A_573 = tpu.memref_slice %arg7[%dma_wait3A_570, %dma_wait3A_571, %dma_wait3A_572] : memref<16x56x32xf32, #tpu.memory_space<vmem>> -> memref<1x56x32xf32, #tpu.memory_space<vmem>>
      %dma_wait3A_574 = tpu.memref_squeeze %dma_wait3A_573 : memref<1x56x32xf32, #tpu.memory_space<vmem>> -> memref<56x32xf32, #tpu.memory_space<vmem>>
      %dma_wait3A_575 = arith.constant 0 : i32
      %dma_wait3A_576 = tpu.memref_slice %arg5[%add3A_569, %dma_wait3A_575] : memref<512x56xi32, #tpu.memory_space<vmem>> -> memref<1x56xi32, #tpu.memory_space<vmem>>
      %dma_wait3A_577 = tpu.memref_squeeze %dma_wait3A_576 : memref<1x56xi32, #tpu.memory_space<vmem>> -> memref<56xi32, #tpu.memory_space<vmem>>
      %dma_wait3A_578 = arith.constant 0 : i32
      %dma_wait3A_579 = arith.constant 0 : i32
      %dma_wait3A_580 = tpu.memref_slice %arg3[%dma_wait3A_578, %dma_wait3A_579] : memref<1000000x32xf32, #tpu.memory_space<hbm>> -> memref<1000000x32xf32, #tpu.memory_space<hbm>>
      tpu.wait_indirect_dma semaphore(%arg9 : memref<!tpu.dma_semaphore, #tpu.memory_space<semaphore_mem>>) src(%dma_wait3A_580 : memref<1000000x32xf32, #tpu.memory_space<hbm>>) dst(%dma_wait3A_574 : memref<56x32xf32, #tpu.memory_space<vmem>>)
      %mul3A_581 = arith.constant 16 : i32
      %mul3A_582 = arith.muli %add3A_453, %mul3A_581 : i32
      %add3A_583 = arith.constant 8 : i32
      %add3A_584 = arith.addi %mul3A_582, %add3A_583 : i32
      %dma_wait3A_585 = arith.constant 8 : i32
      %dma_wait3A_586 = arith.constant 0 : i32
      %dma_wait3A_587 = arith.constant 0 : i32
      %dma_wait3A_588 = tpu.memref_slice %arg7[%dma_wait3A_585, %dma_wait3A_586, %dma_wait3A_587] : memref<16x56x32xf32, #tpu.memory_space<vmem>> -> memref<1x56x32xf32, #tpu.memory_space<vmem>>
      %dma_wait3A_589 = tpu.memref_squeeze %dma_wait3A_588 : memref<1x56x32xf32, #tpu.memory_space<vmem>> -> memref<56x32xf32, #tpu.memory_space<vmem>>
      %dma_wait3A_590 = arith.constant 0 : i32
      %dma_wait3A_591 = tpu.memref_slice %arg5[%add3A_584, %dma_wait3A_590] : memref<512x56xi32, #tpu.memory_space<vmem>> -> memref<1x56xi32, #tpu.memory_space<vmem>>
      %dma_wait3A_592 = tpu.memref_squeeze %dma_wait3A_591 : memref<1x56xi32, #tpu.memory_space<vmem>> -> memref<56xi32, #tpu.memory_space<vmem>>
      %dma_wait3A_593 = arith.constant 0 : i32
      %dma_wait3A_594 = arith.constant 0 : i32
      %dma_wait3A_595 = tpu.memref_slice %arg3[%dma_wait3A_593, %dma_wait3A_594] : memref<1000000x32xf32, #tpu.memory_space<hbm>> -> memref<1000000x32xf32, #tpu.memory_space<hbm>>
      tpu.wait_indirect_dma semaphore(%arg9 : memref<!tpu.dma_semaphore, #tpu.memory_space<semaphore_mem>>) src(%dma_wait3A_595 : memref<1000000x32xf32, #tpu.memory_space<hbm>>) dst(%dma_wait3A_589 : memref<56x32xf32, #tpu.memory_space<vmem>>)
      %mul3A_596 = arith.constant 16 : i32
      %mul3A_597 = arith.muli %add3A_453, %mul3A_596 : i32
      %add3A_598 = arith.constant 9 : i32
      %add3A_599 = arith.addi %mul3A_597, %add3A_598 : i32
      %dma_wait3A_600 = arith.constant 9 : i32
      %dma_wait3A_601 = arith.constant 0 : i32
      %dma_wait3A_602 = arith.constant 0 : i32
      %dma_wait3A_603 = tpu.memref_slice %arg7[%dma_wait3A_600, %dma_wait3A_601, %dma_wait3A_602] : memref<16x56x32xf32, #tpu.memory_space<vmem>> -> memref<1x56x32xf32, #tpu.memory_space<vmem>>
      %dma_wait3A_604 = tpu.memref_squeeze %dma_wait3A_603 : memref<1x56x32xf32, #tpu.memory_space<vmem>> -> memref<56x32xf32, #tpu.memory_space<vmem>>
      %dma_wait3A_605 = arith.constant 0 : i32
      %dma_wait3A_606 = tpu.memref_slice %arg5[%add3A_599, %dma_wait3A_605] : memref<512x56xi32, #tpu.memory_space<vmem>> -> memref<1x56xi32, #tpu.memory_space<vmem>>
      %dma_wait3A_607 = tpu.memref_squeeze %dma_wait3A_606 : memref<1x56xi32, #tpu.memory_space<vmem>> -> memref<56xi32, #tpu.memory_space<vmem>>
      %dma_wait3A_608 = arith.constant 0 : i32
      %dma_wait3A_609 = arith.constant 0 : i32
      %dma_wait3A_610 = tpu.memref_slice %arg3[%dma_wait3A_608, %dma_wait3A_609] : memref<1000000x32xf32, #tpu.memory_space<hbm>> -> memref<1000000x32xf32, #tpu.memory_space<hbm>>
      tpu.wait_indirect_dma semaphore(%arg9 : memref<!tpu.dma_semaphore, #tpu.memory_space<semaphore_mem>>) src(%dma_wait3A_610 : memref<1000000x32xf32, #tpu.memory_space<hbm>>) dst(%dma_wait3A_604 : memref<56x32xf32, #tpu.memory_space<vmem>>)
      %mul3A_611 = arith.constant 16 : i32
      %mul3A_612 = arith.muli %add3A_453, %mul3A_611 : i32
      %add3A_613 = arith.constant 10 : i32
      %add3A_614 = arith.addi %mul3A_612, %add3A_613 : i32
      %dma_wait3A_615 = arith.constant 10 : i32
      %dma_wait3A_616 = arith.constant 0 : i32
      %dma_wait3A_617 = arith.constant 0 : i32
      %dma_wait3A_618 = tpu.memref_slice %arg7[%dma_wait3A_615, %dma_wait3A_616, %dma_wait3A_617] : memref<16x56x32xf32, #tpu.memory_space<vmem>> -> memref<1x56x32xf32, #tpu.memory_space<vmem>>
      %dma_wait3A_619 = tpu.memref_squeeze %dma_wait3A_618 : memref<1x56x32xf32, #tpu.memory_space<vmem>> -> memref<56x32xf32, #tpu.memory_space<vmem>>
      %dma_wait3A_620 = arith.constant 0 : i32
      %dma_wait3A_621 = tpu.memref_slice %arg5[%add3A_614, %dma_wait3A_620] : memref<512x56xi32, #tpu.memory_space<vmem>> -> memref<1x56xi32, #tpu.memory_space<vmem>>
      %dma_wait3A_622 = tpu.memref_squeeze %dma_wait3A_621 : memref<1x56xi32, #tpu.memory_space<vmem>> -> memref<56xi32, #tpu.memory_space<vmem>>
      %dma_wait3A_623 = arith.constant 0 : i32
      %dma_wait3A_624 = arith.constant 0 : i32
      %dma_wait3A_625 = tpu.memref_slice %arg3[%dma_wait3A_623, %dma_wait3A_624] : memref<1000000x32xf32, #tpu.memory_space<hbm>> -> memref<1000000x32xf32, #tpu.memory_space<hbm>>
      tpu.wait_indirect_dma semaphore(%arg9 : memref<!tpu.dma_semaphore, #tpu.memory_space<semaphore_mem>>) src(%dma_wait3A_625 : memref<1000000x32xf32, #tpu.memory_space<hbm>>) dst(%dma_wait3A_619 : memref<56x32xf32, #tpu.memory_space<vmem>>)
      %mul3A_626 = arith.constant 16 : i32
      %mul3A_627 = arith.muli %add3A_453, %mul3A_626 : i32
      %add3A_628 = arith.constant 11 : i32
      %add3A_629 = arith.addi %mul3A_627, %add3A_628 : i32
      %dma_wait3A_630 = arith.constant 11 : i32
      %dma_wait3A_631 = arith.constant 0 : i32
      %dma_wait3A_632 = arith.constant 0 : i32
      %dma_wait3A_633 = tpu.memref_slice %arg7[%dma_wait3A_630, %dma_wait3A_631, %dma_wait3A_632] : memref<16x56x32xf32, #tpu.memory_space<vmem>> -> memref<1x56x32xf32, #tpu.memory_space<vmem>>
      %dma_wait3A_634 = tpu.memref_squeeze %dma_wait3A_633 : memref<1x56x32xf32, #tpu.memory_space<vmem>> -> memref<56x32xf32, #tpu.memory_space<vmem>>
      %dma_wait3A_635 = arith.constant 0 : i32
      %dma_wait3A_636 = tpu.memref_slice %arg5[%add3A_629, %dma_wait3A_635] : memref<512x56xi32, #tpu.memory_space<vmem>> -> memref<1x56xi32, #tpu.memory_space<vmem>>
      %dma_wait3A_637 = tpu.memref_squeeze %dma_wait3A_636 : memref<1x56xi32, #tpu.memory_space<vmem>> -> memref<56xi32, #tpu.memory_space<vmem>>
      %dma_wait3A_638 = arith.constant 0 : i32
      %dma_wait3A_639 = arith.constant 0 : i32
      %dma_wait3A_640 = tpu.memref_slice %arg3[%dma_wait3A_638, %dma_wait3A_639] : memref<1000000x32xf32, #tpu.memory_space<hbm>> -> memref<1000000x32xf32, #tpu.memory_space<hbm>>
      tpu.wait_indirect_dma semaphore(%arg9 : memref<!tpu.dma_semaphore, #tpu.memory_space<semaphore_mem>>) src(%dma_wait3A_640 : memref<1000000x32xf32, #tpu.memory_space<hbm>>) dst(%dma_wait3A_634 : memref<56x32xf32, #tpu.memory_space<vmem>>)
      %mul3A_641 = arith.constant 16 : i32
      %mul3A_642 = arith.muli %add3A_453, %mul3A_641 : i32
      %add3A_643 = arith.constant 12 : i32
      %add3A_644 = arith.addi %mul3A_642, %add3A_643 : i32
      %dma_wait3A_645 = arith.constant 12 : i32
      %dma_wait3A_646 = arith.constant 0 : i32
      %dma_wait3A_647 = arith.constant 0 : i32
      %dma_wait3A_648 = tpu.memref_slice %arg7[%dma_wait3A_645, %dma_wait3A_646, %dma_wait3A_647] : memref<16x56x32xf32, #tpu.memory_space<vmem>> -> memref<1x56x32xf32, #tpu.memory_space<vmem>>
      %dma_wait3A_649 = tpu.memref_squeeze %dma_wait3A_648 : memref<1x56x32xf32, #tpu.memory_space<vmem>> -> memref<56x32xf32, #tpu.memory_space<vmem>>
      %dma_wait3A_650 = arith.constant 0 : i32
      %dma_wait3A_651 = tpu.memref_slice %arg5[%add3A_644, %dma_wait3A_650] : memref<512x56xi32, #tpu.memory_space<vmem>> -> memref<1x56xi32, #tpu.memory_space<vmem>>
      %dma_wait3A_652 = tpu.memref_squeeze %dma_wait3A_651 : memref<1x56xi32, #tpu.memory_space<vmem>> -> memref<56xi32, #tpu.memory_space<vmem>>
      %dma_wait3A_653 = arith.constant 0 : i32
      %dma_wait3A_654 = arith.constant 0 : i32
      %dma_wait3A_655 = tpu.memref_slice %arg3[%dma_wait3A_653, %dma_wait3A_654] : memref<1000000x32xf32, #tpu.memory_space<hbm>> -> memref<1000000x32xf32, #tpu.memory_space<hbm>>
      tpu.wait_indirect_dma semaphore(%arg9 : memref<!tpu.dma_semaphore, #tpu.memory_space<semaphore_mem>>) src(%dma_wait3A_655 : memref<1000000x32xf32, #tpu.memory_space<hbm>>) dst(%dma_wait3A_649 : memref<56x32xf32, #tpu.memory_space<vmem>>)
      %mul3A_656 = arith.constant 16 : i32
      %mul3A_657 = arith.muli %add3A_453, %mul3A_656 : i32
      %add3A_658 = arith.constant 13 : i32
      %add3A_659 = arith.addi %mul3A_657, %add3A_658 : i32
      %dma_wait3A_660 = arith.constant 13 : i32
      %dma_wait3A_661 = arith.constant 0 : i32
      %dma_wait3A_662 = arith.constant 0 : i32
      %dma_wait3A_663 = tpu.memref_slice %arg7[%dma_wait3A_660, %dma_wait3A_661, %dma_wait3A_662] : memref<16x56x32xf32, #tpu.memory_space<vmem>> -> memref<1x56x32xf32, #tpu.memory_space<vmem>>
      %dma_wait3A_664 = tpu.memref_squeeze %dma_wait3A_663 : memref<1x56x32xf32, #tpu.memory_space<vmem>> -> memref<56x32xf32, #tpu.memory_space<vmem>>
      %dma_wait3A_665 = arith.constant 0 : i32
      %dma_wait3A_666 = tpu.memref_slice %arg5[%add3A_659, %dma_wait3A_665] : memref<512x56xi32, #tpu.memory_space<vmem>> -> memref<1x56xi32, #tpu.memory_space<vmem>>
      %dma_wait3A_667 = tpu.memref_squeeze %dma_wait3A_666 : memref<1x56xi32, #tpu.memory_space<vmem>> -> memref<56xi32, #tpu.memory_space<vmem>>
      %dma_wait3A_668 = arith.constant 0 : i32
      %dma_wait3A_669 = arith.constant 0 : i32
      %dma_wait3A_670 = tpu.memref_slice %arg3[%dma_wait3A_668, %dma_wait3A_669] : memref<1000000x32xf32, #tpu.memory_space<hbm>> -> memref<1000000x32xf32, #tpu.memory_space<hbm>>
      tpu.wait_indirect_dma semaphore(%arg9 : memref<!tpu.dma_semaphore, #tpu.memory_space<semaphore_mem>>) src(%dma_wait3A_670 : memref<1000000x32xf32, #tpu.memory_space<hbm>>) dst(%dma_wait3A_664 : memref<56x32xf32, #tpu.memory_space<vmem>>)
      %mul3A_671 = arith.constant 16 : i32
      %mul3A_672 = arith.muli %add3A_453, %mul3A_671 : i32
      %add3A_673 = arith.constant 14 : i32
      %add3A_674 = arith.addi %mul3A_672, %add3A_673 : i32
      %dma_wait3A_675 = arith.constant 14 : i32
      %dma_wait3A_676 = arith.constant 0 : i32
      %dma_wait3A_677 = arith.constant 0 : i32
      %dma_wait3A_678 = tpu.memref_slice %arg7[%dma_wait3A_675, %dma_wait3A_676, %dma_wait3A_677] : memref<16x56x32xf32, #tpu.memory_space<vmem>> -> memref<1x56x32xf32, #tpu.memory_space<vmem>>
      %dma_wait3A_679 = tpu.memref_squeeze %dma_wait3A_678 : memref<1x56x32xf32, #tpu.memory_space<vmem>> -> memref<56x32xf32, #tpu.memory_space<vmem>>
      %dma_wait3A_680 = arith.constant 0 : i32
      %dma_wait3A_681 = tpu.memref_slice %arg5[%add3A_674, %dma_wait3A_680] : memref<512x56xi32, #tpu.memory_space<vmem>> -> memref<1x56xi32, #tpu.memory_space<vmem>>
      %dma_wait3A_682 = tpu.memref_squeeze %dma_wait3A_681 : memref<1x56xi32, #tpu.memory_space<vmem>> -> memref<56xi32, #tpu.memory_space<vmem>>
      %dma_wait3A_683 = arith.constant 0 : i32
      %dma_wait3A_684 = arith.constant 0 : i32
      %dma_wait3A_685 = tpu.memref_slice %arg3[%dma_wait3A_683, %dma_wait3A_684] : memref<1000000x32xf32, #tpu.memory_space<hbm>> -> memref<1000000x32xf32, #tpu.memory_space<hbm>>
      tpu.wait_indirect_dma semaphore(%arg9 : memref<!tpu.dma_semaphore, #tpu.memory_space<semaphore_mem>>) src(%dma_wait3A_685 : memref<1000000x32xf32, #tpu.memory_space<hbm>>) dst(%dma_wait3A_679 : memref<56x32xf32, #tpu.memory_space<vmem>>)
      %mul3A_686 = arith.constant 16 : i32
      %mul3A_687 = arith.muli %add3A_453, %mul3A_686 : i32
      %add3A_688 = arith.constant 15 : i32
      %add3A_689 = arith.addi %mul3A_687, %add3A_688 : i32
      %dma_wait3A_690 = arith.constant 15 : i32
      %dma_wait3A_691 = arith.constant 0 : i32
      %dma_wait3A_692 = arith.constant 0 : i32
      %dma_wait3A_693 = tpu.memref_slice %arg7[%dma_wait3A_690, %dma_wait3A_691, %dma_wait3A_692] : memref<16x56x32xf32, #tpu.memory_space<vmem>> -> memref<1x56x32xf32, #tpu.memory_space<vmem>>
      %dma_wait3A_694 = tpu.memref_squeeze %dma_wait3A_693 : memref<1x56x32xf32, #tpu.memory_space<vmem>> -> memref<56x32xf32, #tpu.memory_space<vmem>>
      %dma_wait3A_695 = arith.constant 0 : i32
      %dma_wait3A_696 = tpu.memref_slice %arg5[%add3A_689, %dma_wait3A_695] : memref<512x56xi32, #tpu.memory_space<vmem>> -> memref<1x56xi32, #tpu.memory_space<vmem>>
      %dma_wait3A_697 = tpu.memref_squeeze %dma_wait3A_696 : memref<1x56xi32, #tpu.memory_space<vmem>> -> memref<56xi32, #tpu.memory_space<vmem>>
      %dma_wait3A_698 = arith.constant 0 : i32
      %dma_wait3A_699 = arith.constant 0 : i32
      %dma_wait3A_700 = tpu.memref_slice %arg3[%dma_wait3A_698, %dma_wait3A_699] : memref<1000000x32xf32, #tpu.memory_space<hbm>> -> memref<1000000x32xf32, #tpu.memory_space<hbm>>
      tpu.wait_indirect_dma semaphore(%arg9 : memref<!tpu.dma_semaphore, #tpu.memory_space<semaphore_mem>>) src(%dma_wait3A_700 : memref<1000000x32xf32, #tpu.memory_space<hbm>>) dst(%dma_wait3A_694 : memref<56x32xf32, #tpu.memory_space<vmem>>)
      %mul3A_701 = arith.constant 16 : i32
      %mul3A_702 = arith.muli %add3A_453, %mul3A_701 : i32
      %add3A_703 = arith.addi %mul3A_2, %mul3A_702 : i32
      "tpu.region"() ({
        %run_scoped3A = tpu.sem_alloc : memref<!tpu.dma_semaphore, #tpu.memory_space<semaphore_mem>>
        %dma_start3A_704 = arith.constant 0 : i32
        %dma_start3A_705 = arith.constant 0 : i32
        %dma_start3A_706 = arith.constant 0 : i32
        %dma_start3A_707 = tpu.memref_slice %arg7[%dma_start3A_704, %dma_start3A_705, %dma_start3A_706] : memref<16x56x32xf32, #tpu.memory_space<vmem>> -> memref<16x50x32xf32, #tpu.memory_space<vmem>>
        %dma_start3A_708 = arith.constant 0 : i32
        %dma_start3A_709 = arith.constant 0 : i32
        %dma_start3A_710 = tpu.memref_slice %arg4[%add3A_703, %dma_start3A_708, %dma_start3A_709] : memref<16384x50x32xf32, #tpu.memory_space<hbm>> -> memref<16x50x32xf32, #tpu.memory_space<hbm>>
        %dma_start3A_711 = arith.constant 0 : i32
        %dma_start3A_712 = arith.constant 0 : i32
        %dma_start3A_713 = tpu.memref_slice %arg4[%add3A_703, %dma_start3A_711, %dma_start3A_712] : memref<16384x50x32xf32, #tpu.memory_space<hbm>> -> memref<16x50x32xf32, #tpu.memory_space<hbm>>
        %dma_start3A_714 = arith.constant 0 : i32
        %dma_start3A_715 = arith.constant 0 : i32
        %dma_start3A_716 = arith.constant 0 : i32
        %dma_start3A_717 = tpu.memref_slice %arg7[%dma_start3A_714, %dma_start3A_715, %dma_start3A_716] : memref<16x56x32xf32, #tpu.memory_space<vmem>> -> memref<16x50x32xf32, #tpu.memory_space<vmem>>
        tpu.enqueue_dma source(%dma_start3A_717 : memref<16x50x32xf32, #tpu.memory_space<vmem>>) target(%dma_start3A_713 : memref<16x50x32xf32, #tpu.memory_space<hbm>>) target_semaphore(%run_scoped3A : memref<!tpu.dma_semaphore, #tpu.memory_space<semaphore_mem>>)
        %dma_wait3A_718 = arith.constant 0 : i32
        %dma_wait3A_719 = arith.constant 0 : i32
        %dma_wait3A_720 = arith.constant 0 : i32
        %dma_wait3A_721 = tpu.memref_slice %arg7[%dma_wait3A_718, %dma_wait3A_719, %dma_wait3A_720] : memref<16x56x32xf32, #tpu.memory_space<vmem>> -> memref<16x50x32xf32, #tpu.memory_space<vmem>>
        %dma_wait3A_722 = arith.constant 0 : i32
        %dma_wait3A_723 = arith.constant 0 : i32
        %dma_wait3A_724 = tpu.memref_slice %arg4[%add3A_703, %dma_wait3A_722, %dma_wait3A_723] : memref<16384x50x32xf32, #tpu.memory_space<hbm>> -> memref<16x50x32xf32, #tpu.memory_space<hbm>>
        %dma_wait3A_725 = arith.constant 0 : i32
        %dma_wait3A_726 = arith.constant 0 : i32
        %dma_wait3A_727 = tpu.memref_slice %arg4[%add3A_703, %dma_wait3A_725, %dma_wait3A_726] : memref<16384x50x32xf32, #tpu.memory_space<hbm>> -> memref<16x50x32xf32, #tpu.memory_space<hbm>>
        %dma_wait3A_728 = arith.constant 0 : i32
        %dma_wait3A_729 = arith.constant 0 : i32
        %dma_wait3A_730 = arith.constant 0 : i32
        %dma_wait3A_731 = tpu.memref_slice %arg7[%dma_wait3A_728, %dma_wait3A_729, %dma_wait3A_730] : memref<16x56x32xf32, #tpu.memory_space<vmem>> -> memref<16x50x32xf32, #tpu.memory_space<vmem>>
        tpu.wait_dma2 semaphore(%run_scoped3A : memref<!tpu.dma_semaphore, #tpu.memory_space<semaphore_mem>>) src(%dma_wait3A_731 : memref<16x50x32xf32, #tpu.memory_space<vmem>>) dst(%dma_wait3A_727 : memref<16x50x32xf32, #tpu.memory_space<hbm>>)
        tpu.yield
      }) : () -> ()
    }
    %scan3A_198 = arith.constant 16 : i32
    return
  }
}

</mosaic_0001>

<sc_bundles>
// kernel: kernel.3.cloned.1.call-start
scs
__scs_entry_jumppad:
0x0: {  	(pc) =	sbr.rel $0x88, $3  }
0x1: {  	(tag) =	ssettag $0x0;
	lr =	simm.s32 $0x1  }
0x2: {  	[smem:$0x3F9F] =	sst lr;
	_ =	strace $0xD0000000  }
0x3: {  	_ = 	snop  }
0x4: {  	_ = 	snop  }
0x5: {  	_ = 	snop  }
0x6: {  	_ = 	snop  }
0x7: {  	_ = 	snop  }
__scs_overlays_trampoline_lowered:
0x8: {  	[smem:$0x3FAE] =	sst s0  }
0x9: {  	[smem:$0x3FAF] =	sst s1  }
0xa: {  	[smem:$0x3FB0] =	sst s2  }
0xb: {  	[smem:$0x3FB1] =	sst s3  }
0xc: {  	[smem:$0x3FB2] =	sst s4  }
0xd: {  	[smem:$0x3FB3] =	sst s5  }
0xe: {  	[smem:$0x3FB4] =	sst s6  }
0xf: {  	[smem:$0x3FB5] =	sst s7  }
0x10: {  	[smem:$0x3FB6] =	sst s8  }
0x11: {  	[smem:$0x3FB7] =	sst s9;
	s0 =	simm.s32 @!p0 $0x0  }
0x12: {  	s1 =	sld [smem:$0x3F9D];
	s0 =	simm.s32 @p0 $0x1  }
0x13: {  	[smem:$0x3FB8] =	sst s0;
	s0 =	simm.s32 @!p1 $0x0  }
0x14: {  	s2 =	sld [smem:$0x3F9C];
	s0 =	simm.s32 @p1 $0x1  }
0x15: {  	[smem:$0x3FB9] =	sst s0;
	s0 =	simm.s32 @!p2 $0x0  }
0x16: {  	s3 =	sld [smem:$0x3FDB];
	s0 =	simm.s32 @p2 $0x1  }
0x17: {  	s4 =	simm.s32 $0x1BF5;
	[smem:$0x3FBB] =	sst s0  }
0x18: {  	s0 =	sld [smem:$0x3F9E];
	_ =	swait.ge [sflag:s4], $0x0  }
0x19: {  	s7 =	sld [smem:$0x3F9F]  }
0x1a: {  	s8 =	sadd.s32 $0xFFFFE003, lr  }
0x1b: {  	s9 =	sadd.s32 $0xFFFFFEF7, lr;
	s5 =	simm.s32 $0xFFFFFFFF;
	p2 =	slt.u32 s8, $0xFFFFF086  }
0x1c: {  	p1 =	slt.u32 s9, $0xF7A;
	s5 =	simm.s32 @!p2 $0x0  }
0x1d: {  	s5 =	simm.s32 @p1 $0x1;
	p0 =	seq.s32 s7, s2  }
0x1e: {  	s7 =	smul.u32 @!p0 $0xF7A, s2;
	p2 =	seq.s32 @!p0 s5, $0x0  }
0x1f: {  	s9 =	smul.u32 $0xF7A, s1;
	s8 =	simm.s32 @!p0 $0x1BF5;
	p2 =	por !p2, p0  }
0x20: {  	[sflag:s8] =	ssyncset.s32 @!p0 $0xFFFFF086;
	s6 =	sadd.s32 @!p0 s3, s7;
	s7 =	simm.s32 @!p0 $0x108  }
0x21: {  	s3 =	sadd.s32 s3, s9;
	s6 =	sadd.s32 @!p0 $0x88, s6;
	s7 =	simm.s32 @p2 $0x1082  }
0x22: {  	[simem:s7], [sflag:s8] =	dma.local @!p0 [hbm:s6], $0xF7A  }
0x23: {  	s9 =	sor.u32 $0xD0000000, s2;
	s6 =	simm.s32 $0x108;
	_ =	swait.ge @!p0 [sflag:s8], $0x0  }
0x24: {  	s3 =	sadd.s32 $0x88, s3;
	s6 =	simm.s32 @!p1 $0x1082;
	[sflag:s4] =	ssyncset.s32 $0xFFFFF086  }
0x25: {  	[simem:s6], [sflag:s4] =	dma.local [hbm:s3], $0xF7A  }
0x26: {  	[smem:$0x3F9F] =	sst s1;
	(tag) =	ssettag s2;
	_ =	strace s9  }
0x27: {  	s1 =	sld [smem:$0x3FAF]  }
0x28: {  	s2 =	sld [smem:$0x3FB0]  }
0x29: {  	s4 =	sld [smem:$0x3FB2]  }
0x2a: {  	p0 =	seq.s32 s5, $0x0;
	s5 =	sld [smem:$0x3FB3]  }
0x2b: {  	s6 =	sld [smem:$0x3FB4]  }
0x2c: {  	s7 =	sld [smem:$0x3FB5]  }
0x2d: {  	s3 =	simm.s32 $0x108;
	s8 =	sld [smem:$0x3FB6]  }
0x2e: {  	s3 =	simm.s32 @!p0 $0x1082;
	s9 =	sld [smem:$0x3FB7]  }
0x2f: {  	lr =	sadd.s32 s0, s3;
	s0 =	sld [smem:$0x3FAE]  }
0x30: {  	s3 =	sld [smem:$0x3FB1]  }
0x31: {  	[smem:$0x3FBA] =	sst s10  }
0x32: {  	s10 =	sld [smem:$0x3FB8];
	_ =	sdelay $0x3  }
0x33: {  	p0 =	seq.s32 s10, $0x1;
	s10 =	sld [smem:$0x3FBA];
	_ =	sdelay $0x3  }
0x34: {  	[smem:$0x3FBA] =	sst s10  }
0x35: {  	s10 =	sld [smem:$0x3FB9];
	_ =	sdelay $0x3  }
0x36: {  	p1 =	seq.s32 s10, $0x1;
	s10 =	sld [smem:$0x3FBA];
	_ =	sdelay $0x3  }
0x37: {  	[smem:$0x3FBA] =	sst s10  }
0x38: {  	s10 =	sld [smem:$0x3FBB]  }
0x39: {  	_ = 	snop;
	(pc) =	sbr.ind lr, $3  }
0x3a: {  	_ = 	snop  }
0x3b: {  	_ = 	snop  }
0x3c: {  	p2 =	seq.s32 s10, $0x1;
	s10 =	sld [smem:$0x3FBA]  }
0x3d: {  	_ =	shalt  }
0x3e: {  	_ =	shalt  }
0x3f: {  	_ =	shalt  }
0x40: {  	_ =	shalt  }
0x41: {  	_ =	shalt  }
0x42: {  	_ =	shalt  }
0x43: {  	_ =	shalt  }
0x44: {  	_ =	shalt  }
0x45: {  	_ =	shalt  }
0x46: {  	_ =	shalt  }
0x47: {  	_ =	shalt  }
0x48: {  	_ =	shalt  }
0x49: {  	_ =	shalt  }
0x4a: {  	_ =	shalt  }
0x4b: {  	_ =	shalt  }
0x4c: {  	_ =	shalt  }
0x4d: {  	_ =	shalt  }
0x4e: {  	_ =	shalt  }
0x4f: {  	_ =	shalt  }
0x50: {  	_ =	shalt  }
0x51: {  	_ =	shalt  }
0x52: {  	_ =	shalt  }
0x53: {  	_ =	shalt  }
0x54: {  	_ =	shalt  }
0x55: {  	_ =	shalt  }
0x56: {  	_ =	shalt  }
0x57: {  	_ =	shalt  }
0x58: {  	_ =	shalt  }
0x59: {  	_ =	shalt  }
0x5a: {  	_ =	shalt  }
0x5b: {  	_ =	shalt  }
0x5c: {  	_ =	shalt  }
0x5d: {  	_ =	shalt  }
0x5e: {  	_ =	shalt  }
0x5f: {  	_ =	shalt  }
0x60: {  	_ =	shalt  }
0x61: {  	_ =	shalt  }
0x62: {  	_ =	shalt  }
0x63: {  	_ =	shalt  }
0x64: {  	_ =	shalt  }
0x65: {  	_ =	shalt  }
0x66: {  	_ =	shalt  }
0x67: {  	_ =	shalt  }
0x68: {  	_ =	shalt  }
0x69: {  	_ =	shalt  }
0x6a: {  	_ =	shalt  }
0x6b: {  	_ =	shalt  }
0x6c: {  	_ =	shalt  }
0x6d: {  	_ =	shalt  }
0x6e: {  	_ =	shalt  }
0x6f: {  	_ =	shalt  }
0x70: {  	_ =	shalt  }
0x71: {  	_ =	shalt  }
0x72: {  	_ =	shalt  }
0x73: {  	_ =	shalt  }
0x74: {  	_ =	shalt  }
0x75: {  	_ =	shalt  }
0x76: {  	_ =	shalt  }
0x77: {  	_ =	shalt  }
0x78: {  	_ =	shalt  }
0x79: {  	_ =	shalt  }
0x7a: {  	_ =	shalt  }
0x7b: {  	_ =	shalt  }
0x7c: {  	_ =	shalt  }
0x7d: {  	_ =	shalt  }
0x7e: {  	_ =	shalt  }
0x7f: {  	_ =	shalt  }
0x80: {  	_ =	shalt  }
0x81: {  	_ =	shalt  }
0x82: {  	_ =	shalt  }
0x83: {  	_ =	shalt  }
0x84: {  	_ =	shalt  }
0x85: {  	_ =	shalt  }
0x86: {  	_ =	shalt  }
0x87: {  	_ =	shalt  }
.Lfunc_end0:
.L_simem_size_0:
called_computation.1_lowered:
.L_overlay_start_0:
0x88: {  	s2 =	sld [smem:$0x3FD9]  }
0x89: {  	s3 =	sld [smem:$0x3FFE];
	_ =	sdelay $0x1  }
0x8a: {  	s1 =	srdreg.scid  }
0x8b: {  	s0 =	sand.u32 $0x1, s1  }
0x8c: {  	s17 =	sshll.u32 s0, $0xA;
	s2 =	sadd.s32 s3, s2  }
0x8d: {  	s2 =	sadd.s32 s2, s17  }
0x8e: {  	[smem:$0x3FC6] =	sst s2  }
0x8f: {  	_ = 	snop  }
0x90: {  	s2 =	sld [smem:$0x3FD0];
	(tm) =	ssettm $0x1  }
0x91: {  	s18 =	sld [smem:$0x3FFB];
	_ =	sdelay $0x3  }
0x92: {  	_ =	strace s18  }
0x93: {  	s3 =	sld [smem:$0x3FFC];
	_ =	sdelay $0x3  }
0x94: {  	_ =	strace s3  }
0x95: {  	s3 =	sld [smem:$0x3FFD];
	_ =	sdelay $0x3  }
0x96: {  	_ =	strace s3  }
0x97: {  	_ =	strace $0x8FFFFFFF  }
0x98: {  	s19 =	sld [smem:$0x3FDB];
	_ =	sdelay $0x1  }
0x99: {  	s4 =	simm.s32 $_scs_section_size  }
0x9a: {  	s5 =	simm.s32 $_size__tile_overlayer_lowered;
	s6 =	simm.s32 $_tile_overlayer_lowered  }
0x9b: {  	s22 =	simm.s32 $0x1BFF;
	s21 =	sshll.u32 s6, $0x1;
	s3 =	sadd.s32 s4, s19  }
0x9c: {  	s7 =	simm.s32 $0x0;
	s20 =	sshll.u32 s5, $0x1;
	s5 =	sadd.s32 s21, s3  }
0x9d: {  	[timem:s7], [sflag:s22] =	dma.local [hbm:s5], s20  }
0x9e: {  	_ =	swait.ge [sflag:s22], s20  }
0x9f: {  	s4 =	ssub.s32 $0x0, s20;
	[sflag:s22] =	ssyncset.done $0x0  }
0xa0: {  	[sflag:s22] =	ssyncadd.s32 s4;
	_ =	sdelay $0x1  }
0xa1: {  	s23 =	simm.s32 $0x1B8B  }
0xa2: {  	_ =	swait.ge [sflag:s23], $0x1  }
0xa3: {  	[sflag:s23] =	ssyncset.done $0x0  }
0xa4: {  	s25 =	simm.s32 $0x1B8E;
	s24 =	sld [smem:$0x3FFE];
	[sflag:s23] =	ssyncadd.s32 $0xFFFFFFFF  }
0xa5: {  	s26 =	simm.s32 $execute0_lowered;
	[smem:$0x3FD2] =	sst s25  }
0xa6: {  	s5 =	sshll.u32 s26, $0x1;
	_ =	strace $0x80000046;
	[dreg:$0x1] =	wrdreg $0xFFFFFFFF  }
0xa7: {  	s28 =	simm.s32 $_size_execute0_lowered;
	s3 =	sadd.s32 s3, s5;
	[dreg:$0x0] =	wrdreg $0x0  }
0xa8: {  	s5 =	sshll.u32 s28, $0x1;
	[dreg:$0x2] =	wrdreg s3  }
0xa9: {  	[dreg:$0x3] =	wrdreg s5  }
0xaa: {  	[dreg:$0x4] =	wrdreg $0xC0  }
0xab: {  	_ =	task [dreg:s7], $0x5FFFF  }
0xac: {  	[dreg:$0x1] =	wrdreg $0xFFFFFFFF  }
0xad: {  	[dreg:$0x0] =	wrdreg $0x60  }
0xae: {  	[dreg:$0x2] =	wrdreg s24  }
0xaf: {  	[dreg:$0x3] =	wrdreg s2  }
0xb0: {  	[dreg:$0x4] =	wrdreg $0x9  }
0xb1: {  	_ =	task.clear_ibuf [dreg:s7], $0x5FFFF;
	_ =	strace $0x90000046  }
0xb2: {  	s29 =	simm.s32 $0x9;
	_ =	strace $0x80000048  }
0xb3: {  	_ =	swait.ge [sflag:s29], $0x1  }
0xb4: {  	[sflag:s29] =	ssyncadd.s32 $0xFFFFFFFF  }
0xb5: {  	_ =	strace $0x90000048  }
0xb6: {  	_ =	sfence  }
0xb7: {  	s30 =	sld [smem:$0x0];
	_ =	sdelay $0x2  }
0xb8: {  	s31 =	sshll.u32 s1, $0xD;
	s1 =	sshrl.u32 s1, $0x2  }
0xb9: {  	s3 =	sand.u32 $0x4000, s31;
	s1 =	sadd.s32 s1, s30  }
0xba: {  	s0 =	sor.u32 s3, s0;
	s1 =	sshll.u32 s1, $0x11  }
0xbb: {  	s0 =	sor.u32 s1, s0  }
0xbc: {  	s0 =	sadd.s32 $0x8F2B, s0  }
0xbd: {  	[sflag:s0] =	ssyncadd.remote.s32 $0x1  }
0xbe: {  	_ =	sfence.sel $0xFFFF  }
0xbf: {  	[dreg:$0x0] =	wrdreg $0xFFFFFFFF;
	(pc) =	sbr.abs _section_cstart, $3  }
0xc0: {  	[dreg:$0x1] =	wrdreg $0xFFFFFFFF  }
0xc1: {  	_ =	task.clear_ibuf [dreg:s7], $0x2FFFF;
	_ =	strace $0x9FFFFFFF  }
0xc2: {  	(tm) =	ssettm $0x7FFFFFFF  }
0xc3: {  	_ =	shalt  }
tec
execute0_lowered:
.L_overlay_start_1:
0x0: {  	(tag) =	ssettag $0x1  }
0x1: {  	s0 =	srdreg.scid  }
0x2: {  	s1 =	rddreg [dreg:$0x0];
	s6 =	stileid.u32  }
0x3: {  	s4 =	rddreg [dreg:$0x1];
	s2 =	simm.s32 $0x0;
	s18 =	simm.s32 $0x1  }
0x4: {  	s0 =	sand.u32 $0x1, s0;
	s3 =	sshll.u32 s6, $0xA;
	s6 =	smul.u32 $0x32000, s6  }
0x5: {  	s5 =	sshll.u32 s0, $0x9;
	s29 =	ssub.s32 $0x2, s0;
	s0 =	smul.u32 $0x19000, s0  }
0x6: {  	[smem:$0x7FF] =	sst s2;
	s3 =	sor.u32 s5, s3;
	s4 =	sadd.s32 s6, s4  }
0x7: {  	s8 =	sshrl.u32 s29, $0x1;
	s3 =	smul.u32 $0x7, s3;
	s0 =	sadd.s32 s0, s4  }
0x8: {  	_ =	strace $0x80000047;
	s30 =	ssub.s32 s29, s8;
	[dreg:$0x5] =	wrdreg s0  }
0x9: {  	s7 =	sadd.s32 s3, s1;
	s3 =	sadd.s32 $0xF43200, s1;
	s1 =	smax.u32 s30, $0x1  }
0xa: {  	s20 =	simm.s32 $0x2;
	s31 =	sadd.s32 $0xE00, s7;
	[dreg:$0x4] =	wrdreg s1  }
0xb: {  	s8 =	simm.s32 $0x38;
	s1 =	simm.s32 $0x0;
	[dreg:$0x3] =	wrdreg s31  }
.LBB2_1:
0xc: {  	[dreg:$0x6] =	wrdreg s1  }
0xd: {  	s0 =	rddreg [dreg:$0x3];
	s1 =	simm.s32 $0x3  }
0xe: {  	[tilespmem:s2], [sflag:$0x3] =	stream.linear.gather [hbm4b:s0+s2], $0x7000, $0x38;
	[tilespmem:$0x15000] =	vst v63  }
0xf: {  	_ =	swait.ge [sflag:s1], $0x7000  }
0x10: {  	[sflag:s1] =	ssyncset.done $0x0  }
0x11: {  	s4 =	simm.s32 $0x7000;
	[sflag:s1] =	ssyncadd.s32 $0xFFFF9000  }
0x12: {  	[tilespmem:s4], [sflag:$0x1] =	stream.indirect.gather [hbm4b:s3+s8], $0x20, s2, s8, $0xb8;
	[tilespmem:$0x15000] =	vst v63  }
0x13: {  	s13 =	simm.s32 $0x7700  }
0x14: {  	[tilespmem:s13], [sflag:$0x1] =	stream.indirect.gather [hbm4b:s3+s8], $0x20, s8, s8, $0xb8;
	[tilespmem:$0x15000] =	vst v63  }
0x15: {  	s26 =	simm.s32 $0x70;
	s17 =	simm.s32 $0x7E00  }
0x16: {  	[tilespmem:s17], [sflag:$0x1] =	stream.indirect.gather [hbm4b:s3+s8], $0x20, s26, s8, $0xb8;
	[tilespmem:$0x15000] =	vst v63  }
0x17: {  	s28 =	simm.s32 $0xA8;
	s21 =	simm.s32 $0x8500  }
0x18: {  	[tilespmem:s21], [sflag:$0x1] =	stream.indirect.gather [hbm4b:s3+s8], $0x20, s28, s8, $0xb8;
	[tilespmem:$0x15000] =	vst v63  }
0x19: {  	s29 =	simm.s32 $0xE0;
	s23 =	simm.s32 $0x8C00  }
0x1a: {  	[tilespmem:s23], [sflag:$0x1] =	stream.indirect.gather [hbm4b:s3+s8], $0x20, s29, s8, $0xb8;
	[tilespmem:$0x15000] =	vst v63  }
0x1b: {  	s30 =	simm.s32 $0x118;
	s24 =	simm.s32 $0x9300  }
0x1c: {  	[tilespmem:s24], [sflag:$0x1] =	stream.indirect.gather [hbm4b:s3+s8], $0x20, s30, s8, $0xb8;
	[tilespmem:$0x15000] =	vst v63  }
0x1d: {  	s31 =	simm.s32 $0x150;
	s25 =	simm.s32 $0x9A00  }
0x1e: {  	[tilespmem:s25], [sflag:$0x1] =	stream.indirect.gather [hbm4b:s3+s8], $0x20, s31, s8, $0xb8;
	[tilespmem:$0x15000] =	vst v63  }
0x1f: {  	s5 =	simm.s32 $0x188;
	s26 =	simm.s32 $0xA100  }
0x20: {  	[tilespmem:s26], [sflag:$0x1] =	stream.indirect.gather [hbm4b:s3+s8], $0x20, s5, s8, $0xb8;
	[tilespmem:$0x15000] =	vst v63  }
0x21: {  	s6 =	simm.s32 $0x1C0;
	s28 =	simm.s32 $0xA800  }
0x22: {  	[tilespmem:s28], [sflag:$0x1] =	stream.indirect.gather [hbm4b:s3+s8], $0x20, s6, s8, $0xb8;
	[tilespmem:$0x15000] =	vst v63  }
0x23: {  	s7 =	simm.s32 $0x1F8;
	s29 =	simm.s32 $0xAF00  }
0x24: {  	[tilespmem:s29], [sflag:$0x1] =	stream.indirect.gather [hbm4b:s3+s8], $0x20, s7, s8, $0xb8;
	[tilespmem:$0x15000] =	vst v63  }
0x25: {  	s9 =	simm.s32 $0x230;
	s30 =	simm.s32 $0xB600  }
0x26: {  	[tilespmem:s30], [sflag:$0x1] =	stream.indirect.gather [hbm4b:s3+s8], $0x20, s9, s8, $0xb8;
	[tilespmem:$0x15000] =	vst v63  }
0x27: {  	s10 =	simm.s32 $0x268;
	s31 =	simm.s32 $0xBD00  }
0x28: {  	[tilespmem:s31], [sflag:$0x1] =	stream.indirect.gather [hbm4b:s3+s8], $0x20, s10, s8, $0xb8;
	[tilespmem:$0x15000] =	vst v63  }
0x29: {  	s11 =	simm.s32 $0x2A0;
	s5 =	simm.s32 $0xC400  }
0x2a: {  	[tilespmem:s5], [sflag:$0x1] =	stream.indirect.gather [hbm4b:s3+s8], $0x20, s11, s8, $0xb8;
	[tilespmem:$0x15000] =	vst v63  }
0x2b: {  	s12 =	simm.s32 $0x2D8;
	s14 =	simm.s32 $0xCB00  }
0x2c: {  	[tilespmem:s14], [sflag:$0x1] =	stream.indirect.gather [hbm4b:s3+s8], $0x20, s12, s8, $0xb8;
	[tilespmem:$0x15000] =	vst v63  }
0x2d: {  	s15 =	simm.s32 $0x310;
	s16 =	simm.s32 $0xD200  }
0x2e: {  	[tilespmem:s16], [sflag:$0x1] =	stream.indirect.gather [hbm4b:s3+s8], $0x20, s15, s8, $0xb8;
	[tilespmem:$0x15000] =	vst v63  }
0x2f: {  	s19 =	simm.s32 $0x348;
	s22 =	simm.s32 $0xD900  }
0x30: {  	[tilespmem:s22], [sflag:$0x1] =	stream.indirect.gather [hbm4b:s3+s8], $0x20, s19, s8, $0xb8;
	[tilespmem:$0x15000] =	vst v63  }
0x31: {  	s11 =	simm.s32 $0xE000;
	s22 =	simm.s32 $0x380  }
0x32: {  	[tilespmem:s11], [sflag:$0x2] =	stream.indirect.gather [hbm4b:s3+s8], $0x20, s22, s8, $0xb8;
	[tilespmem:$0x15000] =	vst v63  }
0x33: {  	s10 =	simm.s32 $0x3B8;
	s15 =	simm.s32 $0xE700  }
0x34: {  	[tilespmem:s15], [sflag:$0x2] =	stream.indirect.gather [hbm4b:s3+s8], $0x20, s10, s8, $0xb8;
	[tilespmem:$0x15000] =	vst v63  }
0x35: {  	s12 =	simm.s32 $0x3F0;
	s19 =	simm.s32 $0xEE00  }
0x36: {  	[tilespmem:s19], [sflag:$0x2] =	stream.indirect.gather [hbm4b:s3+s8], $0x20, s12, s8, $0xb8;
	[tilespmem:$0x15000] =	vst v63  }
0x37: {  	s14 =	simm.s32 $0x428;
	s16 =	simm.s32 $0xF500  }
0x38: {  	[tilespmem:s16], [sflag:$0x2] =	stream.indirect.gather [hbm4b:s3+s8], $0x20, s14, s8, $0xb8;
	[tilespmem:$0x15000] =	vst v63  }
0x39: {  	s10 =	simm.s32 $0x460;
	s12 =	simm.s32 $0xFC00  }
0x3a: {  	[tilespmem:s12], [sflag:$0x2] =	stream.indirect.gather [hbm4b:s3+s8], $0x20, s10, s8, $0xb8;
	[tilespmem:$0x15000] =	vst v63  }
0x3b: {  	s14 =	simm.s32 $0x498;
	s16 =	simm.s32 $0x10300  }
0x3c: {  	[tilespmem:s16], [sflag:$0x2] =	stream.indirect.gather [hbm4b:s3+s8], $0x20, s14, s8, $0xb8;
	[tilespmem:$0x15000] =	vst v63  }
0x3d: {  	s0 =	simm.s32 $0x4D0;
	s10 =	simm.s32 $0x10A00  }
0x3e: {  	[tilespmem:s10], [sflag:$0x2] =	stream.indirect.gather [hbm4b:s3+s8], $0x20, s0, s8, $0xb8;
	[tilespmem:$0x15000] =	vst v63  }
0x3f: {  	s12 =	simm.s32 $0x508;
	s10 =	simm.s32 $0x11100  }
0x40: {  	[tilespmem:s10], [sflag:$0x2] =	stream.indirect.gather [hbm4b:s3+s8], $0x20, s12, s8, $0xb8;
	[tilespmem:$0x15000] =	vst v63  }
0x41: {  	s14 =	simm.s32 $0x540;
	s12 =	simm.s32 $0x11800  }
0x42: {  	[tilespmem:s12], [sflag:$0x2] =	stream.indirect.gather [hbm4b:s3+s8], $0x20, s14, s8, $0xb8;
	[tilespmem:$0x15000] =	vst v63  }
0x43: {  	s16 =	simm.s32 $0x578;
	s14 =	simm.s32 $0x11F00  }
0x44: {  	[tilespmem:s14], [sflag:$0x2] =	stream.indirect.gather [hbm4b:s3+s8], $0x20, s16, s8, $0xb8;
	[tilespmem:$0x15000] =	vst v63  }
0x45: {  	s0 =	simm.s32 $0x5B0;
	s16 =	simm.s32 $0x12600  }
0x46: {  	[tilespmem:s16], [sflag:$0x2] =	stream.indirect.gather [hbm4b:s3+s8], $0x20, s0, s8, $0xb8;
	[tilespmem:$0x15000] =	vst v63  }
0x47: {  	s22 =	simm.s32 $0x5E8;
	s0 =	simm.s32 $0x12D00  }
0x48: {  	[tilespmem:s0], [sflag:$0x2] =	stream.indirect.gather [hbm4b:s3+s8], $0x20, s22, s8, $0xb8;
	[tilespmem:$0x15000] =	vst v63  }
0x49: {  	s22 =	simm.s32 $0x620;
	s0 =	simm.s32 $0x13400  }
0x4a: {  	[tilespmem:s0], [sflag:$0x2] =	stream.indirect.gather [hbm4b:s3+s8], $0x20, s22, s8, $0xb8;
	[tilespmem:$0x15000] =	vst v63  }
0x4b: {  	s22 =	simm.s32 $0x658;
	s0 =	simm.s32 $0x13B00  }
0x4c: {  	[tilespmem:s0], [sflag:$0x2] =	stream.indirect.gather [hbm4b:s3+s8], $0x20, s22, s8, $0xb8;
	[tilespmem:$0x15000] =	vst v63  }
0x4d: {  	s22 =	simm.s32 $0x690;
	s0 =	simm.s32 $0x14200  }
0x4e: {  	[tilespmem:s0], [sflag:$0x2] =	stream.indirect.gather [hbm4b:s3+s8], $0x20, s22, s8, $0xb8;
	[tilespmem:$0x15000] =	vst v63  }
0x4f: {  	s22 =	simm.s32 $0x6C8;
	s0 =	simm.s32 $0x14900  }
0x50: {  	[tilespmem:s0], [sflag:$0x2] =	stream.indirect.gather [hbm4b:s3+s8], $0x20, s22, s8, $0xb8;
	[tilespmem:$0x15000] =	vst v63  }
0x51: {  	_ =	swait.ge [sflag:s18], $0x700  }
0x52: {  	[sflag:s18] =	ssyncset.done $0x0  }
0x53: {  	[sflag:s18] =	ssyncadd.s32 $0xFFFFF900  }
0x54: {  	_ =	swait.ge [sflag:s18], $0x700  }
0x55: {  	[sflag:s18] =	ssyncset.done $0x0  }
0x56: {  	[sflag:s18] =	ssyncadd.s32 $0xFFFFF900  }
0x57: {  	_ =	swait.ge [sflag:s18], $0x700  }
0x58: {  	[sflag:s18] =	ssyncset.done $0x0  }
0x59: {  	[sflag:s18] =	ssyncadd.s32 $0xFFFFF900  }
0x5a: {  	_ =	swait.ge [sflag:s18], $0x700  }
0x5b: {  	[sflag:s18] =	ssyncset.done $0x0  }
0x5c: {  	[sflag:s18] =	ssyncadd.s32 $0xFFFFF900  }
0x5d: {  	_ =	swait.ge [sflag:s18], $0x700  }
0x5e: {  	[sflag:s18] =	ssyncset.done $0x0  }
0x5f: {  	[sflag:s18] =	ssyncadd.s32 $0xFFFFF900  }
0x60: {  	_ =	swait.ge [sflag:s18], $0x700  }
0x61: {  	[sflag:s18] =	ssyncset.done $0x0  }
0x62: {  	[sflag:s18] =	ssyncadd.s32 $0xFFFFF900  }
0x63: {  	_ =	swait.ge [sflag:s18], $0x700  }
0x64: {  	[sflag:s18] =	ssyncset.done $0x0  }
0x65: {  	[sflag:s18] =	ssyncadd.s32 $0xFFFFF900  }
0x66: {  	_ =	swait.ge [sflag:s18], $0x700  }
0x67: {  	[sflag:s18] =	ssyncset.done $0x0  }
0x68: {  	[sflag:s18] =	ssyncadd.s32 $0xFFFFF900  }
0x69: {  	_ =	swait.ge [sflag:s18], $0x700  }
0x6a: {  	[sflag:s18] =	ssyncset.done $0x0  }
0x6b: {  	[sflag:s18] =	ssyncadd.s32 $0xFFFFF900  }
0x6c: {  	_ =	swait.ge [sflag:s18], $0x700  }
0x6d: {  	[sflag:s18] =	ssyncset.done $0x0  }
0x6e: {  	[sflag:s18] =	ssyncadd.s32 $0xFFFFF900  }
0x6f: {  	_ =	swait.ge [sflag:s18], $0x700  }
0x70: {  	[sflag:s18] =	ssyncset.done $0x0  }
0x71: {  	[sflag:s18] =	ssyncadd.s32 $0xFFFFF900  }
0x72: {  	_ =	swait.ge [sflag:s18], $0x700  }
0x73: {  	[sflag:s18] =	ssyncset.done $0x0  }
0x74: {  	[sflag:s18] =	ssyncadd.s32 $0xFFFFF900  }
0x75: {  	_ =	swait.ge [sflag:s18], $0x700  }
0x76: {  	[sflag:s18] =	ssyncset.done $0x0  }
0x77: {  	[sflag:s18] =	ssyncadd.s32 $0xFFFFF900  }
0x78: {  	_ =	swait.ge [sflag:s18], $0x700  }
0x79: {  	[sflag:s18] =	ssyncset.done $0x0  }
0x7a: {  	[sflag:s18] =	ssyncadd.s32 $0xFFFFF900  }
0x7b: {  	_ =	swait.ge [sflag:s18], $0x700  }
0x7c: {  	[sflag:s18] =	ssyncset.done $0x0  }
0x7d: {  	[sflag:s18] =	ssyncadd.s32 $0xFFFFF900  }
0x7e: {  	_ =	swait.ge [sflag:s18], $0x700  }
0x7f: {  	[sflag:s18] =	ssyncset.done $0x0  }
0x80: {  	s0 =	rddreg [dreg:$0x5];
	[sflag:s18] =	ssyncadd.s32 $0xFFFFF900  }
0x81: {  	[hbm4b:s0+s2] =	stream.linear.scatter [tilespmem:s4], [sflag:$0x3], $0x640, $0x38;
	[tilespmem:$0x15000] =	vst v63  }
0x82: {  	s4 =	sadd.s32 $0xC8, s0  }
0x83: {  	[hbm4b:s4+s2] =	stream.linear.scatter [tilespmem:s13], [sflag:$0x3], $0x640, $0x38;
	[tilespmem:$0x15000] =	vst v63  }
0x84: {  	s13 =	sadd.s32 $0x190, s0  }
0x85: {  	[hbm4b:s13+s2] =	stream.linear.scatter [tilespmem:s17], [sflag:$0x3], $0x640, $0x38;
	[tilespmem:$0x15000] =	vst v63  }
0x86: {  	s17 =	sadd.s32 $0x258, s0  }
0x87: {  	[hbm4b:s17+s2] =	stream.linear.scatter [tilespmem:s21], [sflag:$0x3], $0x640, $0x38;
	[tilespmem:$0x15000] =	vst v63  }
0x88: {  	s21 =	sadd.s32 $0x320, s0  }
0x89: {  	[hbm4b:s21+s2] =	stream.linear.scatter [tilespmem:s23], [sflag:$0x3], $0x640, $0x38;
	[tilespmem:$0x15000] =	vst v63  }
0x8a: {  	s23 =	sadd.s32 $0x3E8, s0  }
0x8b: {  	[hbm4b:s23+s2] =	stream.linear.scatter [tilespmem:s24], [sflag:$0x3], $0x640, $0x38;
	[tilespmem:$0x15000] =	vst v63  }
0x8c: {  	s24 =	sadd.s32 $0x4B0, s0  }
0x8d: {  	[hbm4b:s24+s2] =	stream.linear.scatter [tilespmem:s25], [sflag:$0x3], $0x640, $0x38;
	[tilespmem:$0x15000] =	vst v63  }
0x8e: {  	s25 =	sadd.s32 $0x578, s0  }
0x8f: {  	[hbm4b:s25+s2] =	stream.linear.scatter [tilespmem:s26], [sflag:$0x3], $0x640, $0x38;
	[tilespmem:$0x15000] =	vst v63  }
0x90: {  	s26 =	sadd.s32 $0x640, s0  }
0x91: {  	[hbm4b:s26+s2] =	stream.linear.scatter [tilespmem:s28], [sflag:$0x3], $0x640, $0x38;
	[tilespmem:$0x15000] =	vst v63  }
0x92: {  	s28 =	sadd.s32 $0x708, s0  }
0x93: {  	[hbm4b:s28+s2] =	stream.linear.scatter [tilespmem:s29], [sflag:$0x3], $0x640, $0x38;
	[tilespmem:$0x15000] =	vst v63  }
0x94: {  	s29 =	sadd.s32 $0x7D0, s0  }
0x95: {  	[hbm4b:s29+s2] =	stream.linear.scatter [tilespmem:s30], [sflag:$0x3], $0x640, $0x38;
	[tilespmem:$0x15000] =	vst v63  }
0x96: {  	s4 =	sadd.s32 $0x898, s0  }
0x97: {  	[hbm4b:s4+s2] =	stream.linear.scatter [tilespmem:s31], [sflag:$0x3], $0x640, $0x38;
	[tilespmem:$0x15000] =	vst v63  }
0x98: {  	s6 =	simm.s32 $0xC400;
	s13 =	sadd.s32 $0x960, s0  }
0x99: {  	[hbm4b:s13+s2] =	stream.linear.scatter [tilespmem:s6], [sflag:$0x3], $0x640, $0x38;
	[tilespmem:$0x15000] =	vst v63  }
0x9a: {  	s7 =	simm.s32 $0xCB00;
	s17 =	sadd.s32 $0xA28, s0  }
0x9b: {  	[hbm4b:s17+s2] =	stream.linear.scatter [tilespmem:s7], [sflag:$0x3], $0x640, $0x38;
	[tilespmem:$0x15000] =	vst v63  }
0x9c: {  	s9 =	simm.s32 $0xD200;
	s21 =	sadd.s32 $0xAF0, s0  }
0x9d: {  	[hbm4b:s21+s2] =	stream.linear.scatter [tilespmem:s9], [sflag:$0x3], $0x640, $0x38;
	[tilespmem:$0x15000] =	vst v63  }
0x9e: {  	s5 =	simm.s32 $0xD900;
	s23 =	sadd.s32 $0xBB8, s0  }
0x9f: {  	[hbm4b:s23+s2] =	stream.linear.scatter [tilespmem:s5], [sflag:$0x3], $0x640, $0x38;
	[tilespmem:$0x15000] =	vst v63  }
0xa0: {  	p0 =	por $0x0, $0x0;
	_ =	swait.ge [sflag:s1], $0x6400  }
0xa1: {  	s22 =	simm.s32 @!p0 $0x7000;
	[sflag:s1] =	ssyncset.done $0x0  }
0xa2: {  	s24 =	simm.s32 @!p0 $0x700;
	s26 =	simm.s32 @!p0 $0x38;
	[sflag:s1] =	ssyncadd.s32 $0xFFFF9C00  }
0xa3: {  	[tilespmem:s22], [sflag:$0x1] =	stream.indirect.gather @!p0 [hbm4b:s3+s26], $0x20, s24, s26, $0xb8;
	[tilespmem:$0x15000] =	vst v63  }
0xa4: {  	s22 =	simm.s32 @!p0 $0x738;
	s24 =	simm.s32 @!p0 $0x7700  }
0xa5: {  	[tilespmem:s24], [sflag:$0x1] =	stream.indirect.gather @!p0 [hbm4b:s3+s26], $0x20, s22, s26, $0xb8;
	[tilespmem:$0x15000] =	vst v63  }
0xa6: {  	s22 =	simm.s32 @!p0 $0x770;
	s24 =	simm.s32 @!p0 $0x7E00  }
0xa7: {  	[tilespmem:s24], [sflag:$0x1] =	stream.indirect.gather @!p0 [hbm4b:s3+s26], $0x20, s22, s26, $0xb8;
	[tilespmem:$0x15000] =	vst v63  }
0xa8: {  	s22 =	simm.s32 @!p0 $0x7A8;
	s24 =	simm.s32 @!p0 $0x8500  }
0xa9: {  	[tilespmem:s24], [sflag:$0x1] =	stream.indirect.gather @!p0 [hbm4b:s3+s26], $0x20, s22, s26, $0xb8;
	[tilespmem:$0x15000] =	vst v63  }
0xaa: {  	s22 =	simm.s32 @!p0 $0x7E0;
	s24 =	simm.s32 @!p0 $0x8C00  }
0xab: {  	[tilespmem:s24], [sflag:$0x1] =	stream.indirect.gather @!p0 [hbm4b:s3+s26], $0x20, s22, s26, $0xb8;
	[tilespmem:$0x15000] =	vst v63  }
0xac: {  	s22 =	simm.s32 @!p0 $0x818;
	s24 =	simm.s32 @!p0 $0x9300  }
0xad: {  	[tilespmem:s24], [sflag:$0x1] =	stream.indirect.gather @!p0 [hbm4b:s3+s26], $0x20, s22, s26, $0xb8;
	[tilespmem:$0x15000] =	vst v63  }
0xae: {  	s22 =	simm.s32 @!p0 $0x850;
	s24 =	simm.s32 @!p0 $0x9A00  }
0xaf: {  	[tilespmem:s24], [sflag:$0x1] =	stream.indirect.gather @!p0 [hbm4b:s3+s26], $0x20, s22, s26, $0xb8;
	[tilespmem:$0x15000] =	vst v63  }
0xb0: {  	s22 =	simm.s32 @!p0 $0x888;
	s24 =	simm.s32 @!p0 $0xA100  }
0xb1: {  	[tilespmem:s24], [sflag:$0x1] =	stream.indirect.gather @!p0 [hbm4b:s3+s26], $0x20, s22, s26, $0xb8;
	[tilespmem:$0x15000] =	vst v63  }
0xb2: {  	s22 =	simm.s32 @!p0 $0x8C0;
	s24 =	simm.s32 @!p0 $0xA800  }
0xb3: {  	[tilespmem:s24], [sflag:$0x1] =	stream.indirect.gather @!p0 [hbm4b:s3+s26], $0x20, s22, s26, $0xb8;
	[tilespmem:$0x15000] =	vst v63  }
0xb4: {  	s22 =	simm.s32 @!p0 $0x8F8;
	s24 =	simm.s32 @!p0 $0xAF00  }
0xb5: {  	[tilespmem:s24], [sflag:$0x1] =	stream.indirect.gather @!p0 [hbm4b:s3+s26], $0x20, s22, s26, $0xb8;
	[tilespmem:$0x15000] =	vst v63  }
0xb6: {  	s22 =	simm.s32 @!p0 $0x930;
	s24 =	simm.s32 @!p0 $0xB600  }
0xb7: {  	[tilespmem:s24], [sflag:$0x1] =	stream.indirect.gather @!p0 [hbm4b:s3+s26], $0x20, s22, s26, $0xb8;
	[tilespmem:$0x15000] =	vst v63  }
0xb8: {  	s22 =	simm.s32 @!p0 $0x968;
	s24 =	simm.s32 @!p0 $0xBD00  }
0xb9: {  	[tilespmem:s24], [sflag:$0x1] =	stream.indirect.gather @!p0 [hbm4b:s3+s26], $0x20, s22, s26, $0xb8;
	[tilespmem:$0x15000] =	vst v63  }
0xba: {  	s22 =	simm.s32 @!p0 $0x9A0;
	s24 =	simm.s32 @!p0 $0xC400  }
0xbb: {  	[tilespmem:s24], [sflag:$0x1] =	stream.indirect.gather @!p0 [hbm4b:s3+s26], $0x20, s22, s26, $0xb8;
	[tilespmem:$0x15000] =	vst v63  }
0xbc: {  	s22 =	simm.s32 @!p0 $0x9D8;
	s24 =	simm.s32 @!p0 $0xCB00  }
0xbd: {  	[tilespmem:s24], [sflag:$0x1] =	stream.indirect.gather @!p0 [hbm4b:s3+s26], $0x20, s22, s26, $0xb8;
	[tilespmem:$0x15000] =	vst v63  }
0xbe: {  	s22 =	simm.s32 @!p0 $0xA10;
	s24 =	simm.s32 @!p0 $0xD200  }
0xbf: {  	[tilespmem:s24], [sflag:$0x1] =	stream.indirect.gather @!p0 [hbm4b:s3+s26], $0x20, s22, s26, $0xb8;
	[tilespmem:$0x15000] =	vst v63  }
0xc0: {  	s22 =	simm.s32 @!p0 $0xA48;
	s24 =	simm.s32 @!p0 $0xD900  }
0xc1: {  	[tilespmem:s24], [sflag:$0x1] =	stream.indirect.gather @!p0 [hbm4b:s3+s26], $0x20, s22, s26, $0xb8;
	[tilespmem:$0x15000] =	vst v63  }
0xc2: {  	_ =	swait.ge [sflag:s20], $0x700  }
0xc3: {  	[sflag:s20] =	ssyncset.done $0x0  }
0xc4: {  	[sflag:s20] =	ssyncadd.s32 $0xFFFFF900  }
0xc5: {  	_ =	swait.ge [sflag:s20], $0x700  }
0xc6: {  	[sflag:s20] =	ssyncset.done $0x0  }
0xc7: {  	[sflag:s20] =	ssyncadd.s32 $0xFFFFF900  }
0xc8: {  	_ =	swait.ge [sflag:s20], $0x700  }
0xc9: {  	[sflag:s20] =	ssyncset.done $0x0  }
0xca: {  	[sflag:s20] =	ssyncadd.s32 $0xFFFFF900  }
0xcb: {  	_ =	swait.ge [sflag:s20], $0x700  }
0xcc: {  	[sflag:s20] =	ssyncset.done $0x0  }
0xcd: {  	[sflag:s20] =	ssyncadd.s32 $0xFFFFF900  }
0xce: {  	_ =	swait.ge [sflag:s20], $0x700  }
0xcf: {  	[sflag:s20] =	ssyncset.done $0x0  }
0xd0: {  	[sflag:s20] =	ssyncadd.s32 $0xFFFFF900  }
0xd1: {  	_ =	swait.ge [sflag:s20], $0x700  }
0xd2: {  	[sflag:s20] =	ssyncset.done $0x0  }
0xd3: {  	[sflag:s20] =	ssyncadd.s32 $0xFFFFF900  }
0xd4: {  	_ =	swait.ge [sflag:s20], $0x700  }
0xd5: {  	[sflag:s20] =	ssyncset.done $0x0  }
0xd6: {  	[sflag:s20] =	ssyncadd.s32 $0xFFFFF900  }
0xd7: {  	_ =	swait.ge [sflag:s20], $0x700  }
0xd8: {  	[sflag:s20] =	ssyncset.done $0x0  }
0xd9: {  	[sflag:s20] =	ssyncadd.s32 $0xFFFFF900  }
0xda: {  	_ =	swait.ge [sflag:s20], $0x700  }
0xdb: {  	[sflag:s20] =	ssyncset.done $0x0  }
0xdc: {  	[sflag:s20] =	ssyncadd.s32 $0xFFFFF900  }
0xdd: {  	_ =	swait.ge [sflag:s20], $0x700  }
0xde: {  	[sflag:s20] =	ssyncset.done $0x0  }
0xdf: {  	[sflag:s20] =	ssyncadd.s32 $0xFFFFF900  }
0xe0: {  	_ =	swait.ge [sflag:s20], $0x700  }
0xe1: {  	[sflag:s20] =	ssyncset.done $0x0  }
0xe2: {  	[sflag:s20] =	ssyncadd.s32 $0xFFFFF900  }
0xe3: {  	_ =	swait.ge [sflag:s20], $0x700  }
0xe4: {  	[sflag:s20] =	ssyncset.done $0x0  }
0xe5: {  	[sflag:s20] =	ssyncadd.s32 $0xFFFFF900  }
0xe6: {  	_ =	swait.ge [sflag:s20], $0x700  }
0xe7: {  	[sflag:s20] =	ssyncset.done $0x0  }
0xe8: {  	[sflag:s20] =	ssyncadd.s32 $0xFFFFF900  }
0xe9: {  	_ =	swait.ge [sflag:s20], $0x700  }
0xea: {  	[sflag:s20] =	ssyncset.done $0x0  }
0xeb: {  	[sflag:s20] =	ssyncadd.s32 $0xFFFFF900  }
0xec: {  	_ =	swait.ge [sflag:s20], $0x700  }
0xed: {  	[sflag:s20] =	ssyncset.done $0x0  }
0xee: {  	[sflag:s20] =	ssyncadd.s32 $0xFFFFF900  }
0xef: {  	_ =	swait.ge [sflag:s20], $0x700  }
0xf0: {  	[sflag:s20] =	ssyncset.done $0x0  }
0xf1: {  	s24 =	sadd.s32 $0xC80, s0;
	[sflag:s20] =	ssyncadd.s32 $0xFFFFF900  }
0xf2: {  	[hbm4b:s24+s2] =	stream.linear.scatter [tilespmem:s11], [sflag:$0x3], $0x640, $0x38;
	[tilespmem:$0x15000] =	vst v63  }
0xf3: {  	s25 =	sadd.s32 $0xD48, s0  }
0xf4: {  	[hbm4b:s25+s2] =	stream.linear.scatter [tilespmem:s15], [sflag:$0x3], $0x640, $0x38;
	[tilespmem:$0x15000] =	vst v63  }
0xf5: {  	s26 =	sadd.s32 $0xE10, s0  }
0xf6: {  	[hbm4b:s26+s2] =	stream.linear.scatter [tilespmem:s19], [sflag:$0x3], $0x640, $0x38;
	[tilespmem:$0x15000] =	vst v63  }
0xf7: {  	s28 =	sadd.s32 $0xED8, s0;
	s29 =	simm.s32 $0xF500  }
0xf8: {  	[hbm4b:s28+s2] =	stream.linear.scatter [tilespmem:s29], [sflag:$0x3], $0x640, $0x38;
	[tilespmem:$0x15000] =	vst v63  }
0xf9: {  	s30 =	sadd.s32 $0xFA0, s0;
	s31 =	simm.s32 $0xFC00  }
0xfa: {  	[hbm4b:s30+s2] =	stream.linear.scatter [tilespmem:s31], [sflag:$0x3], $0x640, $0x38;
	[tilespmem:$0x15000] =	vst v63  }
0xfb: {  	s6 =	simm.s32 $0x10300;
	s5 =	sadd.s32 $0x1068, s0  }
0xfc: {  	[hbm4b:s5+s2] =	stream.linear.scatter [tilespmem:s6], [sflag:$0x3], $0x640, $0x38;
	[tilespmem:$0x15000] =	vst v63  }
0xfd: {  	s7 =	sadd.s32 $0x1130, s0;
	s9 =	simm.s32 $0x10A00  }
0xfe: {  	[hbm4b:s7+s2] =	stream.linear.scatter [tilespmem:s9], [sflag:$0x3], $0x640, $0x38;
	[tilespmem:$0x15000] =	vst v63  }
0xff: {  	s11 =	sadd.s32 $0x11F8, s0  }
0x100: {  	[hbm4b:s11+s2] =	stream.linear.scatter [tilespmem:s10], [sflag:$0x3], $0x640, $0x38;
	[tilespmem:$0x15000] =	vst v63  }
0x101: {  	s13 =	sadd.s32 $0x12C0, s0  }
0x102: {  	[hbm4b:s13+s2] =	stream.linear.scatter [tilespmem:s12], [sflag:$0x3], $0x640, $0x38;
	[tilespmem:$0x15000] =	vst v63  }
0x103: {  	s15 =	sadd.s32 $0x1388, s0  }
0x104: {  	[hbm4b:s15+s2] =	stream.linear.scatter [tilespmem:s14], [sflag:$0x3], $0x640, $0x38;
	[tilespmem:$0x15000] =	vst v63  }
0x105: {  	s17 =	sadd.s32 $0x1450, s0  }
0x106: {  	[hbm4b:s17+s2] =	stream.linear.scatter [tilespmem:s16], [sflag:$0x3], $0x640, $0x38;
	[tilespmem:$0x15000] =	vst v63  }
0x107: {  	s21 =	simm.s32 $0x12D00;
	s19 =	sadd.s32 $0x1518, s0  }
0x108: {  	[hbm4b:s19+s2] =	stream.linear.scatter [tilespmem:s21], [sflag:$0x3], $0x640, $0x38;
	[tilespmem:$0x15000] =	vst v63  }
0x109: {  	s23 =	sadd.s32 $0x15E0, s0;
	s24 =	simm.s32 $0x13400  }
0x10a: {  	[hbm4b:s23+s2] =	stream.linear.scatter [tilespmem:s24], [sflag:$0x3], $0x640, $0x38;
	[tilespmem:$0x15000] =	vst v63  }
0x10b: {  	s25 =	sadd.s32 $0x16A8, s0;
	s26 =	simm.s32 $0x13B00  }
0x10c: {  	[hbm4b:s25+s2] =	stream.linear.scatter [tilespmem:s26], [sflag:$0x3], $0x640, $0x38;
	[tilespmem:$0x15000] =	vst v63  }
0x10d: {  	s28 =	sadd.s32 $0x1770, s0;
	s29 =	simm.s32 $0x14200  }
0x10e: {  	[hbm4b:s28+s2] =	stream.linear.scatter [tilespmem:s29], [sflag:$0x3], $0x640, $0x38;
	[tilespmem:$0x15000] =	vst v63  }
0x10f: {  	s30 =	sadd.s32 $0x1838, s0;
	s31 =	simm.s32 $0x14900  }
0x110: {  	[hbm4b:s30+s2] =	stream.linear.scatter [tilespmem:s31], [sflag:$0x3], $0x640, $0x38;
	[tilespmem:$0x15000] =	vst v63  }
0x111: {  	s22 =	sadd.s32 $0x1900, s0;
	_ =	swait.ge [sflag:s1], $0x6400  }
0x112: {  	s24 =	simm.s32 $0x1C00;
	s26 =	simm.s32 $0x3800;
	[sflag:s1] =	ssyncset.done $0x0  }
.LBB2_2:
0x113: {  	s31 =	sshra.s32 s24, $0x2;
	s4 =	simm.s32 $0x3  }
0x114: {  	s29 =	smov.u32 s26;
	s26 =	sadd.s32 $0x1C00, s26;
	[sflag:s4] =	ssyncadd.s32 $0xFFFF9C00  }
0x115: {  	s11 =	simm.s32 $0xE000;
	p0 =	sne.s32 s26, $0x1C000;
	s0 =	sadd.s32 $0x380, s31  }
0x116: {  	[tilespmem:s11], [sflag:$0x2] =	stream.indirect.gather [hbm4b:s3+s8], $0x20, s0, s8, $0xb8;
	[tilespmem:$0x15000] =	vst v63  }
0x117: {  	s15 =	simm.s32 $0xE700;
	s0 =	sadd.s32 $0x3B8, s31  }
0x118: {  	[tilespmem:s15], [sflag:$0x2] =	stream.indirect.gather [hbm4b:s3+s8], $0x20, s0, s8, $0xb8;
	[tilespmem:$0x15000] =	vst v63  }
0x119: {  	s19 =	simm.s32 $0xEE00;
	s0 =	sadd.s32 $0x3F0, s31  }
0x11a: {  	[tilespmem:s19], [sflag:$0x2] =	stream.indirect.gather [hbm4b:s3+s8], $0x20, s0, s8, $0xb8;
	[tilespmem:$0x15000] =	vst v63  }
0x11b: {  	s1 =	simm.s32 $0xF500;
	s0 =	sadd.s32 $0x428, s31  }
0x11c: {  	[tilespmem:s1], [sflag:$0x2] =	stream.indirect.gather [hbm4b:s3+s8], $0x20, s0, s8, $0xb8;
	[tilespmem:$0x15000] =	vst v63  }
0x11d: {  	s5 =	simm.s32 $0xFC00;
	s0 =	sadd.s32 $0x460, s31  }
0x11e: {  	[tilespmem:s5], [sflag:$0x2] =	stream.indirect.gather [hbm4b:s3+s8], $0x20, s0, s8, $0xb8;
	[tilespmem:$0x15000] =	vst v63  }
0x11f: {  	s6 =	simm.s32 $0x10300;
	s0 =	sadd.s32 $0x498, s31  }
0x120: {  	[tilespmem:s6], [sflag:$0x2] =	stream.indirect.gather [hbm4b:s3+s8], $0x20, s0, s8, $0xb8;
	[tilespmem:$0x15000] =	vst v63  }
0x121: {  	s9 =	simm.s32 $0x10A00;
	s0 =	sadd.s32 $0x4D0, s31  }
0x122: {  	[tilespmem:s9], [sflag:$0x2] =	stream.indirect.gather [hbm4b:s3+s8], $0x20, s0, s8, $0xb8;
	[tilespmem:$0x15000] =	vst v63  }
0x123: {  	s10 =	simm.s32 $0x11100;
	s0 =	sadd.s32 $0x508, s31  }
0x124: {  	[tilespmem:s10], [sflag:$0x2] =	stream.indirect.gather [hbm4b:s3+s8], $0x20, s0, s8, $0xb8;
	[tilespmem:$0x15000] =	vst v63  }
0x125: {  	s12 =	simm.s32 $0x11800;
	s0 =	sadd.s32 $0x540, s31  }
0x126: {  	[tilespmem:s12], [sflag:$0x2] =	stream.indirect.gather [hbm4b:s3+s8], $0x20, s0, s8, $0xb8;
	[tilespmem:$0x15000] =	vst v63  }
0x127: {  	s14 =	simm.s32 $0x11F00;
	s0 =	sadd.s32 $0x578, s31  }
0x128: {  	[tilespmem:s14], [sflag:$0x2] =	stream.indirect.gather [hbm4b:s3+s8], $0x20, s0, s8, $0xb8;
	[tilespmem:$0x15000] =	vst v63  }
0x129: {  	s16 =	simm.s32 $0x12600;
	s0 =	sadd.s32 $0x5B0, s31  }
0x12a: {  	[tilespmem:s16], [sflag:$0x2] =	stream.indirect.gather [hbm4b:s3+s8], $0x20, s0, s8, $0xb8;
	[tilespmem:$0x15000] =	vst v63  }
0x12b: {  	s7 =	simm.s32 $0x12D00;
	s0 =	sadd.s32 $0x5E8, s31  }
0x12c: {  	[tilespmem:s7], [sflag:$0x2] =	stream.indirect.gather [hbm4b:s3+s8], $0x20, s0, s8, $0xb8;
	[tilespmem:$0x15000] =	vst v63  }
0x12d: {  	s1 =	simm.s32 $0x13400;
	s0 =	sadd.s32 $0x620, s31  }
0x12e: {  	[tilespmem:s1], [sflag:$0x2] =	stream.indirect.gather [hbm4b:s3+s8], $0x20, s0, s8, $0xb8;
	[tilespmem:$0x15000] =	vst v63  }
0x12f: {  	s0 =	sadd.s32 $0x658, s31;
	s1 =	simm.s32 $0x13B00  }
0x130: {  	[tilespmem:s1], [sflag:$0x2] =	stream.indirect.gather [hbm4b:s3+s8], $0x20, s0, s8, $0xb8;
	[tilespmem:$0x15000] =	vst v63  }
0x131: {  	s0 =	sadd.s32 $0x690, s31;
	s1 =	simm.s32 $0x14200  }
0x132: {  	[tilespmem:s1], [sflag:$0x2] =	stream.indirect.gather [hbm4b:s3+s8], $0x20, s0, s8, $0xb8;
	[tilespmem:$0x15000] =	vst v63  }
0x133: {  	s0 =	sadd.s32 $0x6C8, s31;
	s1 =	simm.s32 $0x14900  }
0x134: {  	[tilespmem:s1], [sflag:$0x2] =	stream.indirect.gather [hbm4b:s3+s8], $0x20, s0, s8, $0xb8;
	[tilespmem:$0x15000] =	vst v63  }
0x135: {  	_ =	swait.ge [sflag:s18], $0x700  }
0x136: {  	[sflag:s18] =	ssyncset.done $0x0  }
0x137: {  	[sflag:s18] =	ssyncadd.s32 $0xFFFFF900  }
0x138: {  	_ =	swait.ge [sflag:s18], $0x700  }
0x139: {  	[sflag:s18] =	ssyncset.done $0x0  }
0x13a: {  	[sflag:s18] =	ssyncadd.s32 $0xFFFFF900  }
0x13b: {  	_ =	swait.ge [sflag:s18], $0x700  }
0x13c: {  	[sflag:s18] =	ssyncset.done $0x0  }
0x13d: {  	[sflag:s18] =	ssyncadd.s32 $0xFFFFF900  }
0x13e: {  	_ =	swait.ge [sflag:s18], $0x700  }
0x13f: {  	[sflag:s18] =	ssyncset.done $0x0  }
0x140: {  	[sflag:s18] =	ssyncadd.s32 $0xFFFFF900  }
0x141: {  	_ =	swait.ge [sflag:s18], $0x700  }
0x142: {  	[sflag:s18] =	ssyncset.done $0x0  }
0x143: {  	[sflag:s18] =	ssyncadd.s32 $0xFFFFF900  }
0x144: {  	_ =	swait.ge [sflag:s18], $0x700  }
0x145: {  	[sflag:s18] =	ssyncset.done $0x0  }
0x146: {  	[sflag:s18] =	ssyncadd.s32 $0xFFFFF900  }
0x147: {  	_ =	swait.ge [sflag:s18], $0x700  }
0x148: {  	[sflag:s18] =	ssyncset.done $0x0  }
0x149: {  	[sflag:s18] =	ssyncadd.s32 $0xFFFFF900  }
0x14a: {  	_ =	swait.ge [sflag:s18], $0x700  }
0x14b: {  	[sflag:s18] =	ssyncset.done $0x0  }
0x14c: {  	[sflag:s18] =	ssyncadd.s32 $0xFFFFF900  }
0x14d: {  	_ =	swait.ge [sflag:s18], $0x700  }
0x14e: {  	[sflag:s18] =	ssyncset.done $0x0  }
0x14f: {  	[sflag:s18] =	ssyncadd.s32 $0xFFFFF900  }
0x150: {  	_ =	swait.ge [sflag:s18], $0x700  }
0x151: {  	[sflag:s18] =	ssyncset.done $0x0  }
0x152: {  	[sflag:s18] =	ssyncadd.s32 $0xFFFFF900  }
0x153: {  	_ =	swait.ge [sflag:s18], $0x700  }
0x154: {  	[sflag:s18] =	ssyncset.done $0x0  }
0x155: {  	[sflag:s18] =	ssyncadd.s32 $0xFFFFF900  }
0x156: {  	_ =	swait.ge [sflag:s18], $0x700  }
0x157: {  	[sflag:s18] =	ssyncset.done $0x0  }
0x158: {  	[sflag:s18] =	ssyncadd.s32 $0xFFFFF900  }
0x159: {  	_ =	swait.ge [sflag:s18], $0x700  }
0x15a: {  	[sflag:s18] =	ssyncset.done $0x0  }
0x15b: {  	[sflag:s18] =	ssyncadd.s32 $0xFFFFF900  }
0x15c: {  	_ =	swait.ge [sflag:s18], $0x700  }
0x15d: {  	[sflag:s18] =	ssyncset.done $0x0  }
0x15e: {  	[sflag:s18] =	ssyncadd.s32 $0xFFFFF900  }
0x15f: {  	_ =	swait.ge [sflag:s18], $0x700  }
0x160: {  	[sflag:s18] =	ssyncset.done $0x0  }
0x161: {  	[sflag:s18] =	ssyncadd.s32 $0xFFFFF900  }
0x162: {  	_ =	swait.ge [sflag:s18], $0x700  }
0x163: {  	[sflag:s18] =	ssyncset.done $0x0  }
0x164: {  	s0 =	simm.s32 $0x7000;
	[sflag:s18] =	ssyncadd.s32 $0xFFFFF900  }
0x165: {  	[hbm4b:s22+s2] =	stream.linear.scatter [tilespmem:s0], [sflag:$0x3], $0x640, $0x38;
	[tilespmem:$0x15000] =	vst v63  }
0x166: {  	s1 =	simm.s32 $0x7700;
	s0 =	sadd.s32 $0xC8, s22  }
0x167: {  	[hbm4b:s0+s2] =	stream.linear.scatter [tilespmem:s1], [sflag:$0x3], $0x640, $0x38;
	[tilespmem:$0x15000] =	vst v63  }
0x168: {  	s0 =	sadd.s32 $0x190, s22;
	s1 =	simm.s32 $0x7E00  }
0x169: {  	[hbm4b:s0+s2] =	stream.linear.scatter [tilespmem:s1], [sflag:$0x3], $0x640, $0x38;
	[tilespmem:$0x15000] =	vst v63  }
0x16a: {  	s0 =	sadd.s32 $0x258, s22;
	s1 =	simm.s32 $0x8500  }
0x16b: {  	[hbm4b:s0+s2] =	stream.linear.scatter [tilespmem:s1], [sflag:$0x3], $0x640, $0x38;
	[tilespmem:$0x15000] =	vst v63  }
0x16c: {  	s0 =	sadd.s32 $0x320, s22;
	s1 =	simm.s32 $0x8C00  }
0x16d: {  	[hbm4b:s0+s2] =	stream.linear.scatter [tilespmem:s1], [sflag:$0x3], $0x640, $0x38;
	[tilespmem:$0x15000] =	vst v63  }
0x16e: {  	s0 =	sadd.s32 $0x3E8, s22;
	s1 =	simm.s32 $0x9300  }
0x16f: {  	[hbm4b:s0+s2] =	stream.linear.scatter [tilespmem:s1], [sflag:$0x3], $0x640, $0x38;
	[tilespmem:$0x15000] =	vst v63  }
0x170: {  	s0 =	sadd.s32 $0x4B0, s22;
	s1 =	simm.s32 $0x9A00  }
0x171: {  	[hbm4b:s0+s2] =	stream.linear.scatter [tilespmem:s1], [sflag:$0x3], $0x640, $0x38;
	[tilespmem:$0x15000] =	vst v63  }
0x172: {  	s0 =	sadd.s32 $0x578, s22;
	s1 =	simm.s32 $0xA100  }
0x173: {  	[hbm4b:s0+s2] =	stream.linear.scatter [tilespmem:s1], [sflag:$0x3], $0x640, $0x38;
	[tilespmem:$0x15000] =	vst v63  }
0x174: {  	s0 =	sadd.s32 $0x640, s22;
	s1 =	simm.s32 $0xA800  }
0x175: {  	[hbm4b:s0+s2] =	stream.linear.scatter [tilespmem:s1], [sflag:$0x3], $0x640, $0x38;
	[tilespmem:$0x15000] =	vst v63  }
0x176: {  	s0 =	sadd.s32 $0x708, s22;
	s1 =	simm.s32 $0xAF00  }
0x177: {  	[hbm4b:s0+s2] =	stream.linear.scatter [tilespmem:s1], [sflag:$0x3], $0x640, $0x38;
	[tilespmem:$0x15000] =	vst v63  }
0x178: {  	s0 =	sadd.s32 $0x7D0, s22;
	s1 =	simm.s32 $0xB600  }
0x179: {  	[hbm4b:s0+s2] =	stream.linear.scatter [tilespmem:s1], [sflag:$0x3], $0x640, $0x38;
	[tilespmem:$0x15000] =	vst v63  }
0x17a: {  	s0 =	sadd.s32 $0x898, s22;
	s1 =	simm.s32 $0xBD00  }
0x17b: {  	[hbm4b:s0+s2] =	stream.linear.scatter [tilespmem:s1], [sflag:$0x3], $0x640, $0x38;
	[tilespmem:$0x15000] =	vst v63  }
0x17c: {  	s0 =	sadd.s32 $0x960, s22;
	s1 =	simm.s32 $0xC400  }
0x17d: {  	[hbm4b:s0+s2] =	stream.linear.scatter [tilespmem:s1], [sflag:$0x3], $0x640, $0x38;
	[tilespmem:$0x15000] =	vst v63  }
0x17e: {  	s0 =	sadd.s32 $0xA28, s22;
	s1 =	simm.s32 $0xCB00  }
0x17f: {  	[hbm4b:s0+s2] =	stream.linear.scatter [tilespmem:s1], [sflag:$0x3], $0x640, $0x38;
	[tilespmem:$0x15000] =	vst v63  }
0x180: {  	s0 =	sadd.s32 $0xAF0, s22;
	s1 =	simm.s32 $0xD200  }
0x181: {  	[hbm4b:s0+s2] =	stream.linear.scatter [tilespmem:s1], [sflag:$0x3], $0x640, $0x38;
	[tilespmem:$0x15000] =	vst v63  }
0x182: {  	s0 =	sadd.s32 $0xBB8, s22;
	s1 =	simm.s32 $0xD900  }
0x183: {  	[hbm4b:s0+s2] =	stream.linear.scatter [tilespmem:s1], [sflag:$0x3], $0x640, $0x38;
	[tilespmem:$0x15000] =	vst v63  }
0x184: {  	p1 =	seq.s32 s24, $0x1A400;
	_ =	swait.ge [sflag:s4], $0x6400  }
0x185: {  	s0 =	sshra.s32 @!p1 s24, $0x2;
	s24 =	simm.s32 @!p1 $0x7000;
	[sflag:s4] =	ssyncset.done $0x0  }
0x186: {  	s31 =	simm.s32 @!p1 $0x38;
	s13 =	sadd.s32 @!p1 $0x700, s0;
	[sflag:s4] =	ssyncadd.s32 $0xFFFF9C00  }
0x187: {  	[tilespmem:s24], [sflag:$0x1] =	stream.indirect.gather @!p1 [hbm4b:s3+s31], $0x20, s13, s31, $0xb8;
	[tilespmem:$0x15000] =	vst v63  }
0x188: {  	s17 =	sadd.s32 @!p1 $0x770, s0;
	s13 =	sadd.s32 @!p1 $0x738, s0;
	s24 =	simm.s32 @!p1 $0x7700  }
0x189: {  	[tilespmem:s24], [sflag:$0x1] =	stream.indirect.gather @!p1 [hbm4b:s3+s31], $0x20, s13, s31, $0xb8;
	[tilespmem:$0x15000] =	vst v63  }
0x18a: {  	s21 =	sadd.s32 @!p1 $0x7E0, s0;
	s13 =	simm.s32 @!p1 $0x7E00;
	s24 =	sadd.s32 @!p1 $0x7A8, s0  }
0x18b: {  	[tilespmem:s13], [sflag:$0x1] =	stream.indirect.gather @!p1 [hbm4b:s3+s31], $0x20, s17, s31, $0xb8;
	[tilespmem:$0x15000] =	vst v63  }
0x18c: {  	s23 =	sadd.s32 @!p1 $0x850, s0;
	s13 =	simm.s32 @!p1 $0x8500;
	s17 =	sadd.s32 @!p1 $0x818, s0  }
0x18d: {  	[tilespmem:s13], [sflag:$0x1] =	stream.indirect.gather @!p1 [hbm4b:s3+s31], $0x20, s24, s31, $0xb8;
	[tilespmem:$0x15000] =	vst v63  }
0x18e: {  	s25 =	sadd.s32 @!p1 $0x8C0, s0;
	s13 =	simm.s32 @!p1 $0x8C00;
	s24 =	sadd.s32 @!p1 $0x888, s0  }
0x18f: {  	[tilespmem:s13], [sflag:$0x1] =	stream.indirect.gather @!p1 [hbm4b:s3+s31], $0x20, s21, s31, $0xb8;
	[tilespmem:$0x15000] =	vst v63  }
0x190: {  	s28 =	sadd.s32 @!p1 $0x930, s0;
	s13 =	simm.s32 @!p1 $0x9300;
	s21 =	sadd.s32 @!p1 $0x8F8, s0  }
0x191: {  	[tilespmem:s13], [sflag:$0x1] =	stream.indirect.gather @!p1 [hbm4b:s3+s31], $0x20, s17, s31, $0xb8;
	[tilespmem:$0x15000] =	vst v63  }
0x192: {  	s30 =	sadd.s32 @!p1 $0x9A0, s0;
	s13 =	simm.s32 @!p1 $0x9A00;
	s17 =	sadd.s32 @!p1 $0x968, s0  }
0x193: {  	[tilespmem:s13], [sflag:$0x1] =	stream.indirect.gather @!p1 [hbm4b:s3+s31], $0x20, s23, s31, $0xb8;
	[tilespmem:$0x15000] =	vst v63  }
0x194: {  	s1 =	sadd.s32 @!p1 $0xA10, s0;
	s13 =	simm.s32 @!p1 $0xA100;
	s23 =	sadd.s32 @!p1 $0x9D8, s0  }
0x195: {  	[tilespmem:s13], [sflag:$0x1] =	stream.indirect.gather @!p1 [hbm4b:s3+s31], $0x20, s24, s31, $0xb8;
	[tilespmem:$0x15000] =	vst v63  }
0x196: {  	s0 =	sadd.s32 @!p1 $0xA48, s0;
	s13 =	simm.s32 @!p1 $0xA800;
	s24 =	smov.u32 s29  }
0x197: {  	[tilespmem:s13], [sflag:$0x1] =	stream.indirect.gather @!p1 [hbm4b:s3+s31], $0x20, s25, s31, $0xb8;
	[tilespmem:$0x15000] =	vst v63  }
0x198: {  	s13 =	simm.s32 @!p1 $0xAF00  }
0x199: {  	[tilespmem:s13], [sflag:$0x1] =	stream.indirect.gather @!p1 [hbm4b:s3+s31], $0x20, s21, s31, $0xb8;
	[tilespmem:$0x15000] =	vst v63  }
0x19a: {  	s13 =	simm.s32 @!p1 $0xB600  }
0x19b: {  	[tilespmem:s13], [sflag:$0x1] =	stream.indirect.gather @!p1 [hbm4b:s3+s31], $0x20, s28, s31, $0xb8;
	[tilespmem:$0x15000] =	vst v63  }
0x19c: {  	s13 =	simm.s32 @!p1 $0xBD00  }
0x19d: {  	[tilespmem:s13], [sflag:$0x1] =	stream.indirect.gather @!p1 [hbm4b:s3+s31], $0x20, s17, s31, $0xb8;
	[tilespmem:$0x15000] =	vst v63  }
0x19e: {  	s13 =	simm.s32 @!p1 $0xC400  }
0x19f: {  	[tilespmem:s13], [sflag:$0x1] =	stream.indirect.gather @!p1 [hbm4b:s3+s31], $0x20, s30, s31, $0xb8;
	[tilespmem:$0x15000] =	vst v63  }
0x1a0: {  	s13 =	simm.s32 @!p1 $0xCB00  }
0x1a1: {  	[tilespmem:s13], [sflag:$0x1] =	stream.indirect.gather @!p1 [hbm4b:s3+s31], $0x20, s23, s31, $0xb8;
	[tilespmem:$0x15000] =	vst v63  }
0x1a2: {  	s13 =	simm.s32 @!p1 $0xD200  }
0x1a3: {  	[tilespmem:s13], [sflag:$0x1] =	stream.indirect.gather @!p1 [hbm4b:s3+s31], $0x20, s1, s31, $0xb8;
	[tilespmem:$0x15000] =	vst v63  }
0x1a4: {  	s1 =	simm.s32 @!p1 $0xD900  }
0x1a5: {  	[tilespmem:s1], [sflag:$0x1] =	stream.indirect.gather @!p1 [hbm4b:s3+s31], $0x20, s0, s31, $0xb8;
	[tilespmem:$0x15000] =	vst v63  }
0x1a6: {  	_ =	swait.ge [sflag:s20], $0x700  }
0x1a7: {  	[sflag:s20] =	ssyncset.done $0x0  }
0x1a8: {  	[sflag:s20] =	ssyncadd.s32 $0xFFFFF900  }
0x1a9: {  	_ =	swait.ge [sflag:s20], $0x700  }
0x1aa: {  	[sflag:s20] =	ssyncset.done $0x0  }
0x1ab: {  	[sflag:s20] =	ssyncadd.s32 $0xFFFFF900  }
0x1ac: {  	_ =	swait.ge [sflag:s20], $0x700  }
0x1ad: {  	[sflag:s20] =	ssyncset.done $0x0  }
0x1ae: {  	[sflag:s20] =	ssyncadd.s32 $0xFFFFF900  }
0x1af: {  	_ =	swait.ge [sflag:s20], $0x700  }
0x1b0: {  	[sflag:s20] =	ssyncset.done $0x0  }
0x1b1: {  	[sflag:s20] =	ssyncadd.s32 $0xFFFFF900  }
0x1b2: {  	_ =	swait.ge [sflag:s20], $0x700  }
0x1b3: {  	[sflag:s20] =	ssyncset.done $0x0  }
0x1b4: {  	[sflag:s20] =	ssyncadd.s32 $0xFFFFF900  }
0x1b5: {  	_ =	swait.ge [sflag:s20], $0x700  }
0x1b6: {  	[sflag:s20] =	ssyncset.done $0x0  }
0x1b7: {  	[sflag:s20] =	ssyncadd.s32 $0xFFFFF900  }
0x1b8: {  	_ =	swait.ge [sflag:s20], $0x700  }
0x1b9: {  	[sflag:s20] =	ssyncset.done $0x0  }
0x1ba: {  	[sflag:s20] =	ssyncadd.s32 $0xFFFFF900  }
0x1bb: {  	_ =	swait.ge [sflag:s20], $0x700  }
0x1bc: {  	[sflag:s20] =	ssyncset.done $0x0  }
0x1bd: {  	[sflag:s20] =	ssyncadd.s32 $0xFFFFF900  }
0x1be: {  	_ =	swait.ge [sflag:s20], $0x700  }
0x1bf: {  	[sflag:s20] =	ssyncset.done $0x0  }
0x1c0: {  	[sflag:s20] =	ssyncadd.s32 $0xFFFFF900  }
0x1c1: {  	_ =	swait.ge [sflag:s20], $0x700  }
0x1c2: {  	[sflag:s20] =	ssyncset.done $0x0  }
0x1c3: {  	[sflag:s20] =	ssyncadd.s32 $0xFFFFF900  }
0x1c4: {  	_ =	swait.ge [sflag:s20], $0x700  }
0x1c5: {  	[sflag:s20] =	ssyncset.done $0x0  }
0x1c6: {  	[sflag:s20] =	ssyncadd.s32 $0xFFFFF900  }
0x1c7: {  	_ =	swait.ge [sflag:s20], $0x700  }
0x1c8: {  	[sflag:s20] =	ssyncset.done $0x0  }
0x1c9: {  	[sflag:s20] =	ssyncadd.s32 $0xFFFFF900  }
0x1ca: {  	_ =	swait.ge [sflag:s20], $0x700  }
0x1cb: {  	[sflag:s20] =	ssyncset.done $0x0  }
0x1cc: {  	[sflag:s20] =	ssyncadd.s32 $0xFFFFF900  }
0x1cd: {  	_ =	swait.ge [sflag:s20], $0x700  }
0x1ce: {  	[sflag:s20] =	ssyncset.done $0x0  }
0x1cf: {  	[sflag:s20] =	ssyncadd.s32 $0xFFFFF900  }
0x1d0: {  	_ =	swait.ge [sflag:s20], $0x700  }
0x1d1: {  	[sflag:s20] =	ssyncset.done $0x0  }
0x1d2: {  	[sflag:s20] =	ssyncadd.s32 $0xFFFFF900  }
0x1d3: {  	_ =	swait.ge [sflag:s20], $0x700  }
0x1d4: {  	[sflag:s20] =	ssyncset.done $0x0  }
0x1d5: {  	s0 =	sadd.s32 $0xC80, s22;
	[sflag:s20] =	ssyncadd.s32 $0xFFFFF900  }
0x1d6: {  	[hbm4b:s0+s2] =	stream.linear.scatter [tilespmem:s11], [sflag:$0x3], $0x640, $0x38;
	[tilespmem:$0x15000] =	vst v63  }
0x1d7: {  	s0 =	sadd.s32 $0xD48, s22  }
0x1d8: {  	[hbm4b:s0+s2] =	stream.linear.scatter [tilespmem:s15], [sflag:$0x3], $0x640, $0x38;
	[tilespmem:$0x15000] =	vst v63  }
0x1d9: {  	s0 =	sadd.s32 $0xE10, s22  }
0x1da: {  	[hbm4b:s0+s2] =	stream.linear.scatter [tilespmem:s19], [sflag:$0x3], $0x640, $0x38;
	[tilespmem:$0x15000] =	vst v63  }
0x1db: {  	s1 =	simm.s32 $0xF500;
	s0 =	sadd.s32 $0xED8, s22  }
0x1dc: {  	[hbm4b:s0+s2] =	stream.linear.scatter [tilespmem:s1], [sflag:$0x3], $0x640, $0x38;
	[tilespmem:$0x15000] =	vst v63  }
0x1dd: {  	s0 =	sadd.s32 $0xFA0, s22  }
0x1de: {  	[hbm4b:s0+s2] =	stream.linear.scatter [tilespmem:s5], [sflag:$0x3], $0x640, $0x38;
	[tilespmem:$0x15000] =	vst v63  }
0x1df: {  	s0 =	sadd.s32 $0x1068, s22  }
0x1e0: {  	[hbm4b:s0+s2] =	stream.linear.scatter [tilespmem:s6], [sflag:$0x3], $0x640, $0x38;
	[tilespmem:$0x15000] =	vst v63  }
0x1e1: {  	s0 =	sadd.s32 $0x1130, s22  }
0x1e2: {  	[hbm4b:s0+s2] =	stream.linear.scatter [tilespmem:s9], [sflag:$0x3], $0x640, $0x38;
	[tilespmem:$0x15000] =	vst v63  }
0x1e3: {  	s0 =	sadd.s32 $0x11F8, s22  }
0x1e4: {  	[hbm4b:s0+s2] =	stream.linear.scatter [tilespmem:s10], [sflag:$0x3], $0x640, $0x38;
	[tilespmem:$0x15000] =	vst v63  }
0x1e5: {  	s0 =	sadd.s32 $0x12C0, s22  }
0x1e6: {  	[hbm4b:s0+s2] =	stream.linear.scatter [tilespmem:s12], [sflag:$0x3], $0x640, $0x38;
	[tilespmem:$0x15000] =	vst v63  }
0x1e7: {  	s0 =	sadd.s32 $0x1388, s22  }
0x1e8: {  	[hbm4b:s0+s2] =	stream.linear.scatter [tilespmem:s14], [sflag:$0x3], $0x640, $0x38;
	[tilespmem:$0x15000] =	vst v63  }
0x1e9: {  	s0 =	sadd.s32 $0x1450, s22  }
0x1ea: {  	[hbm4b:s0+s2] =	stream.linear.scatter [tilespmem:s16], [sflag:$0x3], $0x640, $0x38;
	[tilespmem:$0x15000] =	vst v63  }
0x1eb: {  	s0 =	sadd.s32 $0x1518, s22  }
0x1ec: {  	[hbm4b:s0+s2] =	stream.linear.scatter [tilespmem:s7], [sflag:$0x3], $0x640, $0x38;
	[tilespmem:$0x15000] =	vst v63  }
0x1ed: {  	s1 =	simm.s32 $0x13400;
	s0 =	sadd.s32 $0x15E0, s22  }
0x1ee: {  	[hbm4b:s0+s2] =	stream.linear.scatter [tilespmem:s1], [sflag:$0x3], $0x640, $0x38;
	[tilespmem:$0x15000] =	vst v63  }
0x1ef: {  	s0 =	sadd.s32 $0x16A8, s22;
	s1 =	simm.s32 $0x13B00  }
0x1f0: {  	[hbm4b:s0+s2] =	stream.linear.scatter [tilespmem:s1], [sflag:$0x3], $0x640, $0x38;
	[tilespmem:$0x15000] =	vst v63  }
0x1f1: {  	s0 =	sadd.s32 $0x1770, s22;
	s1 =	simm.s32 $0x14200  }
0x1f2: {  	[hbm4b:s0+s2] =	stream.linear.scatter [tilespmem:s1], [sflag:$0x3], $0x640, $0x38;
	[tilespmem:$0x15000] =	vst v63  }
.Ltmp0:
0x1f3: {  	_ = 	snop;
	(pc) =	sbr.rel @p0 .LBB2_2-.Ltmp0, $4  }
0x1f4: {  	s0 =	sadd.s32 $0x1838, s22;
	s1 =	simm.s32 $0x14900  }
0x1f5: {  	[hbm4b:s0+s2] =	stream.linear.scatter [tilespmem:s1], [sflag:$0x3], $0x640, $0x38;
	[tilespmem:$0x15000] =	vst v63  }
0x1f6: {  	_ =	swait.ge [sflag:s4], $0x6400  }
0x1f7: {  	s22 =	sadd.s32 $0x1900, s22;
	[sflag:s4] =	ssyncset.done $0x0  }
0x1f8: {  	s0 =	sshra.s32 s24, $0x2;
	s21 =	simm.s32 $0x3  }
0x1f9: {  	s11 =	simm.s32 $0xE000;
	[sflag:s21] =	ssyncadd.s32 $0xFFFF9C00;
	s1 =	sadd.s32 $0x380, s0  }
0x1fa: {  	[tilespmem:s11], [sflag:$0x2] =	stream.indirect.gather [hbm4b:s3+s8], $0x20, s1, s8, $0xb8;
	[tilespmem:$0x15000] =	vst v63  }
0x1fb: {  	s15 =	simm.s32 $0xE700;
	s9 =	sadd.s32 $0x3B8, s0  }
0x1fc: {  	[tilespmem:s15], [sflag:$0x2] =	stream.indirect.gather [hbm4b:s3+s8], $0x20, s9, s8, $0xb8;
	[tilespmem:$0x15000] =	vst v63  }
0x1fd: {  	s19 =	simm.s32 $0xEE00;
	s10 =	sadd.s32 $0x3F0, s0  }
0x1fe: {  	[tilespmem:s19], [sflag:$0x2] =	stream.indirect.gather [hbm4b:s3+s8], $0x20, s10, s8, $0xb8;
	[tilespmem:$0x15000] =	vst v63  }
0x1ff: {  	s4 =	simm.s32 $0xF500;
	s12 =	sadd.s32 $0x428, s0  }
0x200: {  	[tilespmem:s4], [sflag:$0x2] =	stream.indirect.gather [hbm4b:s3+s8], $0x20, s12, s8, $0xb8;
	[tilespmem:$0x15000] =	vst v63  }
0x201: {  	s5 =	simm.s32 $0xFC00;
	s13 =	sadd.s32 $0x460, s0  }
0x202: {  	[tilespmem:s5], [sflag:$0x2] =	stream.indirect.gather [hbm4b:s3+s8], $0x20, s13, s8, $0xb8;
	[tilespmem:$0x15000] =	vst v63  }
0x203: {  	s6 =	simm.s32 $0x10300;
	s14 =	sadd.s32 $0x498, s0  }
0x204: {  	[tilespmem:s6], [sflag:$0x2] =	stream.indirect.gather [hbm4b:s3+s8], $0x20, s14, s8, $0xb8;
	[tilespmem:$0x15000] =	vst v63  }
0x205: {  	s16 =	sadd.s32 $0x4D0, s0;
	s9 =	simm.s32 $0x10A00  }
0x206: {  	[tilespmem:s9], [sflag:$0x2] =	stream.indirect.gather [hbm4b:s3+s8], $0x20, s16, s8, $0xb8;
	[tilespmem:$0x15000] =	vst v63  }
0x207: {  	s17 =	sadd.s32 $0x508, s0;
	s10 =	simm.s32 $0x11100  }
0x208: {  	[tilespmem:s10], [sflag:$0x2] =	stream.indirect.gather [hbm4b:s3+s8], $0x20, s17, s8, $0xb8;
	[tilespmem:$0x15000] =	vst v63  }
0x209: {  	s23 =	sadd.s32 $0x540, s0;
	s12 =	simm.s32 $0x11800  }
0x20a: {  	[tilespmem:s12], [sflag:$0x2] =	stream.indirect.gather [hbm4b:s3+s8], $0x20, s23, s8, $0xb8;
	[tilespmem:$0x15000] =	vst v63  }
0x20b: {  	s25 =	sadd.s32 $0x578, s0;
	s14 =	simm.s32 $0x11F00  }
0x20c: {  	[tilespmem:s14], [sflag:$0x2] =	stream.indirect.gather [hbm4b:s3+s8], $0x20, s25, s8, $0xb8;
	[tilespmem:$0x15000] =	vst v63  }
0x20d: {  	s26 =	sadd.s32 $0x5B0, s0;
	s16 =	simm.s32 $0x12600  }
0x20e: {  	[tilespmem:s16], [sflag:$0x2] =	stream.indirect.gather [hbm4b:s3+s8], $0x20, s26, s8, $0xb8;
	[tilespmem:$0x15000] =	vst v63  }
0x20f: {  	s7 =	simm.s32 $0x12D00;
	s28 =	sadd.s32 $0x5E8, s0  }
0x210: {  	[tilespmem:s7], [sflag:$0x2] =	stream.indirect.gather [hbm4b:s3+s8], $0x20, s28, s8, $0xb8;
	[tilespmem:$0x15000] =	vst v63  }
0x211: {  	s29 =	sadd.s32 $0x620, s0;
	s23 =	simm.s32 $0x13400  }
0x212: {  	[tilespmem:s23], [sflag:$0x2] =	stream.indirect.gather [hbm4b:s3+s8], $0x20, s29, s8, $0xb8;
	[tilespmem:$0x15000] =	vst v63  }
0x213: {  	s30 =	sadd.s32 $0x658, s0;
	s25 =	simm.s32 $0x13B00  }
0x214: {  	[tilespmem:s25], [sflag:$0x2] =	stream.indirect.gather [hbm4b:s3+s8], $0x20, s30, s8, $0xb8;
	[tilespmem:$0x15000] =	vst v63  }
0x215: {  	s31 =	sadd.s32 $0x690, s0;
	s26 =	simm.s32 $0x14200  }
0x216: {  	[tilespmem:s26], [sflag:$0x2] =	stream.indirect.gather [hbm4b:s3+s8], $0x20, s31, s8, $0xb8;
	[tilespmem:$0x15000] =	vst v63  }
0x217: {  	s0 =	sadd.s32 $0x6C8, s0;
	s28 =	simm.s32 $0x14900  }
0x218: {  	[tilespmem:s28], [sflag:$0x2] =	stream.indirect.gather [hbm4b:s3+s8], $0x20, s0, s8, $0xb8;
	[tilespmem:$0x15000] =	vst v63  }
0x219: {  	_ =	swait.ge [sflag:s18], $0x700  }
0x21a: {  	[sflag:s18] =	ssyncset.done $0x0  }
0x21b: {  	[sflag:s18] =	ssyncadd.s32 $0xFFFFF900  }
0x21c: {  	_ =	swait.ge [sflag:s18], $0x700  }
0x21d: {  	[sflag:s18] =	ssyncset.done $0x0  }
0x21e: {  	[sflag:s18] =	ssyncadd.s32 $0xFFFFF900  }
0x21f: {  	_ =	swait.ge [sflag:s18], $0x700  }
0x220: {  	[sflag:s18] =	ssyncset.done $0x0  }
0x221: {  	[sflag:s18] =	ssyncadd.s32 $0xFFFFF900  }
0x222: {  	_ =	swait.ge [sflag:s18], $0x700  }
0x223: {  	[sflag:s18] =	ssyncset.done $0x0  }
0x224: {  	[sflag:s18] =	ssyncadd.s32 $0xFFFFF900  }
0x225: {  	_ =	swait.ge [sflag:s18], $0x700  }
0x226: {  	[sflag:s18] =	ssyncset.done $0x0  }
0x227: {  	[sflag:s18] =	ssyncadd.s32 $0xFFFFF900  }
0x228: {  	_ =	swait.ge [sflag:s18], $0x700  }
0x229: {  	[sflag:s18] =	ssyncset.done $0x0  }
0x22a: {  	[sflag:s18] =	ssyncadd.s32 $0xFFFFF900  }
0x22b: {  	_ =	swait.ge [sflag:s18], $0x700  }
0x22c: {  	[sflag:s18] =	ssyncset.done $0x0  }
0x22d: {  	[sflag:s18] =	ssyncadd.s32 $0xFFFFF900  }
0x22e: {  	_ =	swait.ge [sflag:s18], $0x700  }
0x22f: {  	[sflag:s18] =	ssyncset.done $0x0  }
0x230: {  	[sflag:s18] =	ssyncadd.s32 $0xFFFFF900  }
0x231: {  	_ =	swait.ge [sflag:s18], $0x700  }
0x232: {  	[sflag:s18] =	ssyncset.done $0x0  }
0x233: {  	[sflag:s18] =	ssyncadd.s32 $0xFFFFF900  }
0x234: {  	_ =	swait.ge [sflag:s18], $0x700  }
0x235: {  	[sflag:s18] =	ssyncset.done $0x0  }
0x236: {  	[sflag:s18] =	ssyncadd.s32 $0xFFFFF900  }
0x237: {  	_ =	swait.ge [sflag:s18], $0x700  }
0x238: {  	[sflag:s18] =	ssyncset.done $0x0  }
0x239: {  	[sflag:s18] =	ssyncadd.s32 $0xFFFFF900  }
0x23a: {  	_ =	swait.ge [sflag:s18], $0x700  }
0x23b: {  	[sflag:s18] =	ssyncset.done $0x0  }
0x23c: {  	[sflag:s18] =	ssyncadd.s32 $0xFFFFF900  }
0x23d: {  	_ =	swait.ge [sflag:s18], $0x700  }
0x23e: {  	[sflag:s18] =	ssyncset.done $0x0  }
0x23f: {  	[sflag:s18] =	ssyncadd.s32 $0xFFFFF900  }
0x240: {  	_ =	swait.ge [sflag:s18], $0x700  }
0x241: {  	[sflag:s18] =	ssyncset.done $0x0  }
0x242: {  	[sflag:s18] =	ssyncadd.s32 $0xFFFFF900  }
0x243: {  	_ =	swait.ge [sflag:s18], $0x700  }
0x244: {  	[sflag:s18] =	ssyncset.done $0x0  }
0x245: {  	[sflag:s18] =	ssyncadd.s32 $0xFFFFF900  }
0x246: {  	_ =	swait.ge [sflag:s18], $0x700  }
0x247: {  	[sflag:s18] =	ssyncset.done $0x0  }
0x248: {  	s13 =	simm.s32 $0x7000;
	[sflag:s18] =	ssyncadd.s32 $0xFFFFF900  }
0x249: {  	[hbm4b:s22+s2] =	stream.linear.scatter [tilespmem:s13], [sflag:$0x3], $0x640, $0x38;
	[tilespmem:$0x15000] =	vst v63  }
0x24a: {  	s17 =	sadd.s32 $0xC8, s22;
	s29 =	simm.s32 $0x7700  }
0x24b: {  	[hbm4b:s17+s2] =	stream.linear.scatter [tilespmem:s29], [sflag:$0x3], $0x640, $0x38;
	[tilespmem:$0x15000] =	vst v63  }
0x24c: {  	s30 =	sadd.s32 $0x190, s22;
	s31 =	simm.s32 $0x7E00  }
0x24d: {  	[hbm4b:s30+s2] =	stream.linear.scatter [tilespmem:s31], [sflag:$0x3], $0x640, $0x38;
	[tilespmem:$0x15000] =	vst v63  }
0x24e: {  	s1 =	sadd.s32 $0x258, s22;
	s13 =	simm.s32 $0x8500  }
0x24f: {  	[hbm4b:s1+s2] =	stream.linear.scatter [tilespmem:s13], [sflag:$0x3], $0x640, $0x38;
	[tilespmem:$0x15000] =	vst v63  }
0x250: {  	s17 =	sadd.s32 $0x320, s22;
	s29 =	simm.s32 $0x8C00  }
0x251: {  	[hbm4b:s17+s2] =	stream.linear.scatter [tilespmem:s29], [sflag:$0x3], $0x640, $0x38;
	[tilespmem:$0x15000] =	vst v63  }
0x252: {  	s30 =	sadd.s32 $0x3E8, s22;
	s31 =	simm.s32 $0x9300  }
0x253: {  	[hbm4b:s30+s2] =	stream.linear.scatter [tilespmem:s31], [sflag:$0x3], $0x640, $0x38;
	[tilespmem:$0x15000] =	vst v63  }
0x254: {  	s1 =	sadd.s32 $0x4B0, s22;
	s13 =	simm.s32 $0x9A00  }
0x255: {  	[hbm4b:s1+s2] =	stream.linear.scatter [tilespmem:s13], [sflag:$0x3], $0x640, $0x38;
	[tilespmem:$0x15000] =	vst v63  }
0x256: {  	s17 =	sadd.s32 $0x578, s22;
	s29 =	simm.s32 $0xA100  }
0x257: {  	[hbm4b:s17+s2] =	stream.linear.scatter [tilespmem:s29], [sflag:$0x3], $0x640, $0x38;
	[tilespmem:$0x15000] =	vst v63  }
0x258: {  	s30 =	sadd.s32 $0x640, s22;
	s31 =	simm.s32 $0xA800  }
0x259: {  	[hbm4b:s30+s2] =	stream.linear.scatter [tilespmem:s31], [sflag:$0x3], $0x640, $0x38;
	[tilespmem:$0x15000] =	vst v63  }
0x25a: {  	s1 =	sadd.s32 $0x708, s22;
	s13 =	simm.s32 $0xAF00  }
0x25b: {  	[hbm4b:s1+s2] =	stream.linear.scatter [tilespmem:s13], [sflag:$0x3], $0x640, $0x38;
	[tilespmem:$0x15000] =	vst v63  }
0x25c: {  	s17 =	sadd.s32 $0x7D0, s22;
	s29 =	simm.s32 $0xB600  }
0x25d: {  	[hbm4b:s17+s2] =	stream.linear.scatter [tilespmem:s29], [sflag:$0x3], $0x640, $0x38;
	[tilespmem:$0x15000] =	vst v63  }
0x25e: {  	s30 =	sadd.s32 $0x898, s22;
	s31 =	simm.s32 $0xBD00  }
0x25f: {  	[hbm4b:s30+s2] =	stream.linear.scatter [tilespmem:s31], [sflag:$0x3], $0x640, $0x38;
	[tilespmem:$0x15000] =	vst v63  }
0x260: {  	s1 =	sadd.s32 $0x960, s22;
	s13 =	simm.s32 $0xC400  }
0x261: {  	[hbm4b:s1+s2] =	stream.linear.scatter [tilespmem:s13], [sflag:$0x3], $0x640, $0x38;
	[tilespmem:$0x15000] =	vst v63  }
0x262: {  	s17 =	sadd.s32 $0xA28, s22;
	s29 =	simm.s32 $0xCB00  }
0x263: {  	[hbm4b:s17+s2] =	stream.linear.scatter [tilespmem:s29], [sflag:$0x3], $0x640, $0x38;
	[tilespmem:$0x15000] =	vst v63  }
0x264: {  	s30 =	sadd.s32 $0xAF0, s22;
	s31 =	simm.s32 $0xD200  }
0x265: {  	[hbm4b:s30+s2] =	stream.linear.scatter [tilespmem:s31], [sflag:$0x3], $0x640, $0x38;
	[tilespmem:$0x15000] =	vst v63  }
0x266: {  	s13 =	sadd.s32 $0xBB8, s22;
	s17 =	simm.s32 $0xD900  }
0x267: {  	[hbm4b:s13+s2] =	stream.linear.scatter [tilespmem:s17], [sflag:$0x3], $0x640, $0x38;
	[tilespmem:$0x15000] =	vst v63  }
0x268: {  	p0 =	seq.s32 s24, $0x1A400;
	_ =	swait.ge [sflag:s21], $0x6400  }
0x269: {  	s0 =	sshra.s32 @!p0 s24, $0x2;
	s1 =	simm.s32 @!p0 $0x7000;
	[sflag:s21] =	ssyncset.done $0x0  }
0x26a: {  	s13 =	sadd.s32 @!p0 $0x700, s0;
	s17 =	simm.s32 @!p0 $0x38;
	[sflag:s21] =	ssyncadd.s32 $0xFFFF9C00  }
0x26b: {  	[tilespmem:s1], [sflag:$0x1] =	stream.indirect.gather @!p0 [hbm4b:s3+s17], $0x20, s13, s17, $0xb8;
	[tilespmem:$0x15000] =	vst v63  }
0x26c: {  	s1 =	sadd.s32 @!p0 $0x738, s0;
	s13 =	simm.s32 @!p0 $0x7700  }
0x26d: {  	[tilespmem:s13], [sflag:$0x1] =	stream.indirect.gather @!p0 [hbm4b:s3+s17], $0x20, s1, s17, $0xb8;
	[tilespmem:$0x15000] =	vst v63  }
0x26e: {  	s1 =	sadd.s32 @!p0 $0x770, s0;
	s13 =	simm.s32 @!p0 $0x7E00  }
0x26f: {  	[tilespmem:s13], [sflag:$0x1] =	stream.indirect.gather @!p0 [hbm4b:s3+s17], $0x20, s1, s17, $0xb8;
	[tilespmem:$0x15000] =	vst v63  }
0x270: {  	s1 =	sadd.s32 @!p0 $0x7A8, s0;
	s13 =	simm.s32 @!p0 $0x8500  }
0x271: {  	[tilespmem:s13], [sflag:$0x1] =	stream.indirect.gather @!p0 [hbm4b:s3+s17], $0x20, s1, s17, $0xb8;
	[tilespmem:$0x15000] =	vst v63  }
0x272: {  	s1 =	sadd.s32 @!p0 $0x7E0, s0;
	s13 =	simm.s32 @!p0 $0x8C00  }
0x273: {  	[tilespmem:s13], [sflag:$0x1] =	stream.indirect.gather @!p0 [hbm4b:s3+s17], $0x20, s1, s17, $0xb8;
	[tilespmem:$0x15000] =	vst v63  }
0x274: {  	s1 =	sadd.s32 @!p0 $0x818, s0;
	s13 =	simm.s32 @!p0 $0x9300  }
0x275: {  	[tilespmem:s13], [sflag:$0x1] =	stream.indirect.gather @!p0 [hbm4b:s3+s17], $0x20, s1, s17, $0xb8;
	[tilespmem:$0x15000] =	vst v63  }
0x276: {  	s1 =	sadd.s32 @!p0 $0x850, s0;
	s13 =	simm.s32 @!p0 $0x9A00  }
0x277: {  	[tilespmem:s13], [sflag:$0x1] =	stream.indirect.gather @!p0 [hbm4b:s3+s17], $0x20, s1, s17, $0xb8;
	[tilespmem:$0x15000] =	vst v63  }
0x278: {  	s1 =	sadd.s32 @!p0 $0x888, s0;
	s13 =	simm.s32 @!p0 $0xA100  }
0x279: {  	[tilespmem:s13], [sflag:$0x1] =	stream.indirect.gather @!p0 [hbm4b:s3+s17], $0x20, s1, s17, $0xb8;
	[tilespmem:$0x15000] =	vst v63  }
0x27a: {  	s1 =	sadd.s32 @!p0 $0x8C0, s0;
	s13 =	simm.s32 @!p0 $0xA800  }
0x27b: {  	[tilespmem:s13], [sflag:$0x1] =	stream.indirect.gather @!p0 [hbm4b:s3+s17], $0x20, s1, s17, $0xb8;
	[tilespmem:$0x15000] =	vst v63  }
0x27c: {  	s1 =	sadd.s32 @!p0 $0x8F8, s0;
	s13 =	simm.s32 @!p0 $0xAF00  }
0x27d: {  	[tilespmem:s13], [sflag:$0x1] =	stream.indirect.gather @!p0 [hbm4b:s3+s17], $0x20, s1, s17, $0xb8;
	[tilespmem:$0x15000] =	vst v63  }
0x27e: {  	s1 =	sadd.s32 @!p0 $0x930, s0;
	s13 =	simm.s32 @!p0 $0xB600  }
0x27f: {  	[tilespmem:s13], [sflag:$0x1] =	stream.indirect.gather @!p0 [hbm4b:s3+s17], $0x20, s1, s17, $0xb8;
	[tilespmem:$0x15000] =	vst v63  }
0x280: {  	s1 =	sadd.s32 @!p0 $0x968, s0;
	s13 =	simm.s32 @!p0 $0xBD00  }
0x281: {  	[tilespmem:s13], [sflag:$0x1] =	stream.indirect.gather @!p0 [hbm4b:s3+s17], $0x20, s1, s17, $0xb8;
	[tilespmem:$0x15000] =	vst v63  }
0x282: {  	s1 =	sadd.s32 @!p0 $0x9A0, s0;
	s13 =	simm.s32 @!p0 $0xC400  }
0x283: {  	[tilespmem:s13], [sflag:$0x1] =	stream.indirect.gather @!p0 [hbm4b:s3+s17], $0x20, s1, s17, $0xb8;
	[tilespmem:$0x15000] =	vst v63  }
0x284: {  	s1 =	sadd.s32 @!p0 $0x9D8, s0;
	s13 =	simm.s32 @!p0 $0xCB00  }
0x285: {  	[tilespmem:s13], [sflag:$0x1] =	stream.indirect.gather @!p0 [hbm4b:s3+s17], $0x20, s1, s17, $0xb8;
	[tilespmem:$0x15000] =	vst v63  }
0x286: {  	s1 =	sadd.s32 @!p0 $0xA10, s0;
	s13 =	simm.s32 @!p0 $0xD200  }
0x287: {  	[tilespmem:s13], [sflag:$0x1] =	stream.indirect.gather @!p0 [hbm4b:s3+s17], $0x20, s1, s17, $0xb8;
	[tilespmem:$0x15000] =	vst v63  }
0x288: {  	s0 =	sadd.s32 @!p0 $0xA48, s0;
	s1 =	simm.s32 @!p0 $0xD900  }
0x289: {  	[tilespmem:s1], [sflag:$0x1] =	stream.indirect.gather @!p0 [hbm4b:s3+s17], $0x20, s0, s17, $0xb8;
	[tilespmem:$0x15000] =	vst v63  }
0x28a: {  	_ =	swait.ge [sflag:s20], $0x700  }
0x28b: {  	[sflag:s20] =	ssyncset.done $0x0  }
0x28c: {  	[sflag:s20] =	ssyncadd.s32 $0xFFFFF900  }
0x28d: {  	_ =	swait.ge [sflag:s20], $0x700  }
0x28e: {  	[sflag:s20] =	ssyncset.done $0x0  }
0x28f: {  	[sflag:s20] =	ssyncadd.s32 $0xFFFFF900  }
0x290: {  	_ =	swait.ge [sflag:s20], $0x700  }
0x291: {  	[sflag:s20] =	ssyncset.done $0x0  }
0x292: {  	[sflag:s20] =	ssyncadd.s32 $0xFFFFF900  }
0x293: {  	_ =	swait.ge [sflag:s20], $0x700  }
0x294: {  	[sflag:s20] =	ssyncset.done $0x0  }
0x295: {  	[sflag:s20] =	ssyncadd.s32 $0xFFFFF900  }
0x296: {  	_ =	swait.ge [sflag:s20], $0x700  }
0x297: {  	[sflag:s20] =	ssyncset.done $0x0  }
0x298: {  	[sflag:s20] =	ssyncadd.s32 $0xFFFFF900  }
0x299: {  	_ =	swait.ge [sflag:s20], $0x700  }
0x29a: {  	[sflag:s20] =	ssyncset.done $0x0  }
0x29b: {  	[sflag:s20] =	ssyncadd.s32 $0xFFFFF900  }
0x29c: {  	_ =	swait.ge [sflag:s20], $0x700  }
0x29d: {  	[sflag:s20] =	ssyncset.done $0x0  }
0x29e: {  	[sflag:s20] =	ssyncadd.s32 $0xFFFFF900  }
0x29f: {  	_ =	swait.ge [sflag:s20], $0x700  }
0x2a0: {  	[sflag:s20] =	ssyncset.done $0x0  }
0x2a1: {  	[sflag:s20] =	ssyncadd.s32 $0xFFFFF900  }
0x2a2: {  	_ =	swait.ge [sflag:s20], $0x700  }
0x2a3: {  	[sflag:s20] =	ssyncset.done $0x0  }
0x2a4: {  	[sflag:s20] =	ssyncadd.s32 $0xFFFFF900  }
0x2a5: {  	_ =	swait.ge [sflag:s20], $0x700  }
0x2a6: {  	[sflag:s20] =	ssyncset.done $0x0  }
0x2a7: {  	[sflag:s20] =	ssyncadd.s32 $0xFFFFF900  }
0x2a8: {  	_ =	swait.ge [sflag:s20], $0x700  }
0x2a9: {  	[sflag:s20] =	ssyncset.done $0x0  }
0x2aa: {  	[sflag:s20] =	ssyncadd.s32 $0xFFFFF900  }
0x2ab: {  	_ =	swait.ge [sflag:s20], $0x700  }
0x2ac: {  	[sflag:s20] =	ssyncset.done $0x0  }
0x2ad: {  	[sflag:s20] =	ssyncadd.s32 $0xFFFFF900  }
0x2ae: {  	_ =	swait.ge [sflag:s20], $0x700  }
0x2af: {  	[sflag:s20] =	ssyncset.done $0x0  }
0x2b0: {  	[sflag:s20] =	ssyncadd.s32 $0xFFFFF900  }
0x2b1: {  	_ =	swait.ge [sflag:s20], $0x700  }
0x2b2: {  	[sflag:s20] =	ssyncset.done $0x0  }
0x2b3: {  	[sflag:s20] =	ssyncadd.s32 $0xFFFFF900  }
0x2b4: {  	_ =	swait.ge [sflag:s20], $0x700  }
0x2b5: {  	[sflag:s20] =	ssyncset.done $0x0  }
0x2b6: {  	[sflag:s20] =	ssyncadd.s32 $0xFFFFF900  }
0x2b7: {  	_ =	swait.ge [sflag:s20], $0x700  }
0x2b8: {  	[sflag:s20] =	ssyncset.done $0x0  }
0x2b9: {  	s29 =	sadd.s32 $0xC80, s22;
	[sflag:s20] =	ssyncadd.s32 $0xFFFFF900  }
0x2ba: {  	[hbm4b:s29+s2] =	stream.linear.scatter [tilespmem:s11], [sflag:$0x3], $0x640, $0x38;
	[tilespmem:$0x15000] =	vst v63  }
0x2bb: {  	s30 =	sadd.s32 $0xD48, s22  }
0x2bc: {  	[hbm4b:s30+s2] =	stream.linear.scatter [tilespmem:s15], [sflag:$0x3], $0x640, $0x38;
	[tilespmem:$0x15000] =	vst v63  }
0x2bd: {  	s31 =	sadd.s32 $0xE10, s22  }
0x2be: {  	[hbm4b:s31+s2] =	stream.linear.scatter [tilespmem:s19], [sflag:$0x3], $0x640, $0x38;
	[tilespmem:$0x15000] =	vst v63  }
0x2bf: {  	s1 =	sadd.s32 $0xED8, s22  }
0x2c0: {  	[hbm4b:s1+s2] =	stream.linear.scatter [tilespmem:s4], [sflag:$0x3], $0x640, $0x38;
	[tilespmem:$0x15000] =	vst v63  }
0x2c1: {  	s4 =	sadd.s32 $0xFA0, s22  }
0x2c2: {  	[hbm4b:s4+s2] =	stream.linear.scatter [tilespmem:s5], [sflag:$0x3], $0x640, $0x38;
	[tilespmem:$0x15000] =	vst v63  }
0x2c3: {  	s5 =	sadd.s32 $0x1068, s22  }
0x2c4: {  	[hbm4b:s5+s2] =	stream.linear.scatter [tilespmem:s6], [sflag:$0x3], $0x640, $0x38;
	[tilespmem:$0x15000] =	vst v63  }
0x2c5: {  	s6 =	sadd.s32 $0x1130, s22  }
0x2c6: {  	[hbm4b:s6+s2] =	stream.linear.scatter [tilespmem:s9], [sflag:$0x3], $0x640, $0x38;
	[tilespmem:$0x15000] =	vst v63  }
0x2c7: {  	s9 =	sadd.s32 $0x11F8, s22  }
0x2c8: {  	[hbm4b:s9+s2] =	stream.linear.scatter [tilespmem:s10], [sflag:$0x3], $0x640, $0x38;
	[tilespmem:$0x15000] =	vst v63  }
0x2c9: {  	s11 =	sadd.s32 $0x12C0, s22  }
0x2ca: {  	[hbm4b:s11+s2] =	stream.linear.scatter [tilespmem:s12], [sflag:$0x3], $0x640, $0x38;
	[tilespmem:$0x15000] =	vst v63  }
0x2cb: {  	s13 =	sadd.s32 $0x1388, s22  }
0x2cc: {  	[hbm4b:s13+s2] =	stream.linear.scatter [tilespmem:s14], [sflag:$0x3], $0x640, $0x38;
	[tilespmem:$0x15000] =	vst v63  }
0x2cd: {  	s15 =	sadd.s32 $0x1450, s22  }
0x2ce: {  	[hbm4b:s15+s2] =	stream.linear.scatter [tilespmem:s16], [sflag:$0x3], $0x640, $0x38;
	[tilespmem:$0x15000] =	vst v63  }
0x2cf: {  	s17 =	sadd.s32 $0x1518, s22  }
0x2d0: {  	[hbm4b:s17+s2] =	stream.linear.scatter [tilespmem:s7], [sflag:$0x3], $0x640, $0x38;
	[tilespmem:$0x15000] =	vst v63  }
0x2d1: {  	s19 =	sadd.s32 $0x15E0, s22  }
0x2d2: {  	[hbm4b:s19+s2] =	stream.linear.scatter [tilespmem:s23], [sflag:$0x3], $0x640, $0x38;
	[tilespmem:$0x15000] =	vst v63  }
0x2d3: {  	s24 =	sadd.s32 $0x16A8, s22  }
0x2d4: {  	[hbm4b:s24+s2] =	stream.linear.scatter [tilespmem:s25], [sflag:$0x3], $0x640, $0x38;
	[tilespmem:$0x15000] =	vst v63  }
0x2d5: {  	s25 =	sadd.s32 $0x1770, s22  }
0x2d6: {  	[hbm4b:s25+s2] =	stream.linear.scatter [tilespmem:s26], [sflag:$0x3], $0x640, $0x38;
	[tilespmem:$0x15000] =	vst v63  }
0x2d7: {  	s29 =	sadd.s32 $0x1838, s22  }
0x2d8: {  	[hbm4b:s29+s2] =	stream.linear.scatter [tilespmem:s28], [sflag:$0x3], $0x640, $0x38;
	[tilespmem:$0x15000] =	vst v63  }
0x2d9: {  	_ =	swait.ge [sflag:s21], $0x6400  }
0x2da: {  	s30 =	rddreg [dreg:$0x6]  }
0x2db: {  	s31 =	rddreg [dreg:$0x4];
	s1 =	sadd.s32 $0x1, s30  }
0x2dc: {  	p0 =	sne.s32 s1, s31  }
.Ltmp1:
0x2dd: {  	_ = 	snop;
	(pc) =	sbr.rel @p0 .LBB2_1-.Ltmp1, $3  }
0x2de: {  	_ =	sdelay $0x1  }
0x2df: {  	[sflag:s21] =	ssyncset.done $0x0  }
0x2e0: {  	[sflag:s21] =	ssyncadd.s32 $0xFFFF9C00  }
0x2e1: {  	_ =	sfence.sel $0x180000  }
0x2e2: {  	[bflag:$0x0] =	sbarrier.arrive $0xFFFF  }
0x2e3: {  	_ =	strace $0x90000047  }
0x2e4: {  	s0 =	stileid.u32;
	[bflag:$0x2] =	sbarrier.arrive $0xFFFF  }
0x2e5: {  	p0 =	sne.s32 s0, $0x0;
	s0 =	rddreg [dreg:$0x2]  }
0x2e6: {  	s0 =	sadd.s32 @!p0 $0x100000, s0  }
0x2e7: {  	[sflag:s0] =	ssyncadd.tile.s32 @!p0 $0x1;
	_ =	shalt  }
.Lfunc_end2:
_tile_overlayer_lowered:
.L_overlay_start_2:
0x2e8: {  	(tag) =	ssettag $0x2  }
0x2e9: {  	s0 =	rddreg [dreg:$0x0];
	s2 =	stileid.u32  }
0x2ea: {  	s1 =	rddreg [dreg:$0x1];
	p0 =	sne.s32 s2, $0x0  }
0x2eb: {  	s3 =	rddreg [dreg:$0x2];
	[bflag:$0x3] =	sbarrier.arrive $0xFFFF;
	s2 =	simm.s32 @!p0 $0x1C03  }
0x2ec: {  	[timem:s3], [sflag:s2] =	dma.local @!p0 [hbm:s0], s1  }
0x2ed: {  	s0 =	simm.s32 @!p0 $0x3  }
0x2ee: {  	_ =	swait.ge @!p0 [sflag:s0], s1  }
0x2ef: {  	s1 =	ssub.s32 @!p0 $0x0, s1;
	[sflag:s0] =	ssyncset.done @!p0 $0x0  }
0x2f0: {  	[sflag:s0] =	ssyncadd.s32 @!p0 s1  }
0x2f1: {  	[bflag:$0x3] =	sbarrier.arrive $0xFFFF  }
0x2f2: {  	_ =	shalt  }

// kernel: sparse-core-data-format-call.cloned.1.call-start
scs
called_computation_lowered:
.L_overlay_start_0:
0x0: {  	s2 =	sld [smem:$0x3FD9]  }
0x1: {  	s3 =	sld [smem:$0x3FFE];
	_ =	sdelay $0x1  }
0x2: {  	s1 =	srdreg.scid  }
0x3: {  	s0 =	sand.u32 $0x1, s1  }
0x4: {  	s18 =	sshll.u32 s0, $0xA;
	s2 =	sadd.s32 s3, s2  }
0x5: {  	s2 =	sadd.s32 s2, s18  }
0x6: {  	[smem:$0x3FC6] =	sst s2  }
0x7: {  	_ = 	snop  }
0x8: {  	s2 =	sld [smem:$0x3FD0];
	(tm) =	ssettm $0x1  }
0x9: {  	s19 =	sld [smem:$0x3FFB];
	_ =	sdelay $0x3  }
0xa: {  	_ =	strace s19  }
0xb: {  	s3 =	sld [smem:$0x3FFC];
	_ =	sdelay $0x3  }
0xc: {  	_ =	strace s3  }
0xd: {  	s3 =	sld [smem:$0x3FFD];
	_ =	sdelay $0x3  }
0xe: {  	_ =	strace s3  }
0xf: {  	_ =	strace $0x8FFFFFFF  }
0x10: {  	s20 =	sld [smem:$0x3FDB];
	_ =	sdelay $0x1  }
0x11: {  	s4 =	simm.s32 $_scs_section_size  }
0x12: {  	s5 =	simm.s32 $_size__tile_overlayer_lowered;
	s6 =	simm.s32 $_tile_overlayer_lowered  }
0x13: {  	s23 =	simm.s32 $0x1BFF;
	s22 =	sshll.u32 s6, $0x1;
	s3 =	sadd.s32 s4, s20  }
0x14: {  	s7 =	simm.s32 $0x0;
	s21 =	sshll.u32 s5, $0x1;
	s5 =	sadd.s32 s22, s3  }
0x15: {  	[timem:s7], [sflag:s23] =	dma.local [hbm:s5], s21  }
0x16: {  	_ =	swait.ge [sflag:s23], s21  }
0x17: {  	s4 =	ssub.s32 $0x0, s21;
	[sflag:s23] =	ssyncset.done $0x0  }
0x18: {  	[sflag:s23] =	ssyncadd.s32 s4;
	_ =	sdelay $0x1  }
0x19: {  	s24 =	simm.s32 $0x1B8B  }
0x1a: {  	_ =	swait.ge [sflag:s24], $0x1  }
0x1b: {  	[sflag:s24] =	ssyncset.done $0x0  }
0x1c: {  	s26 =	simm.s32 $0x1B8E;
	s25 =	sld [smem:$0x3FFE];
	[sflag:s24] =	ssyncadd.s32 $0xFFFFFFFF  }
0x1d: {  	s27 =	simm.s32 $execute0_lowered;
	[smem:$0x3FD2] =	sst s26  }
0x1e: {  	s5 =	sshll.u32 s27, $0x1;
	_ =	strace $0x80000049;
	[dreg:$0x1] =	wrdreg $0xFFFFFFFF  }
0x1f: {  	s28 =	simm.s32 $_size_execute0_lowered;
	s3 =	sadd.s32 s3, s5;
	[dreg:$0x0] =	wrdreg $0x0  }
0x20: {  	s5 =	sshll.u32 s28, $0x1;
	[dreg:$0x2] =	wrdreg s3  }
0x21: {  	[dreg:$0x3] =	wrdreg s5  }
0x22: {  	[dreg:$0x4] =	wrdreg $0xC0  }
0x23: {  	_ =	task [dreg:s7], $0x5FFFF  }
0x24: {  	[dreg:$0x1] =	wrdreg $0xFFFFFFFF  }
0x25: {  	[dreg:$0x0] =	wrdreg $0x60  }
0x26: {  	[dreg:$0x2] =	wrdreg s25  }
0x27: {  	[dreg:$0x3] =	wrdreg s2  }
0x28: {  	[dreg:$0x4] =	wrdreg $0x9  }
0x29: {  	_ =	task.clear_ibuf [dreg:s7], $0x5FFFF;
	_ =	strace $0x90000049  }
0x2a: {  	s29 =	simm.s32 $0x9;
	_ =	strace $0x8000004B  }
0x2b: {  	_ =	swait.ge [sflag:s29], $0x1  }
0x2c: {  	[sflag:s29] =	ssyncadd.s32 $0xFFFFFFFF  }
0x2d: {  	_ =	strace $0x9000004B  }
0x2e: {  	_ =	sfence  }
0x2f: {  	s30 =	sld [smem:$0x0];
	_ =	sdelay $0x2  }
0x30: {  	s31 =	sshll.u32 s1, $0xD;
	s1 =	sshrl.u32 s1, $0x2  }
0x31: {  	s3 =	sand.u32 $0x4000, s31;
	s1 =	sadd.s32 s1, s30  }
0x32: {  	s0 =	sor.u32 s3, s0;
	s1 =	sshll.u32 s1, $0x11  }
0x33: {  	s0 =	sor.u32 s1, s0  }
0x34: {  	s0 =	sadd.s32 $0x8F2B, s0  }
0x35: {  	[sflag:s0] =	ssyncadd.remote.s32 $0x1  }
0x36: {  	_ =	sfence.sel $0xFFFF  }
0x37: {  	[dreg:$0x0] =	wrdreg $0xFFFFFFFF;
	(pc) =	sbr.abs _section_cstart, $3  }
0x38: {  	[dreg:$0x1] =	wrdreg $0xFFFFFFFF  }
0x39: {  	_ =	task.clear_ibuf [dreg:s7], $0x2FFFF;
	_ =	strace $0x9FFFFFFF  }
0x3a: {  	(tm) =	ssettm $0x7FFFFFFF  }
0x3b: {  	_ =	shalt  }
tec
execute0_lowered:
.L_overlay_start_1:
0x0: {  	(tag) =	ssettag $0x1  }
0x1: {  	s0 =	srdreg.scid  }
0x2: {  	s1 =	sshll.u32 s0, $0x4  }
0x3: {  	s0 =	stileid.u32;
	s1 =	sand.u32 $0x10, s1  }
0x4: {  	s1 =	sor.u32 s0, s1  }
0x5: {  	s6 =	rddreg [dreg:$0x0];
	s4 =	simm.s32 $0x1;
	s2 =	sshll.u32 s1, $0x7  }
0x6: {  	s7 =	simm.s32 $0x2;
	s12 =	simm.s32 $0x0;
	s1 =	ssub.s32 $0x4000, s2  }
0x7: {  	s8 =	simm.s32 $0x20000;
	s13 =	simm.s32 $0x0;
	s3 =	sand.u32 $0xF80, s1  }
0x8: {  	s9 =	simm.s32 $0x0;
	s5 =	sshrl.u32 s1, $0xC;
	p0 =	sne.s32 s3, $0x0  }
.Ltmp0:
0x9: {  	s1 =	rddreg [dreg:$0x2];
	s4 =	simm.s32 @!p0 $0x0;
	(pc) =	sbr.rel .LBB1_1-.Ltmp0, $4  }
0xa: {  	s11 =	simm.s32 $0x0;
	s3 =	rddreg [dreg:$0x1];
	s5 =	sadd.s32 s4, s5  }
0xb: {  	_ =	strace $0x8000004A;
	s4 =	simm.s32 $0x1;
	s5 =	smul.u32 $0x32, s5  }
0xc: {  	s6 =	sadd.s32 $0xE00, s6;
	s10 =	smov.u32 s2;
	[sflag:s4] =	ssyncpa.u1 $0x0  }
0xd: {  	p0 =	por $0x0, $0x0;
	[sflag:s7] =	ssyncpa.u1 $0x0;
	s7 =	sor.u32 $0x1, s5  }
.LBB1_4:
0xe: {  	s16 =	sshll.u32 s13, $0x3;
	s17 =	sand.u32 $0x78, s13  }
0xf: {  	s30 =	sand.u32 $0xF800, s13;
	s12 =	sshll.u32 s12, $0x10;
	s16 =	sand.u32 $0x3C00, s16  }
0x10: {  	s31 =	sand.u32 $0x7, s13;
	s16 =	sor.u32 s17, s16;
	s17 =	sadd.s32 s3, s30  }
0x11: {  	s13 =	sshll.u32 s31, $0x12;
	s16 =	sshrl.u32 s16, $0x3;
	s12 =	sadd.s32 s12, s17  }
0x12: {  	[tilespmem:s15+$0x0 ss:$0x81] =	vst.msk $0xffff, v0;
	s13 =	sor.u32 $0x400, s13;
	s12 =	sadd.s32 s16, s12  }
0x13: {  	[hbm4b:s12+s13] =	stream.strided.scatter [tilespmem:s14], [sflag:$0x2], $0x1000, s8, s13, $0x20;
	[tilespmem:$0x4040] =	vst v63  }
.LBB1_5:
0x14: {  	s14 =	sadd.s32 $0x1, s9  }
0x15: {  	s12 =	sadd.s32 $0x1000, s10;
	s16 =	smov.u32 s10;
	p2 =	sgt.s32 s14, $0x31  }
0x16: {  	s16 =	smov.u32 @p2 s12  }
0x17: {  	s14 =	simm.s32 @p2 $0x0;
	p2 =	sgt.s32 s16, $0x3FFF  }
0x18: {  	s16 =	smov.u32 @p2 s2;
	p2 =	sne.s32 s11, s7  }
.Ltmp1:
0x19: {  	p1 =	slt.u32 s11, $0x2;
	(pc) =	sbr.rel @!p2 .LBB1_6-.Ltmp1, $4  }
0x1a: {  	s15 =	simm.s32 @!p1 $0x2  }
0x1b: {  	s13 =	smov.u32 s10;
	p0 =	por !p0, !p0;
	_ =	swait.ge @!p1 [sflag:s15], $0x1000  }
0x1c: {  	s12 =	smov.u32 s9;
	[sflag:s15] =	ssyncset.done @!p1 $0x0;
	s9 =	smov.u32 s14  }
0x1d: {  	s11 =	sadd.s32 $0x1, s11;
	[sflag:s15] =	ssyncadd.s32 @!p1 $0xFFFFF000;
	s10 =	smov.u32 s16  }
.LBB1_1:
0x1e: {  	p1 =	sge.u32 s11, s5  }
0x1f: {  	s14 =	sand.u32 @!p1 $0x1FFFFFF, s9  }
0x20: {  	s15 =	smulhi.u32 @!p1 $0x4924925, s14;
	_ =	sdelay $0x1  }
0x21: {  	s15 =	smul.u32 @!p1 $0x38, s15  }
0x22: {  	s16 =	sxor.u32 @!p1 $0xFFFFFFFF, s11;
	s17 =	smul.u32 @!p1 $0x380, s10  }
0x23: {  	s31 =	sadd.s32 $0xFFFFFFFF, s11;
	s16 =	sshll.u32 @!p1 s16, $0xC;
	s14 =	ssub.s32 @!p1 s14, s15  }
0x24: {  	s15 =	sand.u32 @!p1 $0x1000, s16;
	s16 =	sadd.s32 @!p1 s6, s17;
	s14 =	sshll.u32 @!p1 s14, $0x4  }
0x25: {  	s17 =	simm.s32 @!p1 $0x1C00;
	s14 =	sadd.s32 @!p1 s14, s16;
	s16 =	simm.s32 @!p1 $0x20  }
0x26: {  	[tilespmem:s15], [sflag:$0x1] =	stream.strided.gather @!p1 [hbm4b:s14+s16], $0x1000, s17, s16, $0x38;
	[tilespmem:$0x4040] =	vst v63  }
0x27: {  	p1 =	sge.u32 s31, s5  }
.Ltmp2:
0x28: {  	_ = 	snop;
	(pc) =	sbr.rel @p1 .LBB1_5-.Ltmp2, $1  }
0x29: {  	_ =	sdelay $0x3  }
0x2a: {  	s14 =	simm.s32 $0x1  }
0x2b: {  	_ =	swait.ge [sflag:s4], $0x1000;
	s14 =	simm.s32 @!p0 $0x0  }
0x2c: {  	[sflag:s4] =	ssyncset.done $0x0;
	s15 =	sshll.u32 s14, $0xC  }
0x2d: {  	[sflag:s4] =	ssyncadd.s32 $0xFFFFF000;
	s18 =	sor.u32 $0x10, s15  }
0x2e: {  	s14 =	smul.u32 $0x4080, s14;
	v1 =	vld [tilespmem:s18+$0x0]  }
0x2f: {  	s30 =	sand.u32 $0x1, s11;
	v0 =	vld [tilespmem:s18+$0xFFFFFFF0]  }
0x30: {  	s15 =	smul.u32 $0x4080, s30;
	s14 =	sshrl.u32 s14, $0x2  }
0x31: {  	s16 =	sor.u32 $0x2000, s14  }
0x32: {  	s31 =	sshrl.u32 s15, $0x2;
	s15 =	sadd.s32 $0x0, s16  }
0x33: {  	s17 =	simm.s32 $0x4;
	s18 =	sadd.s32 $0x20, s18;
	s14 =	sor.u32 $0x2000, s31;
	[tilespmem:s15+$0x810 ss:$0x81] =	vst.msk $0xffff, v1  }
.LBB1_3:
0x34: {  	v1 =	vld [tilespmem:s18+$0x0];
	p1 =	sne.s32 s17, $0x1FC;
	[tilespmem:s15+$0x0 ss:$0x81] =	vst.msk $0xffff, v0;
	s15 =	smov.u32 s17;
	s17 =	sadd.s32 $0x4, s17  }
.Ltmp3:
0x35: {  	v0 =	vld [tilespmem:s18+$0xFFFFFFF0];
	(pc) =	sbr.rel @p1 .LBB1_3-.Ltmp3, $4  }
0x36: {  	_ = 	snop  }
0x37: {  	s15 =	sshra.s32 s15, $0x2  }
0x38: {  	s15 =	sadd.s32 s15, s16  }
0x39: {  	s18 =	sadd.s32 $0x20, s18;
	[tilespmem:s15+$0x810 ss:$0x81] =	vst.msk $0xffff, v1  }
.Ltmp4:
0x3a: {  	_ = 	snop;
	(pc) =	sbr.rel .LBB1_4-.Ltmp4, $1  }
0x3b: {  	_ =	sdelay $0x3  }
.LBB1_6:
0x3c: {  	_ =	sfence.sel $0x180000  }
0x3d: {  	s2 =	simm.s32 $0x1;
	[bflag:$0x0] =	sbarrier.arrive $0xFFFF  }
0x3e: {  	s31 =	simm.s32 $0x2;
	[sflag:s2] =	ssyncpa.u1 $0x1  }
0x3f: {  	[sflag:s31] =	ssyncpa.u1 $0x1  }
0x40: {  	p0 =	sne.s32 s0, $0x0;
	_ =	strace $0x9000004A  }
0x41: {  	s0 =	sadd.s32 @!p0 $0x100000, s1;
	[bflag:$0x2] =	sbarrier.arrive $0xFFFF  }
0x42: {  	[sflag:s0] =	ssyncadd.tile.s32 @!p0 $0x1;
	_ =	shalt  }
.Lfunc_end1:
_tile_overlayer_lowered:
.L_overlay_start_2:
0x43: {  	(tag) =	ssettag $0x2  }
0x44: {  	s0 =	rddreg [dreg:$0x0];
	s2 =	stileid.u32  }
0x45: {  	s1 =	rddreg [dreg:$0x1];
	p0 =	sne.s32 s2, $0x0  }
0x46: {  	s3 =	rddreg [dreg:$0x2];
	[bflag:$0x3] =	sbarrier.arrive $0xFFFF;
	s2 =	simm.s32 @!p0 $0x1C01  }
0x47: {  	[timem:s3], [sflag:s2] =	dma.local @!p0 [hbm:s0], s1  }
0x48: {  	s0 =	simm.s32 @!p0 $0x1  }
0x49: {  	_ =	swait.ge @!p0 [sflag:s0], s1  }
0x4a: {  	s1 =	ssub.s32 @!p0 $0x0, s1;
	[sflag:s0] =	ssyncset.done @!p0 $0x0  }
0x4b: {  	[sflag:s0] =	ssyncadd.s32 @!p0 s1  }
0x4c: {  	[bflag:$0x3] =	sbarrier.arrive $0xFFFF  }
0x4d: {  	_ =	shalt  }

</sc_bundles>
